<compile_context>
chip_gen: v7x
topology: tpu7x:2x2x1
jax: 0.10.2.dev20260603
libtpu: 0.0.44.dev20260713+nightly
codegen_flags: <defaults>
</compile_context>

<pallas_src>
import functools

import jax
import jax.numpy as jnp
from jax import lax
from jax.experimental import pallas as pl
from jax.experimental.pallas import tpu as pltpu
from jax.experimental.pallas import tpu_sc as plsc

NP = 10240
DH = 128
NG = 64
NCLS = 16
BLK = 256
NWORK = 32
ECH = 128
ROWS_PER_SUB = NP // 16
ZCH = ROWS_PER_SUB // ECH


def _sc_mesh():
    return plsc.VectorSubcoreMesh(core_axis_name="c", subcore_axis_name="s")


def _make_deg_kernel(nch):
    @functools.partial(
        pl.kernel,
        out_type=jax.ShapeDtypeStruct((2, NP, DH), jnp.float32),
        mesh=_sc_mesh(),
        scratch_types=[
            pltpu.VMEM_SHARED((NP, DH), jnp.float32),
            pltpu.VMEM((ECH,), jnp.int32),
            pltpu.VMEM((ECH, DH), jnp.float32),
            pltpu.VMEM((ECH, DH), jnp.float32),
        ],
    )
    def deg_k(dst3, out, acc, dst_v, ones_v, buf_v):
        c = lax.axis_index("c")
        s = lax.axis_index("s")
        wid = s * 2 + c

        def init(i, _):
            for jj in range(DH // 16):
                ones_v[i, pl.ds(jj * 16, 16)] = jnp.ones((16,), jnp.float32)
                buf_v[i, pl.ds(jj * 16, 16)] = jnp.zeros((16,), jnp.float32)
            return 0

        lax.fori_loop(0, ECH, init, 0)

        def zacc(i, _):
            pltpu.sync_copy(buf_v, acc.at[pl.ds(s * ROWS_PER_SUB + i * ECH, ECH)])
            return 0

        lax.fori_loop(0, ZCH, zacc, 0)
        plsc.subcore_barrier()

        def chunk(j, _):
            pltpu.sync_copy(dst3.at[wid, j], dst_v)
            pltpu.sync_copy(ones_v, acc.at[dst_v], add=True)
            return 0

        lax.fori_loop(0, nch, chunk, 0)
        plsc.subcore_barrier()

        def wb(i, _):
            r0 = s * ROWS_PER_SUB + i * ECH
            pltpu.sync_copy(acc.at[pl.ds(r0, ECH)], buf_v)
            pltpu.sync_copy(buf_v, out.at[c, pl.ds(r0, ECH)])
            return 0

        lax.fori_loop(0, ZCH, wb, 0)

    return deg_k


def _make_scatter_kernel(nch):
    @functools.partial(
        pl.kernel,
        out_type=jax.ShapeDtypeStruct((2, NP, DH), jnp.float32),
        mesh=_sc_mesh(),
        scratch_types=[
            pltpu.VMEM_SHARED((NP, DH), jnp.float32),
            pltpu.VMEM((ECH,), jnp.int32),
            pltpu.VMEM((ECH,), jnp.int32),
            pltpu.VMEM((ECH, DH), jnp.float32),
            pltpu.SemaphoreType.DMA,
        ],
    )
    def scatter_k(u_hbm, src3, dst3, out, acc, src_v, dst_v, rows_v, sem):
        c = lax.axis_index("c")
        s = lax.axis_index("s")
        wid = s * 2 + c

        def zrow(i, _):
            for jj in range(DH // 16):
                rows_v[i, pl.ds(jj * 16, 16)] = jnp.zeros((16,), jnp.float32)
            return 0

        lax.fori_loop(0, ECH, zrow, 0)

        def zacc(i, _):
            pltpu.sync_copy(rows_v, acc.at[pl.ds(s * ROWS_PER_SUB + i * ECH, ECH)])
            return 0

        lax.fori_loop(0, ZCH, zacc, 0)
        plsc.subcore_barrier()

        def chunk(j, _):
            pltpu.sync_copy(src3.at[wid, j], src_v)
            pltpu.sync_copy(dst3.at[wid, j], dst_v)
            pltpu.async_copy(u_hbm.at[src_v], rows_v, sem).wait()
            pltpu.sync_copy(rows_v, acc.at[dst_v], add=True)
            return 0

        lax.fori_loop(0, nch, chunk, 0)
        plsc.subcore_barrier()

        def wb(i, _):
            r0 = s * ROWS_PER_SUB + i * ECH
            pltpu.sync_copy(acc.at[pl.ds(r0, ECH)], rows_v)
            pltpu.sync_copy(rows_v, out.at[c, pl.ds(r0, ECH)])
            return 0

        lax.fori_loop(0, ZCH, wb, 0)

    return scatter_k


def _prep_body(degp_ref, x_ref, w_ref, u_ref, dis_ref):
    deg = degp_ref[0, :, 0:1] + degp_ref[1, :, 0:1] + 1.0
    dis = lax.rsqrt(deg)
    u_ref[...] = dis * jnp.dot(x_ref[...], w_ref[...],
                               preferred_element_type=jnp.float32)
    dis_ref[...] = dis


def _layer_body(p_ref, u_ref, dis_ref, b_ref, w_ref, out_ref):
    dis = dis_ref[...]
    h = dis * (p_ref[0] + p_ref[1] + u_ref[...]) + b_ref[...]
    h = jnp.maximum(h, 0.0)
    out_ref[...] = dis * jnp.dot(h, w_ref[...],
                                 preferred_element_type=jnp.float32)


def _final_body(nblk, p_ref, u_ref, dis_ref, b_ref, batch_ref, wlin_ref,
                blin_ref, out_ref, sums_ref, cnt_ref):
    j = pl.program_id(0)

    @pl.when(j == 0)
    def _():
        sums_ref[...] = jnp.zeros((NG, DH), jnp.float32)
        cnt_ref[...] = jnp.zeros((NG, DH), jnp.float32)

    h4 = dis_ref[...] * (p_ref[0] + p_ref[1] + u_ref[...]) + b_ref[...]
    gids = lax.broadcasted_iota(jnp.int32, (BLK, NG), 1)
    onehot = (batch_ref[...] == gids).astype(jnp.float32)
    dn = (((0,), (0,)), ((), ()))
    sums_ref[...] += lax.dot_general(onehot, h4, dn,
                                     preferred_element_type=jnp.float32)
    cnt_ref[...] += lax.dot_general(onehot, jnp.ones((BLK, DH), jnp.float32),
                                    dn, preferred_element_type=jnp.float32)

    @pl.when(j == nblk - 1)
    def _():
        pooled = sums_ref[...] / jnp.maximum(cnt_ref[...], 1.0)
        out_ref[...] = jnp.dot(pooled, wlin_ref[...],
                               preferred_element_type=jnp.float32) + blin_ref[...]


def kernel(x, edge_index, batch, W1, b1, W2, b2, W3, b3, W4, b4, Wlin, blin):
    f32 = jnp.float32
    n = x.shape[0]
    e = edge_index.shape[1]
    src = edge_index[0].astype(jnp.int32)
    dst = edge_index[1].astype(jnp.int32)

    nch = -(-e // (NWORK * ECH))
    ep = NWORK * nch * ECH
    pad_e = ep - e
    src3 = jnp.concatenate([src, jnp.full((pad_e,), n, jnp.int32)]).reshape(
        NWORK, nch, ECH)
    dst3 = jnp.concatenate([dst, jnp.full((pad_e,), n, jnp.int32)]).reshape(
        NWORK, nch, ECH)

    x_pad = jnp.pad(x.astype(f32), ((0, NP - n), (0, 0)))
    batch_p = jnp.pad(batch.astype(jnp.int32), (0, NP - n),
                      constant_values=NG).reshape(NP, 1)
    b1r, b2r, b3r, b4r = (v.reshape(1, DH) for v in (b1, b2, b3, b4))
    wlin_p = jnp.pad(Wlin.astype(f32), ((0, 0), (0, DH - NCLS)))
    blin_p = jnp.pad(blin.astype(f32), (0, DH - NCLS)).reshape(1, DH)

    nblk = NP // BLK
    deg_k = _make_deg_kernel(nch)
    scat_k = _make_scatter_kernel(nch)

    degp = deg_k(dst3)

    row_spec = pl.BlockSpec((BLK, DH), lambda i: (i, 0))
    col1_spec = pl.BlockSpec((BLK, 1), lambda i: (i, 0))
    pair_spec = pl.BlockSpec((2, BLK, DH), lambda i: (0, i, 0))
    w_spec = pl.BlockSpec((DH, DH), lambda i: (0, 0))
    b_spec = pl.BlockSpec((1, DH), lambda i: (0, 0))

    u1, dis = pl.pallas_call(
        _prep_body,
        grid=(nblk,),
        in_specs=[pl.BlockSpec((2, BLK, DH), lambda i: (0, i, 0)),
                  row_spec, w_spec],
        out_specs=[row_spec, col1_spec],
        out_shape=[jax.ShapeDtypeStruct((NP, DH), f32),
                   jax.ShapeDtypeStruct((NP, 1), f32)],
    )(degp, x_pad, W1)

    layer = pl.pallas_call(
        _layer_body,
        grid=(nblk,),
        in_specs=[pair_spec, row_spec, col1_spec, b_spec, w_spec],
        out_specs=row_spec,
        out_shape=jax.ShapeDtypeStruct((NP, DH), f32),
    )

    p = scat_k(u1, src3, dst3)
    u2 = layer(p, u1, dis, b1r, W2)
    p = scat_k(u2, src3, dst3)
    u3 = layer(p, u2, dis, b2r, W3)
    p = scat_k(u3, src3, dst3)
    u4 = layer(p, u3, dis, b3r, W4)
    p = scat_k(u4, src3, dst3)

    res = pl.pallas_call(
        functools.partial(_final_body, nblk),
        grid=(nblk,),
        in_specs=[pair_spec, row_spec, col1_spec, b_spec,
                  pl.BlockSpec((BLK, 1), lambda i: (i, 0)),
                  w_spec, b_spec],
        out_specs=pl.BlockSpec((NG, DH), lambda i: (0, 0)),
        out_shape=jax.ShapeDtypeStruct((NG, DH), f32),
        scratch_shapes=[pltpu.VMEM((NG, DH), f32), pltpu.VMEM((NG, DH), f32)],
    )(p, u4, dis, b4r, batch_p, wlin_p, blin_p)

    return res[:, :NCLS]

# --- scband reference (transcript-rebuilt; emitter-appended) ---
"""Pipeline reference for scband-gcn-59356448031327 (READ-ONLY COPY).

The authoritative reference and input builder live on the scoring server;
editing this copy changes nothing except your own understanding.
"""

import jax, jax.numpy as jnp
import numpy as np

N = 10000
E = 320000
D = 128
H = 128
C = 16
G = 64


def setup_inputs(seed: int = 0) -> dict:
    key = jax.random.key(seed)
    ks = jax.random.split(key, 16)
    x = jax.random.normal(ks[0], (N, D), dtype=jnp.float32)
    edge_index = jax.random.randint(ks[1], (2, E), 0, N, dtype=jnp.int64)
    batch = jnp.sort(jax.random.randint(ks[2], (N,), 0, G, dtype=jnp.int64))
    def glorot(k, fan_in, fan_out):
        s = jnp.sqrt(6.0 / (fan_in + fan_out))
        return jax.random.uniform(k, (fan_in, fan_out), jnp.float32, -s, s)
    W1 = glorot(ks[3], D, H); b1 = jnp.zeros((H,), jnp.float32)
    W2 = glorot(ks[4], H, H); b2 = jnp.zeros((H,), jnp.float32)
    W3 = glorot(ks[5], H, H); b3 = jnp.zeros((H,), jnp.float32)
    W4 = glorot(ks[6], H, H); b4 = jnp.zeros((H,), jnp.float32)
    Wlin = glorot(ks[7], H, C); blin = jnp.zeros((C,), jnp.float32)
    return {"x": x, "edge_index": edge_index, "batch": batch,
            "W1": W1, "b1": b1, "W2": W2, "b2": b2,
            "W3": W3, "b3": b3, "W4": W4, "b4": b4,
            "Wlin": Wlin, "blin": blin}


def _gcn_layer(x, W, b, src, dst, n):
    # PyG GCNConv: add self-loops, symmetric deg^{-1/2} normalization, linear, scatter-add
    loop = jnp.arange(n, dtype=src.dtype)
    s = jnp.concatenate([src, loop])
    d = jnp.concatenate([dst, loop])
    ew = jnp.ones((s.shape[0],), dtype=x.dtype)
    deg = jax.ops.segment_sum(ew, d, num_segments=n)
    dis = jnp.where(deg > 0, deg ** -0.5, 0.0)
    norm = dis[s] * dis[d]
    h = x @ W
    msg = h[s] * norm[:, None]
    out = jax.ops.segment_sum(msg, d, num_segments=n)
    return out + b


def reference(x, edge_index, batch, W1, b1, W2, b2, W3, b3, W4, b4, Wlin, blin):
    n = x.shape[0]
    src = edge_index[0]
    dst = edge_index[1]
    h = x.astype(jnp.float32)
    h = jax.nn.relu(_gcn_layer(h, W1, b1, src, dst, n))
    h = jax.nn.relu(_gcn_layer(h, W2, b2, src, dst, n))
    h = jax.nn.relu(_gcn_layer(h, W3, b3, src, dst, n))
    h = _gcn_layer(h, W4, b4, src, dst, n)
    # global_mean_pool over batch assignment
    sums = jax.ops.segment_sum(h, batch, num_segments=G)
    cnt = jax.ops.segment_sum(jnp.ones((n,), h.dtype), batch, num_segments=G)
    pooled = sums / jnp.maximum(cnt, 1.0)[:, None]
    # dropout p=0.5 is identity in eval mode
    return pooled @ Wlin + blin

if __name__ == "__main__":
    import jax
    _d = setup_inputs()
    print(jax.jit(kernel)(*tuple(_d.values())))

</pallas_src>

<mosaic_0001>
#map = affine_map<(d0, d1) -> (0, 0, 0)>
module attributes {stable_mosaic.version = 14 : i64} {
  func.func @deg_k(%arg0: i32, %arg1: i32, %arg2: memref<32x79x128xi32, #tpu.memory_space<hbm>>, %arg3: memref<2x10240x128xf32, #tpu.memory_space<hbm>>, %arg4: memref<10240x128xf32, #tpu.memory_space<vmem_shared>>, %arg5: memref<128xi32, #tpu.memory_space<vmem>>, %arg6: memref<128x128xf32, #tpu.memory_space<vmem>>, %arg7: memref<128x128xf32, #tpu.memory_space<vmem>>) attributes {dimension_semantics = [#tpu.dimension_semantics<core_parallel>, #tpu.dimension_semantics<subcore_parallel>], iteration_bounds = array<i64: 2, 16>, scalar_prefetch = 0 : i64, scratch_operands = 4 : i64, tpu.core_type = #tpu.core_type<sc_vector_subcore>, window_params = [{transform_indices = #map}, {transform_indices = #map}]} {
    %mul3A = arith.constant 2 : i32
    %mul3A_0 = arith.muli %arg1, %mul3A : i32
    %add3A = arith.addi %mul3A_0, %arg0 : i32
    %scan3A = arith.constant 0 : i32
    %scan3A_1 = arith.constant 0 : i32
    %scan3A_2 = arith.constant 128 : i32
    %scan3A_3 = arith.addi %scan3A_1, %scan3A_2 : i32
    %scan3A_4 = arith.constant 1 : i32
    %scan3A_5 = scf.for %scan3A_29 = %scan3A_1 to %scan3A_3 step %scan3A_4 iter_args(%scan3A_30 = %scan3A) -> (i32)  : i32 {
      %broadcast_in_dim3A = arith.constant 1.000000e+00 : f32
      %broadcast_in_dim3A_31 = vector.broadcast %broadcast_in_dim3A : f32 to vector<16xf32>
      %swap3A = arith.index_cast %scan3A_29 : i32 to index
      %swap3A_32 = arith.constant 0 : index
      %swap3A_33 = tpu.vector_load %arg6[%swap3A, %swap3A_32] {strides = array<i32>} : memref<128x128xf32, #tpu.memory_space<vmem>>, vector<1x16xf32>,
      %swap3A_34 = vector.shape_cast %swap3A_33 : vector<1x16xf32> to vector<16xf32>
      %swap3A_35 = vector.shape_cast %broadcast_in_dim3A_31 : vector<16xf32> to vector<1x16xf32>
      tpu.vector_store %arg6[%swap3A, %swap3A_32], %swap3A_35 {strides = array<i32>} : memref<128x128xf32, #tpu.memory_space<vmem>>, vector<1x16xf32>,
      %broadcast_in_dim3A_36 = arith.constant 0.000000e+00 : f32
      %broadcast_in_dim3A_37 = vector.broadcast %broadcast_in_dim3A_36 : f32 to vector<16xf32>
      %swap3A_38 = arith.index_cast %scan3A_29 : i32 to index
      %swap3A_39 = arith.constant 0 : index
      %swap3A_40 = tpu.vector_load %arg7[%swap3A_38, %swap3A_39] {strides = array<i32>} : memref<128x128xf32, #tpu.memory_space<vmem>>, vector<1x16xf32>,
      %swap3A_41 = vector.shape_cast %swap3A_40 : vector<1x16xf32> to vector<16xf32>
      %swap3A_42 = vector.shape_cast %broadcast_in_dim3A_37 : vector<16xf32> to vector<1x16xf32>
      tpu.vector_store %arg7[%swap3A_38, %swap3A_39], %swap3A_42 {strides = array<i32>} : memref<128x128xf32, #tpu.memory_space<vmem>>, vector<1x16xf32>,
      %broadcast_in_dim3A_43 = arith.constant 1.000000e+00 : f32
      %broadcast_in_dim3A_44 = vector.broadcast %broadcast_in_dim3A_43 : f32 to vector<16xf32>
      %swap3A_45 = arith.index_cast %scan3A_29 : i32 to index
      %swap3A_46 = arith.constant 16 : index
      %swap3A_47 = tpu.vector_load %arg6[%swap3A_45, %swap3A_46] {strides = array<i32>} : memref<128x128xf32, #tpu.memory_space<vmem>>, vector<1x16xf32>,
      %swap3A_48 = vector.shape_cast %swap3A_47 : vector<1x16xf32> to vector<16xf32>
      %swap3A_49 = vector.shape_cast %broadcast_in_dim3A_44 : vector<16xf32> to vector<1x16xf32>
      tpu.vector_store %arg6[%swap3A_45, %swap3A_46], %swap3A_49 {strides = array<i32>} : memref<128x128xf32, #tpu.memory_space<vmem>>, vector<1x16xf32>,
      %broadcast_in_dim3A_50 = arith.constant 0.000000e+00 : f32
      %broadcast_in_dim3A_51 = vector.broadcast %broadcast_in_dim3A_50 : f32 to vector<16xf32>
      %swap3A_52 = arith.index_cast %scan3A_29 : i32 to index
      %swap3A_53 = arith.constant 16 : index
      %swap3A_54 = tpu.vector_load %arg7[%swap3A_52, %swap3A_53] {strides = array<i32>} : memref<128x128xf32, #tpu.memory_space<vmem>>, vector<1x16xf32>,
      %swap3A_55 = vector.shape_cast %swap3A_54 : vector<1x16xf32> to vector<16xf32>
      %swap3A_56 = vector.shape_cast %broadcast_in_dim3A_51 : vector<16xf32> to vector<1x16xf32>
      tpu.vector_store %arg7[%swap3A_52, %swap3A_53], %swap3A_56 {strides = array<i32>} : memref<128x128xf32, #tpu.memory_space<vmem>>, vector<1x16xf32>,
      %broadcast_in_dim3A_57 = arith.constant 1.000000e+00 : f32
      %broadcast_in_dim3A_58 = vector.broadcast %broadcast_in_dim3A_57 : f32 to vector<16xf32>
      %swap3A_59 = arith.index_cast %scan3A_29 : i32 to index
      %swap3A_60 = arith.constant 32 : index
      %swap3A_61 = tpu.vector_load %arg6[%swap3A_59, %swap3A_60] {strides = array<i32>} : memref<128x128xf32, #tpu.memory_space<vmem>>, vector<1x16xf32>,
      %swap3A_62 = vector.shape_cast %swap3A_61 : vector<1x16xf32> to vector<16xf32>
      %swap3A_63 = vector.shape_cast %broadcast_in_dim3A_58 : vector<16xf32> to vector<1x16xf32>
      tpu.vector_store %arg6[%swap3A_59, %swap3A_60], %swap3A_63 {strides = array<i32>} : memref<128x128xf32, #tpu.memory_space<vmem>>, vector<1x16xf32>,
      %broadcast_in_dim3A_64 = arith.constant 0.000000e+00 : f32
      %broadcast_in_dim3A_65 = vector.broadcast %broadcast_in_dim3A_64 : f32 to vector<16xf32>
      %swap3A_66 = arith.index_cast %scan3A_29 : i32 to index
      %swap3A_67 = arith.constant 32 : index
      %swap3A_68 = tpu.vector_load %arg7[%swap3A_66, %swap3A_67] {strides = array<i32>} : memref<128x128xf32, #tpu.memory_space<vmem>>, vector<1x16xf32>,
      %swap3A_69 = vector.shape_cast %swap3A_68 : vector<1x16xf32> to vector<16xf32>
      %swap3A_70 = vector.shape_cast %broadcast_in_dim3A_65 : vector<16xf32> to vector<1x16xf32>
      tpu.vector_store %arg7[%swap3A_66, %swap3A_67], %swap3A_70 {strides = array<i32>} : memref<128x128xf32, #tpu.memory_space<vmem>>, vector<1x16xf32>,
      %broadcast_in_dim3A_71 = arith.constant 1.000000e+00 : f32
      %broadcast_in_dim3A_72 = vector.broadcast %broadcast_in_dim3A_71 : f32 to vector<16xf32>
      %swap3A_73 = arith.index_cast %scan3A_29 : i32 to index
      %swap3A_74 = arith.constant 48 : index
      %swap3A_75 = tpu.vector_load %arg6[%swap3A_73, %swap3A_74] {strides = array<i32>} : memref<128x128xf32, #tpu.memory_space<vmem>>, vector<1x16xf32>,
      %swap3A_76 = vector.shape_cast %swap3A_75 : vector<1x16xf32> to vector<16xf32>
      %swap3A_77 = vector.shape_cast %broadcast_in_dim3A_72 : vector<16xf32> to vector<1x16xf32>
      tpu.vector_store %arg6[%swap3A_73, %swap3A_74], %swap3A_77 {strides = array<i32>} : memref<128x128xf32, #tpu.memory_space<vmem>>, vector<1x16xf32>,
      %broadcast_in_dim3A_78 = arith.constant 0.000000e+00 : f32
      %broadcast_in_dim3A_79 = vector.broadcast %broadcast_in_dim3A_78 : f32 to vector<16xf32>
      %swap3A_80 = arith.index_cast %scan3A_29 : i32 to index
      %swap3A_81 = arith.constant 48 : index
      %swap3A_82 = tpu.vector_load %arg7[%swap3A_80, %swap3A_81] {strides = array<i32>} : memref<128x128xf32, #tpu.memory_space<vmem>>, vector<1x16xf32>,
      %swap3A_83 = vector.shape_cast %swap3A_82 : vector<1x16xf32> to vector<16xf32>
      %swap3A_84 = vector.shape_cast %broadcast_in_dim3A_79 : vector<16xf32> to vector<1x16xf32>
      tpu.vector_store %arg7[%swap3A_80, %swap3A_81], %swap3A_84 {strides = array<i32>} : memref<128x128xf32, #tpu.memory_space<vmem>>, vector<1x16xf32>,
      %broadcast_in_dim3A_85 = arith.constant 1.000000e+00 : f32
      %broadcast_in_dim3A_86 = vector.broadcast %broadcast_in_dim3A_85 : f32 to vector<16xf32>
      %swap3A_87 = arith.index_cast %scan3A_29 : i32 to index
      %swap3A_88 = arith.constant 64 : index
      %swap3A_89 = tpu.vector_load %arg6[%swap3A_87, %swap3A_88] {strides = array<i32>} : memref<128x128xf32, #tpu.memory_space<vmem>>, vector<1x16xf32>,
      %swap3A_90 = vector.shape_cast %swap3A_89 : vector<1x16xf32> to vector<16xf32>
      %swap3A_91 = vector.shape_cast %broadcast_in_dim3A_86 : vector<16xf32> to vector<1x16xf32>
      tpu.vector_store %arg6[%swap3A_87, %swap3A_88], %swap3A_91 {strides = array<i32>} : memref<128x128xf32, #tpu.memory_space<vmem>>, vector<1x16xf32>,
      %broadcast_in_dim3A_92 = arith.constant 0.000000e+00 : f32
      %broadcast_in_dim3A_93 = vector.broadcast %broadcast_in_dim3A_92 : f32 to vector<16xf32>
      %swap3A_94 = arith.index_cast %scan3A_29 : i32 to index
      %swap3A_95 = arith.constant 64 : index
      %swap3A_96 = tpu.vector_load %arg7[%swap3A_94, %swap3A_95] {strides = array<i32>} : memref<128x128xf32, #tpu.memory_space<vmem>>, vector<1x16xf32>,
      %swap3A_97 = vector.shape_cast %swap3A_96 : vector<1x16xf32> to vector<16xf32>
      %swap3A_98 = vector.shape_cast %broadcast_in_dim3A_93 : vector<16xf32> to vector<1x16xf32>
      tpu.vector_store %arg7[%swap3A_94, %swap3A_95], %swap3A_98 {strides = array<i32>} : memref<128x128xf32, #tpu.memory_space<vmem>>, vector<1x16xf32>,
      %broadcast_in_dim3A_99 = arith.constant 1.000000e+00 : f32
      %broadcast_in_dim3A_100 = vector.broadcast %broadcast_in_dim3A_99 : f32 to vector<16xf32>
      %swap3A_101 = arith.index_cast %scan3A_29 : i32 to index
      %swap3A_102 = arith.constant 80 : index
      %swap3A_103 = tpu.vector_load %arg6[%swap3A_101, %swap3A_102] {strides = array<i32>} : memref<128x128xf32, #tpu.memory_space<vmem>>, vector<1x16xf32>,
      %swap3A_104 = vector.shape_cast %swap3A_103 : vector<1x16xf32> to vector<16xf32>
      %swap3A_105 = vector.shape_cast %broadcast_in_dim3A_100 : vector<16xf32> to vector<1x16xf32>
      tpu.vector_store %arg6[%swap3A_101, %swap3A_102], %swap3A_105 {strides = array<i32>} : memref<128x128xf32, #tpu.memory_space<vmem>>, vector<1x16xf32>,
      %broadcast_in_dim3A_106 = arith.constant 0.000000e+00 : f32
      %broadcast_in_dim3A_107 = vector.broadcast %broadcast_in_dim3A_106 : f32 to vector<16xf32>
      %swap3A_108 = arith.index_cast %scan3A_29 : i32 to index
      %swap3A_109 = arith.constant 80 : index
      %swap3A_110 = tpu.vector_load %arg7[%swap3A_108, %swap3A_109] {strides = array<i32>} : memref<128x128xf32, #tpu.memory_space<vmem>>, vector<1x16xf32>,
      %swap3A_111 = vector.shape_cast %swap3A_110 : vector<1x16xf32> to vector<16xf32>
      %swap3A_112 = vector.shape_cast %broadcast_in_dim3A_107 : vector<16xf32> to vector<1x16xf32>
      tpu.vector_store %arg7[%swap3A_108, %swap3A_109], %swap3A_112 {strides = array<i32>} : memref<128x128xf32, #tpu.memory_space<vmem>>, vector<1x16xf32>,
      %broadcast_in_dim3A_113 = arith.constant 1.000000e+00 : f32
      %broadcast_in_dim3A_114 = vector.broadcast %broadcast_in_dim3A_113 : f32 to vector<16xf32>
      %swap3A_115 = arith.index_cast %scan3A_29 : i32 to index
      %swap3A_116 = arith.constant 96 : index
      %swap3A_117 = tpu.vector_load %arg6[%swap3A_115, %swap3A_116] {strides = array<i32>} : memref<128x128xf32, #tpu.memory_space<vmem>>, vector<1x16xf32>,
      %swap3A_118 = vector.shape_cast %swap3A_117 : vector<1x16xf32> to vector<16xf32>
      %swap3A_119 = vector.shape_cast %broadcast_in_dim3A_114 : vector<16xf32> to vector<1x16xf32>
      tpu.vector_store %arg6[%swap3A_115, %swap3A_116], %swap3A_119 {strides = array<i32>} : memref<128x128xf32, #tpu.memory_space<vmem>>, vector<1x16xf32>,
      %broadcast_in_dim3A_120 = arith.constant 0.000000e+00 : f32
      %broadcast_in_dim3A_121 = vector.broadcast %broadcast_in_dim3A_120 : f32 to vector<16xf32>
      %swap3A_122 = arith.index_cast %scan3A_29 : i32 to index
      %swap3A_123 = arith.constant 96 : index
      %swap3A_124 = tpu.vector_load %arg7[%swap3A_122, %swap3A_123] {strides = array<i32>} : memref<128x128xf32, #tpu.memory_space<vmem>>, vector<1x16xf32>,
      %swap3A_125 = vector.shape_cast %swap3A_124 : vector<1x16xf32> to vector<16xf32>
      %swap3A_126 = vector.shape_cast %broadcast_in_dim3A_121 : vector<16xf32> to vector<1x16xf32>
      tpu.vector_store %arg7[%swap3A_122, %swap3A_123], %swap3A_126 {strides = array<i32>} : memref<128x128xf32, #tpu.memory_space<vmem>>, vector<1x16xf32>,
      %broadcast_in_dim3A_127 = arith.constant 1.000000e+00 : f32
      %broadcast_in_dim3A_128 = vector.broadcast %broadcast_in_dim3A_127 : f32 to vector<16xf32>
      %swap3A_129 = arith.index_cast %scan3A_29 : i32 to index
      %swap3A_130 = arith.constant 112 : index
      %swap3A_131 = tpu.vector_load %arg6[%swap3A_129, %swap3A_130] {strides = array<i32>} : memref<128x128xf32, #tpu.memory_space<vmem>>, vector<1x16xf32>,
      %swap3A_132 = vector.shape_cast %swap3A_131 : vector<1x16xf32> to vector<16xf32>
      %swap3A_133 = vector.shape_cast %broadcast_in_dim3A_128 : vector<16xf32> to vector<1x16xf32>
      tpu.vector_store %arg6[%swap3A_129, %swap3A_130], %swap3A_133 {strides = array<i32>} : memref<128x128xf32, #tpu.memory_space<vmem>>, vector<1x16xf32>,
      %broadcast_in_dim3A_134 = arith.constant 0.000000e+00 : f32
      %broadcast_in_dim3A_135 = vector.broadcast %broadcast_in_dim3A_134 : f32 to vector<16xf32>
      %swap3A_136 = arith.index_cast %scan3A_29 : i32 to index
      %swap3A_137 = arith.constant 112 : index
      %swap3A_138 = tpu.vector_load %arg7[%swap3A_136, %swap3A_137] {strides = array<i32>} : memref<128x128xf32, #tpu.memory_space<vmem>>, vector<1x16xf32>,
      %swap3A_139 = vector.shape_cast %swap3A_138 : vector<1x16xf32> to vector<16xf32>
      %swap3A_140 = vector.shape_cast %broadcast_in_dim3A_135 : vector<16xf32> to vector<1x16xf32>
      tpu.vector_store %arg7[%swap3A_136, %swap3A_137], %swap3A_140 {strides = array<i32>} : memref<128x128xf32, #tpu.memory_space<vmem>>, vector<1x16xf32>,
      %scan3A_141 = arith.constant 0 : i32
      scf.yield %scan3A_141 : i32
    }
    %scan3A_6 = arith.constant 128 : i32
    %scan3A_7 = arith.constant 0 : i32
    %scan3A_8 = arith.constant 0 : i32
    %scan3A_9 = arith.constant 5 : i32
    %scan3A_10 = arith.addi %scan3A_8, %scan3A_9 : i32
    %scan3A_11 = arith.constant 1 : i32
    %scan3A_12 = scf.for %scan3A_29 = %scan3A_8 to %scan3A_10 step %scan3A_11 iter_args(%scan3A_30 = %scan3A_7) -> (i32)  : i32 {
      %mul3A_31 = arith.constant 640 : i32
      %mul3A_32 = arith.muli %arg1, %mul3A_31 : i32
      %mul3A_33 = arith.constant 128 : i32
      %mul3A_34 = arith.muli %scan3A_29, %mul3A_33 : i32
      %add3A_35 = arith.addi %mul3A_32, %mul3A_34 : i32
      "tpu.region"() ({
        %run_scoped3A = tpu.sem_alloc : memref<!tpu.dma_semaphore, #tpu.memory_space<semaphore_mem>>
        %dma_start3A = arith.constant 0 : i32
        %dma_start3A_37 = tpu.memref_slice %arg4[%add3A_35, %dma_start3A] : memref<10240x128xf32, #tpu.memory_space<vmem_shared>> -> memref<128x128xf32, #tpu.memory_space<vmem_shared>>
        %dma_start3A_38 = arith.constant 0 : i32
        %dma_start3A_39 = tpu.memref_slice %arg4[%add3A_35, %dma_start3A_38] : memref<10240x128xf32, #tpu.memory_space<vmem_shared>> -> memref<128x128xf32, #tpu.memory_space<vmem_shared>>
        tpu.enqueue_dma source(%arg7 : memref<128x128xf32, #tpu.memory_space<vmem>>) target(%dma_start3A_39 : memref<128x128xf32, #tpu.memory_space<vmem_shared>>) target_semaphore(%run_scoped3A : memref<!tpu.dma_semaphore, #tpu.memory_space<semaphore_mem>>)
        %dma_wait3A = arith.constant 0 : i32
        %dma_wait3A_40 = tpu.memref_slice %arg4[%add3A_35, %dma_wait3A] : memref<10240x128xf32, #tpu.memory_space<vmem_shared>> -> memref<128x128xf32, #tpu.memory_space<vmem_shared>>
        %dma_wait3A_41 = arith.constant 0 : i32
        %dma_wait3A_42 = tpu.memref_slice %arg4[%add3A_35, %dma_wait3A_41] : memref<10240x128xf32, #tpu.memory_space<vmem_shared>> -> memref<128x128xf32, #tpu.memory_space<vmem_shared>>
        tpu.wait_dma2 semaphore(%run_scoped3A : memref<!tpu.dma_semaphore, #tpu.memory_space<semaphore_mem>>) src(%arg7 : memref<128x128xf32, #tpu.memory_space<vmem>>) dst(%dma_wait3A_42 : memref<128x128xf32, #tpu.memory_space<vmem_shared>>)
        tpu.yield
      }) : () -> ()
      %scan3A_36 = arith.constant 0 : i32
      scf.yield %scan3A_36 : i32
    }
    %scan3A_13 = arith.constant 5 : i32
    %barrier3A = arith.constant 0 : index
    tpu.barrier barrier_id(%barrier3A)
    %scan3A_14 = arith.constant 0 : i32
    %scan3A_15 = arith.constant 0 : i32
    %scan3A_16 = arith.constant 79 : i32
    %scan3A_17 = arith.addi %scan3A_15, %scan3A_16 : i32
    %scan3A_18 = arith.constant 1 : i32
    %scan3A_19 = scf.for %scan3A_29 = %scan3A_15 to %scan3A_17 step %scan3A_18 iter_args(%scan3A_30 = %scan3A_14) -> (i32)  : i32 {
      "tpu.region"() ({
        %run_scoped3A = tpu.sem_alloc : memref<!tpu.dma_semaphore, #tpu.memory_space<semaphore_mem>>
        %dma_start3A = arith.constant 0 : i32
        %dma_start3A_32 = tpu.memref_slice %arg2[%add3A, %scan3A_29, %dma_start3A] : memref<32x79x128xi32, #tpu.memory_space<hbm>> -> memref<1x1x128xi32, #tpu.memory_space<hbm>>
        %dma_start3A_33 = tpu.memref_squeeze %dma_start3A_32 : memref<1x1x128xi32, #tpu.memory_space<hbm>> -> memref<128xi32, #tpu.memory_space<hbm>>
        %dma_start3A_34 = arith.constant 0 : i32
        %dma_start3A_35 = tpu.memref_slice %arg2[%add3A, %scan3A_29, %dma_start3A_34] : memref<32x79x128xi32, #tpu.memory_space<hbm>> -> memref<1x1x128xi32, #tpu.memory_space<hbm>>
        %dma_start3A_36 = tpu.memref_squeeze %dma_start3A_35 : memref<1x1x128xi32, #tpu.memory_space<hbm>> -> memref<128xi32, #tpu.memory_space<hbm>>
        tpu.enqueue_dma source(%dma_start3A_36 : memref<128xi32, #tpu.memory_space<hbm>>) target(%arg5 : memref<128xi32, #tpu.memory_space<vmem>>) target_semaphore(%run_scoped3A : memref<!tpu.dma_semaphore, #tpu.memory_space<semaphore_mem>>)
        %dma_wait3A = arith.constant 0 : i32
        %dma_wait3A_37 = tpu.memref_slice %arg2[%add3A, %scan3A_29, %dma_wait3A] : memref<32x79x128xi32, #tpu.memory_space<hbm>> -> memref<1x1x128xi32, #tpu.memory_space<hbm>>
        %dma_wait3A_38 = tpu.memref_squeeze %dma_wait3A_37 : memref<1x1x128xi32, #tpu.memory_space<hbm>> -> memref<128xi32, #tpu.memory_space<hbm>>
        %dma_wait3A_39 = arith.constant 0 : i32
        %dma_wait3A_40 = tpu.memref_slice %arg2[%add3A, %scan3A_29, %dma_wait3A_39] : memref<32x79x128xi32, #tpu.memory_space<hbm>> -> memref<1x1x128xi32, #tpu.memory_space<hbm>>
        %dma_wait3A_41 = tpu.memref_squeeze %dma_wait3A_40 : memref<1x1x128xi32, #tpu.memory_space<hbm>> -> memref<128xi32, #tpu.memory_space<hbm>>
        tpu.wait_dma2 semaphore(%run_scoped3A : memref<!tpu.dma_semaphore, #tpu.memory_space<semaphore_mem>>) src(%dma_wait3A_41 : memref<128xi32, #tpu.memory_space<hbm>>) dst(%arg5 : memref<128xi32, #tpu.memory_space<vmem>>)
        tpu.yield
      }) : () -> ()
      "tpu.region"() ({
        %run_scoped3A = tpu.sem_alloc : memref<!tpu.dma_semaphore, #tpu.memory_space<semaphore_mem>>
        %dma_start3A = arith.constant 0 : i32
        %dma_start3A_32 = arith.constant 0 : i32
        %dma_start3A_33 = tpu.memref_slice %arg4[%dma_start3A, %dma_start3A_32] : memref<10240x128xf32, #tpu.memory_space<vmem_shared>> -> memref<10240x128xf32, #tpu.memory_space<vmem_shared>>
        tpu.enqueue_indirect_dma source(%arg6 : memref<128x128xf32, #tpu.memory_space<vmem>>) target(%dma_start3A_33 : memref<10240x128xf32, #tpu.memory_space<vmem_shared>>) offsets(%arg5 : memref<128xi32, #tpu.memory_space<vmem>>) semaphore(%run_scoped3A : memref<!tpu.dma_semaphore, #tpu.memory_space<semaphore_mem>>) {add = true}
        %dma_wait3A = arith.constant 0 : i32
        %dma_wait3A_34 = arith.constant 0 : i32
        %dma_wait3A_35 = tpu.memref_slice %arg4[%dma_wait3A, %dma_wait3A_34] : memref<10240x128xf32, #tpu.memory_space<vmem_shared>> -> memref<10240x128xf32, #tpu.memory_space<vmem_shared>>
        tpu.wait_indirect_dma semaphore(%run_scoped3A : memref<!tpu.dma_semaphore, #tpu.memory_space<semaphore_mem>>) src(%arg6 : memref<128x128xf32, #tpu.memory_space<vmem>>) dst(%dma_wait3A_35 : memref<10240x128xf32, #tpu.memory_space<vmem_shared>>)
        tpu.yield
      }) : () -> ()
      %scan3A_31 = arith.constant 0 : i32
      scf.yield %scan3A_31 : i32
    }
    %scan3A_20 = arith.constant 79 : i32
    %barrier3A_21 = arith.constant 0 : index
    tpu.barrier barrier_id(%barrier3A_21)
    %scan3A_22 = arith.constant 0 : i32
    %scan3A_23 = arith.constant 0 : i32
    %scan3A_24 = arith.constant 5 : i32
    %scan3A_25 = arith.addi %scan3A_23, %scan3A_24 : i32
    %scan3A_26 = arith.constant 1 : i32
    %scan3A_27 = scf.for %scan3A_29 = %scan3A_23 to %scan3A_25 step %scan3A_26 iter_args(%scan3A_30 = %scan3A_22) -> (i32)  : i32 {
      %mul3A_31 = arith.constant 640 : i32
      %mul3A_32 = arith.muli %arg1, %mul3A_31 : i32
      %mul3A_33 = arith.constant 128 : i32
      %mul3A_34 = arith.muli %scan3A_29, %mul3A_33 : i32
      %add3A_35 = arith.addi %mul3A_32, %mul3A_34 : i32
      "tpu.region"() ({
        %run_scoped3A = tpu.sem_alloc : memref<!tpu.dma_semaphore, #tpu.memory_space<semaphore_mem>>
        %dma_start3A = arith.constant 0 : i32
        %dma_start3A_37 = tpu.memref_slice %arg4[%add3A_35, %dma_start3A] : memref<10240x128xf32, #tpu.memory_space<vmem_shared>> -> memref<128x128xf32, #tpu.memory_space<vmem_shared>>
        %dma_start3A_38 = arith.constant 0 : i32
        %dma_start3A_39 = tpu.memref_slice %arg4[%add3A_35, %dma_start3A_38] : memref<10240x128xf32, #tpu.memory_space<vmem_shared>> -> memref<128x128xf32, #tpu.memory_space<vmem_shared>>
        tpu.enqueue_dma source(%dma_start3A_39 : memref<128x128xf32, #tpu.memory_space<vmem_shared>>) target(%arg7 : memref<128x128xf32, #tpu.memory_space<vmem>>) target_semaphore(%run_scoped3A : memref<!tpu.dma_semaphore, #tpu.memory_space<semaphore_mem>>)
        %dma_wait3A = arith.constant 0 : i32
        %dma_wait3A_40 = tpu.memref_slice %arg4[%add3A_35, %dma_wait3A] : memref<10240x128xf32, #tpu.memory_space<vmem_shared>> -> memref<128x128xf32, #tpu.memory_space<vmem_shared>>
        %dma_wait3A_41 = arith.constant 0 : i32
        %dma_wait3A_42 = tpu.memref_slice %arg4[%add3A_35, %dma_wait3A_41] : memref<10240x128xf32, #tpu.memory_space<vmem_shared>> -> memref<128x128xf32, #tpu.memory_space<vmem_shared>>
        tpu.wait_dma2 semaphore(%run_scoped3A : memref<!tpu.dma_semaphore, #tpu.memory_space<semaphore_mem>>) src(%dma_wait3A_42 : memref<128x128xf32, #tpu.memory_space<vmem_shared>>) dst(%arg7 : memref<128x128xf32, #tpu.memory_space<vmem>>)
        tpu.yield
      }) : () -> ()
      "tpu.region"() ({
        %run_scoped3A = tpu.sem_alloc : memref<!tpu.dma_semaphore, #tpu.memory_space<semaphore_mem>>
        %dma_start3A = arith.constant 0 : i32
        %dma_start3A_37 = tpu.memref_slice %arg3[%arg0, %add3A_35, %dma_start3A] : memref<2x10240x128xf32, #tpu.memory_space<hbm>> -> memref<1x128x128xf32, #tpu.memory_space<hbm>>
        %dma_start3A_38 = tpu.memref_squeeze %dma_start3A_37 : memref<1x128x128xf32, #tpu.memory_space<hbm>> -> memref<128x128xf32, #tpu.memory_space<hbm>>
        %dma_start3A_39 = arith.constant 0 : i32
        %dma_start3A_40 = tpu.memref_slice %arg3[%arg0, %add3A_35, %dma_start3A_39] : memref<2x10240x128xf32, #tpu.memory_space<hbm>> -> memref<1x128x128xf32, #tpu.memory_space<hbm>>
        %dma_start3A_41 = tpu.memref_squeeze %dma_start3A_40 : memref<1x128x128xf32, #tpu.memory_space<hbm>> -> memref<128x128xf32, #tpu.memory_space<hbm>>
        tpu.enqueue_dma source(%arg7 : memref<128x128xf32, #tpu.memory_space<vmem>>) target(%dma_start3A_41 : memref<128x128xf32, #tpu.memory_space<hbm>>) target_semaphore(%run_scoped3A : memref<!tpu.dma_semaphore, #tpu.memory_space<semaphore_mem>>)
        %dma_wait3A = arith.constant 0 : i32
        %dma_wait3A_42 = tpu.memref_slice %arg3[%arg0, %add3A_35, %dma_wait3A] : memref<2x10240x128xf32, #tpu.memory_space<hbm>> -> memref<1x128x128xf32, #tpu.memory_space<hbm>>
        %dma_wait3A_43 = tpu.memref_squeeze %dma_wait3A_42 : memref<1x128x128xf32, #tpu.memory_space<hbm>> -> memref<128x128xf32, #tpu.memory_space<hbm>>
        %dma_wait3A_44 = arith.constant 0 : i32
        %dma_wait3A_45 = tpu.memref_slice %arg3[%arg0, %add3A_35, %dma_wait3A_44] : memref<2x10240x128xf32, #tpu.memory_space<hbm>> -> memref<1x128x128xf32, #tpu.memory_space<hbm>>
        %dma_wait3A_46 = tpu.memref_squeeze %dma_wait3A_45 : memref<1x128x128xf32, #tpu.memory_space<hbm>> -> memref<128x128xf32, #tpu.memory_space<hbm>>
        tpu.wait_dma2 semaphore(%run_scoped3A : memref<!tpu.dma_semaphore, #tpu.memory_space<semaphore_mem>>) src(%arg7 : memref<128x128xf32, #tpu.memory_space<vmem>>) dst(%dma_wait3A_46 : memref<128x128xf32, #tpu.memory_space<hbm>>)
        tpu.yield
      }) : () -> ()
      %scan3A_36 = arith.constant 0 : i32
      scf.yield %scan3A_36 : i32
    }
    %scan3A_28 = arith.constant 5 : i32
    return
  }
}

#map = affine_map<(d0, d1) -> (0, 0)>
#map1 = affine_map<(d0, d1) -> (0, 0, 0)>
module attributes {stable_mosaic.version = 14 : i64} {
  func.func @scatter_k(%arg0: i32, %arg1: i32, %arg2: memref<10240x128xf32, #tpu.memory_space<hbm>>, %arg3: memref<32x79x128xi32, #tpu.memory_space<hbm>>, %arg4: memref<32x79x128xi32, #tpu.memory_space<hbm>>, %arg5: memref<2x10240x128xf32, #tpu.memory_space<hbm>>, %arg6: memref<10240x128xf32, #tpu.memory_space<vmem_shared>>, %arg7: memref<128xi32, #tpu.memory_space<vmem>>, %arg8: memref<128xi32, #tpu.memory_space<vmem>>, %arg9: memref<128x128xf32, #tpu.memory_space<vmem>>, %arg10: memref<!tpu.dma_semaphore, #tpu.memory_space<semaphore_mem>>) attributes {dimension_semantics = [#tpu.dimension_semantics<core_parallel>, #tpu.dimension_semantics<subcore_parallel>], iteration_bounds = array<i64: 2, 16>, scalar_prefetch = 0 : i64, scratch_operands = 5 : i64, tpu.core_type = #tpu.core_type<sc_vector_subcore>, window_params = [{transform_indices = #map}, {transform_indices = #map1}, {transform_indices = #map1}, {transform_indices = #map1}]} {
    %mul3A = arith.constant 2 : i32
    %mul3A_0 = arith.muli %arg1, %mul3A : i32
    %add3A = arith.addi %mul3A_0, %arg0 : i32
    %scan3A = arith.constant 0 : i32
    %scan3A_1 = arith.constant 0 : i32
    %scan3A_2 = arith.constant 128 : i32
    %scan3A_3 = arith.addi %scan3A_1, %scan3A_2 : i32
    %scan3A_4 = arith.constant 1 : i32
    %scan3A_5 = scf.for %scan3A_29 = %scan3A_1 to %scan3A_3 step %scan3A_4 iter_args(%scan3A_30 = %scan3A) -> (i32)  : i32 {
      %broadcast_in_dim3A = arith.constant 0.000000e+00 : f32
      %broadcast_in_dim3A_31 = vector.broadcast %broadcast_in_dim3A : f32 to vector<16xf32>
      %swap3A = arith.index_cast %scan3A_29 : i32 to index
      %swap3A_32 = arith.constant 0 : index
      %swap3A_33 = tpu.vector_load %arg9[%swap3A, %swap3A_32] {strides = array<i32>} : memref<128x128xf32, #tpu.memory_space<vmem>>, vector<1x16xf32>,
      %swap3A_34 = vector.shape_cast %swap3A_33 : vector<1x16xf32> to vector<16xf32>
      %swap3A_35 = vector.shape_cast %broadcast_in_dim3A_31 : vector<16xf32> to vector<1x16xf32>
      tpu.vector_store %arg9[%swap3A, %swap3A_32], %swap3A_35 {strides = array<i32>} : memref<128x128xf32, #tpu.memory_space<vmem>>, vector<1x16xf32>,
      %broadcast_in_dim3A_36 = arith.constant 0.000000e+00 : f32
      %broadcast_in_dim3A_37 = vector.broadcast %broadcast_in_dim3A_36 : f32 to vector<16xf32>
      %swap3A_38 = arith.index_cast %scan3A_29 : i32 to index
      %swap3A_39 = arith.constant 16 : index
      %swap3A_40 = tpu.vector_load %arg9[%swap3A_38, %swap3A_39] {strides = array<i32>} : memref<128x128xf32, #tpu.memory_space<vmem>>, vector<1x16xf32>,
      %swap3A_41 = vector.shape_cast %swap3A_40 : vector<1x16xf32> to vector<16xf32>
      %swap3A_42 = vector.shape_cast %broadcast_in_dim3A_37 : vector<16xf32> to vector<1x16xf32>
      tpu.vector_store %arg9[%swap3A_38, %swap3A_39], %swap3A_42 {strides = array<i32>} : memref<128x128xf32, #tpu.memory_space<vmem>>, vector<1x16xf32>,
      %broadcast_in_dim3A_43 = arith.constant 0.000000e+00 : f32
      %broadcast_in_dim3A_44 = vector.broadcast %broadcast_in_dim3A_43 : f32 to vector<16xf32>
      %swap3A_45 = arith.index_cast %scan3A_29 : i32 to index
      %swap3A_46 = arith.constant 32 : index
      %swap3A_47 = tpu.vector_load %arg9[%swap3A_45, %swap3A_46] {strides = array<i32>} : memref<128x128xf32, #tpu.memory_space<vmem>>, vector<1x16xf32>,
      %swap3A_48 = vector.shape_cast %swap3A_47 : vector<1x16xf32> to vector<16xf32>
      %swap3A_49 = vector.shape_cast %broadcast_in_dim3A_44 : vector<16xf32> to vector<1x16xf32>
      tpu.vector_store %arg9[%swap3A_45, %swap3A_46], %swap3A_49 {strides = array<i32>} : memref<128x128xf32, #tpu.memory_space<vmem>>, vector<1x16xf32>,
      %broadcast_in_dim3A_50 = arith.constant 0.000000e+00 : f32
      %broadcast_in_dim3A_51 = vector.broadcast %broadcast_in_dim3A_50 : f32 to vector<16xf32>
      %swap3A_52 = arith.index_cast %scan3A_29 : i32 to index
      %swap3A_53 = arith.constant 48 : index
      %swap3A_54 = tpu.vector_load %arg9[%swap3A_52, %swap3A_53] {strides = array<i32>} : memref<128x128xf32, #tpu.memory_space<vmem>>, vector<1x16xf32>,
      %swap3A_55 = vector.shape_cast %swap3A_54 : vector<1x16xf32> to vector<16xf32>
      %swap3A_56 = vector.shape_cast %broadcast_in_dim3A_51 : vector<16xf32> to vector<1x16xf32>
      tpu.vector_store %arg9[%swap3A_52, %swap3A_53], %swap3A_56 {strides = array<i32>} : memref<128x128xf32, #tpu.memory_space<vmem>>, vector<1x16xf32>,
      %broadcast_in_dim3A_57 = arith.constant 0.000000e+00 : f32
      %broadcast_in_dim3A_58 = vector.broadcast %broadcast_in_dim3A_57 : f32 to vector<16xf32>
      %swap3A_59 = arith.index_cast %scan3A_29 : i32 to index
      %swap3A_60 = arith.constant 64 : index
      %swap3A_61 = tpu.vector_load %arg9[%swap3A_59, %swap3A_60] {strides = array<i32>} : memref<128x128xf32, #tpu.memory_space<vmem>>, vector<1x16xf32>,
      %swap3A_62 = vector.shape_cast %swap3A_61 : vector<1x16xf32> to vector<16xf32>
      %swap3A_63 = vector.shape_cast %broadcast_in_dim3A_58 : vector<16xf32> to vector<1x16xf32>
      tpu.vector_store %arg9[%swap3A_59, %swap3A_60], %swap3A_63 {strides = array<i32>} : memref<128x128xf32, #tpu.memory_space<vmem>>, vector<1x16xf32>,
      %broadcast_in_dim3A_64 = arith.constant 0.000000e+00 : f32
      %broadcast_in_dim3A_65 = vector.broadcast %broadcast_in_dim3A_64 : f32 to vector<16xf32>
      %swap3A_66 = arith.index_cast %scan3A_29 : i32 to index
      %swap3A_67 = arith.constant 80 : index
      %swap3A_68 = tpu.vector_load %arg9[%swap3A_66, %swap3A_67] {strides = array<i32>} : memref<128x128xf32, #tpu.memory_space<vmem>>, vector<1x16xf32>,
      %swap3A_69 = vector.shape_cast %swap3A_68 : vector<1x16xf32> to vector<16xf32>
      %swap3A_70 = vector.shape_cast %broadcast_in_dim3A_65 : vector<16xf32> to vector<1x16xf32>
      tpu.vector_store %arg9[%swap3A_66, %swap3A_67], %swap3A_70 {strides = array<i32>} : memref<128x128xf32, #tpu.memory_space<vmem>>, vector<1x16xf32>,
      %broadcast_in_dim3A_71 = arith.constant 0.000000e+00 : f32
      %broadcast_in_dim3A_72 = vector.broadcast %broadcast_in_dim3A_71 : f32 to vector<16xf32>
      %swap3A_73 = arith.index_cast %scan3A_29 : i32 to index
      %swap3A_74 = arith.constant 96 : index
      %swap3A_75 = tpu.vector_load %arg9[%swap3A_73, %swap3A_74] {strides = array<i32>} : memref<128x128xf32, #tpu.memory_space<vmem>>, vector<1x16xf32>,
      %swap3A_76 = vector.shape_cast %swap3A_75 : vector<1x16xf32> to vector<16xf32>
      %swap3A_77 = vector.shape_cast %broadcast_in_dim3A_72 : vector<16xf32> to vector<1x16xf32>
      tpu.vector_store %arg9[%swap3A_73, %swap3A_74], %swap3A_77 {strides = array<i32>} : memref<128x128xf32, #tpu.memory_space<vmem>>, vector<1x16xf32>,
      %broadcast_in_dim3A_78 = arith.constant 0.000000e+00 : f32
      %broadcast_in_dim3A_79 = vector.broadcast %broadcast_in_dim3A_78 : f32 to vector<16xf32>
      %swap3A_80 = arith.index_cast %scan3A_29 : i32 to index
      %swap3A_81 = arith.constant 112 : index
      %swap3A_82 = tpu.vector_load %arg9[%swap3A_80, %swap3A_81] {strides = array<i32>} : memref<128x128xf32, #tpu.memory_space<vmem>>, vector<1x16xf32>,
      %swap3A_83 = vector.shape_cast %swap3A_82 : vector<1x16xf32> to vector<16xf32>
      %swap3A_84 = vector.shape_cast %broadcast_in_dim3A_79 : vector<16xf32> to vector<1x16xf32>
      tpu.vector_store %arg9[%swap3A_80, %swap3A_81], %swap3A_84 {strides = array<i32>} : memref<128x128xf32, #tpu.memory_space<vmem>>, vector<1x16xf32>,
      %scan3A_85 = arith.constant 0 : i32
      scf.yield %scan3A_85 : i32
    }
    %scan3A_6 = arith.constant 128 : i32
    %scan3A_7 = arith.constant 0 : i32
    %scan3A_8 = arith.constant 0 : i32
    %scan3A_9 = arith.constant 5 : i32
    %scan3A_10 = arith.addi %scan3A_8, %scan3A_9 : i32
    %scan3A_11 = arith.constant 1 : i32
    %scan3A_12 = scf.for %scan3A_29 = %scan3A_8 to %scan3A_10 step %scan3A_11 iter_args(%scan3A_30 = %scan3A_7) -> (i32)  : i32 {
      %mul3A_31 = arith.constant 640 : i32
      %mul3A_32 = arith.muli %arg1, %mul3A_31 : i32
      %mul3A_33 = arith.constant 128 : i32
      %mul3A_34 = arith.muli %scan3A_29, %mul3A_33 : i32
      %add3A_35 = arith.addi %mul3A_32, %mul3A_34 : i32
      "tpu.region"() ({
        %run_scoped3A = tpu.sem_alloc : memref<!tpu.dma_semaphore, #tpu.memory_space<semaphore_mem>>
        %dma_start3A = arith.constant 0 : i32
        %dma_start3A_37 = tpu.memref_slice %arg6[%add3A_35, %dma_start3A] : memref<10240x128xf32, #tpu.memory_space<vmem_shared>> -> memref<128x128xf32, #tpu.memory_space<vmem_shared>>
        %dma_start3A_38 = arith.constant 0 : i32
        %dma_start3A_39 = tpu.memref_slice %arg6[%add3A_35, %dma_start3A_38] : memref<10240x128xf32, #tpu.memory_space<vmem_shared>> -> memref<128x128xf32, #tpu.memory_space<vmem_shared>>
        tpu.enqueue_dma source(%arg9 : memref<128x128xf32, #tpu.memory_space<vmem>>) target(%dma_start3A_39 : memref<128x128xf32, #tpu.memory_space<vmem_shared>>) target_semaphore(%run_scoped3A : memref<!tpu.dma_semaphore, #tpu.memory_space<semaphore_mem>>)
        %dma_wait3A = arith.constant 0 : i32
        %dma_wait3A_40 = tpu.memref_slice %arg6[%add3A_35, %dma_wait3A] : memref<10240x128xf32, #tpu.memory_space<vmem_shared>> -> memref<128x128xf32, #tpu.memory_space<vmem_shared>>
        %dma_wait3A_41 = arith.constant 0 : i32
        %dma_wait3A_42 = tpu.memref_slice %arg6[%add3A_35, %dma_wait3A_41] : memref<10240x128xf32, #tpu.memory_space<vmem_shared>> -> memref<128x128xf32, #tpu.memory_space<vmem_shared>>
        tpu.wait_dma2 semaphore(%run_scoped3A : memref<!tpu.dma_semaphore, #tpu.memory_space<semaphore_mem>>) src(%arg9 : memref<128x128xf32, #tpu.memory_space<vmem>>) dst(%dma_wait3A_42 : memref<128x128xf32, #tpu.memory_space<vmem_shared>>)
        tpu.yield
      }) : () -> ()
      %scan3A_36 = arith.constant 0 : i32
      scf.yield %scan3A_36 : i32
    }
    %scan3A_13 = arith.constant 5 : i32
    %barrier3A = arith.constant 0 : index
    tpu.barrier barrier_id(%barrier3A)
    %scan3A_14 = arith.constant 0 : i32
    %scan3A_15 = arith.constant 0 : i32
    %scan3A_16 = arith.constant 79 : i32
    %scan3A_17 = arith.addi %scan3A_15, %scan3A_16 : i32
    %scan3A_18 = arith.constant 1 : i32
    %scan3A_19 = scf.for %scan3A_29 = %scan3A_15 to %scan3A_17 step %scan3A_18 iter_args(%scan3A_30 = %scan3A_14) -> (i32)  : i32 {
      "tpu.region"() ({
        %run_scoped3A = tpu.sem_alloc : memref<!tpu.dma_semaphore, #tpu.memory_space<semaphore_mem>>
        %dma_start3A_36 = arith.constant 0 : i32
        %dma_start3A_37 = tpu.memref_slice %arg3[%add3A, %scan3A_29, %dma_start3A_36] : memref<32x79x128xi32, #tpu.memory_space<hbm>> -> memref<1x1x128xi32, #tpu.memory_space<hbm>>
        %dma_start3A_38 = tpu.memref_squeeze %dma_start3A_37 : memref<1x1x128xi32, #tpu.memory_space<hbm>> -> memref<128xi32, #tpu.memory_space<hbm>>
        %dma_start3A_39 = arith.constant 0 : i32
        %dma_start3A_40 = tpu.memref_slice %arg3[%add3A, %scan3A_29, %dma_start3A_39] : memref<32x79x128xi32, #tpu.memory_space<hbm>> -> memref<1x1x128xi32, #tpu.memory_space<hbm>>
        %dma_start3A_41 = tpu.memref_squeeze %dma_start3A_40 : memref<1x1x128xi32, #tpu.memory_space<hbm>> -> memref<128xi32, #tpu.memory_space<hbm>>
        tpu.enqueue_dma source(%dma_start3A_41 : memref<128xi32, #tpu.memory_space<hbm>>) target(%arg7 : memref<128xi32, #tpu.memory_space<vmem>>) target_semaphore(%run_scoped3A : memref<!tpu.dma_semaphore, #tpu.memory_space<semaphore_mem>>)
        %dma_wait3A_42 = arith.constant 0 : i32
        %dma_wait3A_43 = tpu.memref_slice %arg3[%add3A, %scan3A_29, %dma_wait3A_42] : memref<32x79x128xi32, #tpu.memory_space<hbm>> -> memref<1x1x128xi32, #tpu.memory_space<hbm>>
        %dma_wait3A_44 = tpu.memref_squeeze %dma_wait3A_43 : memref<1x1x128xi32, #tpu.memory_space<hbm>> -> memref<128xi32, #tpu.memory_space<hbm>>
        %dma_wait3A_45 = arith.constant 0 : i32
        %dma_wait3A_46 = tpu.memref_slice %arg3[%add3A, %scan3A_29, %dma_wait3A_45] : memref<32x79x128xi32, #tpu.memory_space<hbm>> -> memref<1x1x128xi32, #tpu.memory_space<hbm>>
        %dma_wait3A_47 = tpu.memref_squeeze %dma_wait3A_46 : memref<1x1x128xi32, #tpu.memory_space<hbm>> -> memref<128xi32, #tpu.memory_space<hbm>>
        tpu.wait_dma2 semaphore(%run_scoped3A : memref<!tpu.dma_semaphore, #tpu.memory_space<semaphore_mem>>) src(%dma_wait3A_47 : memref<128xi32, #tpu.memory_space<hbm>>) dst(%arg7 : memref<128xi32, #tpu.memory_space<vmem>>)
        tpu.yield
      }) : () -> ()
      "tpu.region"() ({
        %run_scoped3A = tpu.sem_alloc : memref<!tpu.dma_semaphore, #tpu.memory_space<semaphore_mem>>
        %dma_start3A_36 = arith.constant 0 : i32
        %dma_start3A_37 = tpu.memref_slice %arg4[%add3A, %scan3A_29, %dma_start3A_36] : memref<32x79x128xi32, #tpu.memory_space<hbm>> -> memref<1x1x128xi32, #tpu.memory_space<hbm>>
        %dma_start3A_38 = tpu.memref_squeeze %dma_start3A_37 : memref<1x1x128xi32, #tpu.memory_space<hbm>> -> memref<128xi32, #tpu.memory_space<hbm>>
        %dma_start3A_39 = arith.constant 0 : i32
        %dma_start3A_40 = tpu.memref_slice %arg4[%add3A, %scan3A_29, %dma_start3A_39] : memref<32x79x128xi32, #tpu.memory_space<hbm>> -> memref<1x1x128xi32, #tpu.memory_space<hbm>>
        %dma_start3A_41 = tpu.memref_squeeze %dma_start3A_40 : memref<1x1x128xi32, #tpu.memory_space<hbm>> -> memref<128xi32, #tpu.memory_space<hbm>>
        tpu.enqueue_dma source(%dma_start3A_41 : memref<128xi32, #tpu.memory_space<hbm>>) target(%arg8 : memref<128xi32, #tpu.memory_space<vmem>>) target_semaphore(%run_scoped3A : memref<!tpu.dma_semaphore, #tpu.memory_space<semaphore_mem>>)
        %dma_wait3A_42 = arith.constant 0 : i32
        %dma_wait3A_43 = tpu.memref_slice %arg4[%add3A, %scan3A_29, %dma_wait3A_42] : memref<32x79x128xi32, #tpu.memory_space<hbm>> -> memref<1x1x128xi32, #tpu.memory_space<hbm>>
        %dma_wait3A_44 = tpu.memref_squeeze %dma_wait3A_43 : memref<1x1x128xi32, #tpu.memory_space<hbm>> -> memref<128xi32, #tpu.memory_space<hbm>>
        %dma_wait3A_45 = arith.constant 0 : i32
        %dma_wait3A_46 = tpu.memref_slice %arg4[%add3A, %scan3A_29, %dma_wait3A_45] : memref<32x79x128xi32, #tpu.memory_space<hbm>> -> memref<1x1x128xi32, #tpu.memory_space<hbm>>
        %dma_wait3A_47 = tpu.memref_squeeze %dma_wait3A_46 : memref<1x1x128xi32, #tpu.memory_space<hbm>> -> memref<128xi32, #tpu.memory_space<hbm>>
        tpu.wait_dma2 semaphore(%run_scoped3A : memref<!tpu.dma_semaphore, #tpu.memory_space<semaphore_mem>>) src(%dma_wait3A_47 : memref<128xi32, #tpu.memory_space<hbm>>) dst(%arg8 : memref<128xi32, #tpu.memory_space<vmem>>)
        tpu.yield
      }) : () -> ()
      %dma_start3A = arith.constant 0 : i32
      %dma_start3A_31 = arith.constant 0 : i32
      %dma_start3A_32 = tpu.memref_slice %arg2[%dma_start3A, %dma_start3A_31] : memref<10240x128xf32, #tpu.memory_space<hbm>> -> memref<10240x128xf32, #tpu.memory_space<hbm>>
      tpu.enqueue_indirect_dma source(%dma_start3A_32 : memref<10240x128xf32, #tpu.memory_space<hbm>>) target(%arg9 : memref<128x128xf32, #tpu.memory_space<vmem>>) offsets(%arg7 : memref<128xi32, #tpu.memory_space<vmem>>) semaphore(%arg10 : memref<!tpu.dma_semaphore, #tpu.memory_space<semaphore_mem>>)
      %dma_wait3A = arith.constant 0 : i32
      %dma_wait3A_33 = arith.constant 0 : i32
      %dma_wait3A_34 = tpu.memref_slice %arg2[%dma_wait3A, %dma_wait3A_33] : memref<10240x128xf32, #tpu.memory_space<hbm>> -> memref<10240x128xf32, #tpu.memory_space<hbm>>
      tpu.wait_indirect_dma semaphore(%arg10 : memref<!tpu.dma_semaphore, #tpu.memory_space<semaphore_mem>>) src(%dma_wait3A_34 : memref<10240x128xf32, #tpu.memory_space<hbm>>) dst(%arg9 : memref<128x128xf32, #tpu.memory_space<vmem>>)
      "tpu.region"() ({
        %run_scoped3A = tpu.sem_alloc : memref<!tpu.dma_semaphore, #tpu.memory_space<semaphore_mem>>
        %dma_start3A_36 = arith.constant 0 : i32
        %dma_start3A_37 = arith.constant 0 : i32
        %dma_start3A_38 = tpu.memref_slice %arg6[%dma_start3A_36, %dma_start3A_37] : memref<10240x128xf32, #tpu.memory_space<vmem_shared>> -> memref<10240x128xf32, #tpu.memory_space<vmem_shared>>
        tpu.enqueue_indirect_dma source(%arg9 : memref<128x128xf32, #tpu.memory_space<vmem>>) target(%dma_start3A_38 : memref<10240x128xf32, #tpu.memory_space<vmem_shared>>) offsets(%arg8 : memref<128xi32, #tpu.memory_space<vmem>>) semaphore(%run_scoped3A : memref<!tpu.dma_semaphore, #tpu.memory_space<semaphore_mem>>) {add = true}
        %dma_wait3A_39 = arith.constant 0 : i32
        %dma_wait3A_40 = arith.constant 0 : i32
        %dma_wait3A_41 = tpu.memref_slice %arg6[%dma_wait3A_39, %dma_wait3A_40] : memref<10240x128xf32, #tpu.memory_space<vmem_shared>> -> memref<10240x128xf32, #tpu.memory_space<vmem_shared>>
        tpu.wait_indirect_dma semaphore(%run_scoped3A : memref<!tpu.dma_semaphore, #tpu.memory_space<semaphore_mem>>) src(%arg9 : memref<128x128xf32, #tpu.memory_space<vmem>>) dst(%dma_wait3A_41 : memref<10240x128xf32, #tpu.memory_space<vmem_shared>>)
        tpu.yield
      }) : () -> ()
      %scan3A_35 = arith.constant 0 : i32
      scf.yield %scan3A_35 : i32
    }
    %scan3A_20 = arith.constant 79 : i32
    %barrier3A_21 = arith.constant 0 : index
    tpu.barrier barrier_id(%barrier3A_21)
    %scan3A_22 = arith.constant 0 : i32
    %scan3A_23 = arith.constant 0 : i32
    %scan3A_24 = arith.constant 5 : i32
    %scan3A_25 = arith.addi %scan3A_23, %scan3A_24 : i32
    %scan3A_26 = arith.constant 1 : i32
    %scan3A_27 = scf.for %scan3A_29 = %scan3A_23 to %scan3A_25 step %scan3A_26 iter_args(%scan3A_30 = %scan3A_22) -> (i32)  : i32 {
      %mul3A_31 = arith.constant 640 : i32
      %mul3A_32 = arith.muli %arg1, %mul3A_31 : i32
      %mul3A_33 = arith.constant 128 : i32
      %mul3A_34 = arith.muli %scan3A_29, %mul3A_33 : i32
      %add3A_35 = arith.addi %mul3A_32, %mul3A_34 : i32
      "tpu.region"() ({
        %run_scoped3A = tpu.sem_alloc : memref<!tpu.dma_semaphore, #tpu.memory_space<semaphore_mem>>
        %dma_start3A = arith.constant 0 : i32
        %dma_start3A_37 = tpu.memref_slice %arg6[%add3A_35, %dma_start3A] : memref<10240x128xf32, #tpu.memory_space<vmem_shared>> -> memref<128x128xf32, #tpu.memory_space<vmem_shared>>
        %dma_start3A_38 = arith.constant 0 : i32
        %dma_start3A_39 = tpu.memref_slice %arg6[%add3A_35, %dma_start3A_38] : memref<10240x128xf32, #tpu.memory_space<vmem_shared>> -> memref<128x128xf32, #tpu.memory_space<vmem_shared>>
        tpu.enqueue_dma source(%dma_start3A_39 : memref<128x128xf32, #tpu.memory_space<vmem_shared>>) target(%arg9 : memref<128x128xf32, #tpu.memory_space<vmem>>) target_semaphore(%run_scoped3A : memref<!tpu.dma_semaphore, #tpu.memory_space<semaphore_mem>>)
        %dma_wait3A = arith.constant 0 : i32
        %dma_wait3A_40 = tpu.memref_slice %arg6[%add3A_35, %dma_wait3A] : memref<10240x128xf32, #tpu.memory_space<vmem_shared>> -> memref<128x128xf32, #tpu.memory_space<vmem_shared>>
        %dma_wait3A_41 = arith.constant 0 : i32
        %dma_wait3A_42 = tpu.memref_slice %arg6[%add3A_35, %dma_wait3A_41] : memref<10240x128xf32, #tpu.memory_space<vmem_shared>> -> memref<128x128xf32, #tpu.memory_space<vmem_shared>>
        tpu.wait_dma2 semaphore(%run_scoped3A : memref<!tpu.dma_semaphore, #tpu.memory_space<semaphore_mem>>) src(%dma_wait3A_42 : memref<128x128xf32, #tpu.memory_space<vmem_shared>>) dst(%arg9 : memref<128x128xf32, #tpu.memory_space<vmem>>)
        tpu.yield
      }) : () -> ()
      "tpu.region"() ({
        %run_scoped3A = tpu.sem_alloc : memref<!tpu.dma_semaphore, #tpu.memory_space<semaphore_mem>>
        %dma_start3A = arith.constant 0 : i32
        %dma_start3A_37 = tpu.memref_slice %arg5[%arg0, %add3A_35, %dma_start3A] : memref<2x10240x128xf32, #tpu.memory_space<hbm>> -> memref<1x128x128xf32, #tpu.memory_space<hbm>>
        %dma_start3A_38 = tpu.memref_squeeze %dma_start3A_37 : memref<1x128x128xf32, #tpu.memory_space<hbm>> -> memref<128x128xf32, #tpu.memory_space<hbm>>
        %dma_start3A_39 = arith.constant 0 : i32
        %dma_start3A_40 = tpu.memref_slice %arg5[%arg0, %add3A_35, %dma_start3A_39] : memref<2x10240x128xf32, #tpu.memory_space<hbm>> -> memref<1x128x128xf32, #tpu.memory_space<hbm>>
        %dma_start3A_41 = tpu.memref_squeeze %dma_start3A_40 : memref<1x128x128xf32, #tpu.memory_space<hbm>> -> memref<128x128xf32, #tpu.memory_space<hbm>>
        tpu.enqueue_dma source(%arg9 : memref<128x128xf32, #tpu.memory_space<vmem>>) target(%dma_start3A_41 : memref<128x128xf32, #tpu.memory_space<hbm>>) target_semaphore(%run_scoped3A : memref<!tpu.dma_semaphore, #tpu.memory_space<semaphore_mem>>)
        %dma_wait3A = arith.constant 0 : i32
        %dma_wait3A_42 = tpu.memref_slice %arg5[%arg0, %add3A_35, %dma_wait3A] : memref<2x10240x128xf32, #tpu.memory_space<hbm>> -> memref<1x128x128xf32, #tpu.memory_space<hbm>>
        %dma_wait3A_43 = tpu.memref_squeeze %dma_wait3A_42 : memref<1x128x128xf32, #tpu.memory_space<hbm>> -> memref<128x128xf32, #tpu.memory_space<hbm>>
        %dma_wait3A_44 = arith.constant 0 : i32
        %dma_wait3A_45 = tpu.memref_slice %arg5[%arg0, %add3A_35, %dma_wait3A_44] : memref<2x10240x128xf32, #tpu.memory_space<hbm>> -> memref<1x128x128xf32, #tpu.memory_space<hbm>>
        %dma_wait3A_46 = tpu.memref_squeeze %dma_wait3A_45 : memref<1x128x128xf32, #tpu.memory_space<hbm>> -> memref<128x128xf32, #tpu.memory_space<hbm>>
        tpu.wait_dma2 semaphore(%run_scoped3A : memref<!tpu.dma_semaphore, #tpu.memory_space<semaphore_mem>>) src(%arg9 : memref<128x128xf32, #tpu.memory_space<vmem>>) dst(%dma_wait3A_46 : memref<128x128xf32, #tpu.memory_space<hbm>>)
        tpu.yield
      }) : () -> ()
      %scan3A_36 = arith.constant 0 : i32
      scf.yield %scan3A_36 : i32
    }
    %scan3A_28 = arith.constant 5 : i32
    return
  }
}

#map = affine_map<(d0, d1) -> (0, 0)>
#map1 = affine_map<(d0, d1) -> (0, 0, 0)>
module attributes {stable_mosaic.version = 14 : i64} {
  func.func @scatter_k(%arg0: i32, %arg1: i32, %arg2: memref<10240x128xf32, #tpu.memory_space<hbm>>, %arg3: memref<32x79x128xi32, #tpu.memory_space<hbm>>, %arg4: memref<32x79x128xi32, #tpu.memory_space<hbm>>, %arg5: memref<2x10240x128xf32, #tpu.memory_space<hbm>>, %arg6: memref<10240x128xf32, #tpu.memory_space<vmem_shared>>, %arg7: memref<128xi32, #tpu.memory_space<vmem>>, %arg8: memref<128xi32, #tpu.memory_space<vmem>>, %arg9: memref<128x128xf32, #tpu.memory_space<vmem>>, %arg10: memref<!tpu.dma_semaphore, #tpu.memory_space<semaphore_mem>>) attributes {dimension_semantics = [#tpu.dimension_semantics<core_parallel>, #tpu.dimension_semantics<subcore_parallel>], iteration_bounds = array<i64: 2, 16>, scalar_prefetch = 0 : i64, scratch_operands = 5 : i64, tpu.core_type = #tpu.core_type<sc_vector_subcore>, window_params = [{transform_indices = #map}, {transform_indices = #map1}, {transform_indices = #map1}, {transform_indices = #map1}]} {
    %mul3A = arith.constant 2 : i32
    %mul3A_0 = arith.muli %arg1, %mul3A : i32
    %add3A = arith.addi %mul3A_0, %arg0 : i32
    %scan3A = arith.constant 0 : i32
    %scan3A_1 = arith.constant 0 : i32
    %scan3A_2 = arith.constant 128 : i32
    %scan3A_3 = arith.addi %scan3A_1, %scan3A_2 : i32
    %scan3A_4 = arith.constant 1 : i32
    %scan3A_5 = scf.for %scan3A_29 = %scan3A_1 to %scan3A_3 step %scan3A_4 iter_args(%scan3A_30 = %scan3A) -> (i32)  : i32 {
      %broadcast_in_dim3A = arith.constant 0.000000e+00 : f32
      %broadcast_in_dim3A_31 = vector.broadcast %broadcast_in_dim3A : f32 to vector<16xf32>
      %swap3A = arith.index_cast %scan3A_29 : i32 to index
      %swap3A_32 = arith.constant 0 : index
      %swap3A_33 = tpu.vector_load %arg9[%swap3A, %swap3A_32] {strides = array<i32>} : memref<128x128xf32, #tpu.memory_space<vmem>>, vector<1x16xf32>,
      %swap3A_34 = vector.shape_cast %swap3A_33 : vector<1x16xf32> to vector<16xf32>
      %swap3A_35 = vector.shape_cast %broadcast_in_dim3A_31 : vector<16xf32> to vector<1x16xf32>
      tpu.vector_store %arg9[%swap3A, %swap3A_32], %swap3A_35 {strides = array<i32>} : memref<128x128xf32, #tpu.memory_space<vmem>>, vector<1x16xf32>,
      %broadcast_in_dim3A_36 = arith.constant 0.000000e+00 : f32
      %broadcast_in_dim3A_37 = vector.broadcast %broadcast_in_dim3A_36 : f32 to vector<16xf32>
      %swap3A_38 = arith.index_cast %scan3A_29 : i32 to index
      %swap3A_39 = arith.constant 16 : index
      %swap3A_40 = tpu.vector_load %arg9[%swap3A_38, %swap3A_39] {strides = array<i32>} : memref<128x128xf32, #tpu.memory_space<vmem>>, vector<1x16xf32>,
      %swap3A_41 = vector.shape_cast %swap3A_40 : vector<1x16xf32> to vector<16xf32>
      %swap3A_42 = vector.shape_cast %broadcast_in_dim3A_37 : vector<16xf32> to vector<1x16xf32>
      tpu.vector_store %arg9[%swap3A_38, %swap3A_39], %swap3A_42 {strides = array<i32>} : memref<128x128xf32, #tpu.memory_space<vmem>>, vector<1x16xf32>,
      %broadcast_in_dim3A_43 = arith.constant 0.000000e+00 : f32
      %broadcast_in_dim3A_44 = vector.broadcast %broadcast_in_dim3A_43 : f32 to vector<16xf32>
      %swap3A_45 = arith.index_cast %scan3A_29 : i32 to index
      %swap3A_46 = arith.constant 32 : index
      %swap3A_47 = tpu.vector_load %arg9[%swap3A_45, %swap3A_46] {strides = array<i32>} : memref<128x128xf32, #tpu.memory_space<vmem>>, vector<1x16xf32>,
      %swap3A_48 = vector.shape_cast %swap3A_47 : vector<1x16xf32> to vector<16xf32>
      %swap3A_49 = vector.shape_cast %broadcast_in_dim3A_44 : vector<16xf32> to vector<1x16xf32>
      tpu.vector_store %arg9[%swap3A_45, %swap3A_46], %swap3A_49 {strides = array<i32>} : memref<128x128xf32, #tpu.memory_space<vmem>>, vector<1x16xf32>,
      %broadcast_in_dim3A_50 = arith.constant 0.000000e+00 : f32
      %broadcast_in_dim3A_51 = vector.broadcast %broadcast_in_dim3A_50 : f32 to vector<16xf32>
      %swap3A_52 = arith.index_cast %scan3A_29 : i32 to index
      %swap3A_53 = arith.constant 48 : index
      %swap3A_54 = tpu.vector_load %arg9[%swap3A_52, %swap3A_53] {strides = array<i32>} : memref<128x128xf32, #tpu.memory_space<vmem>>, vector<1x16xf32>,
      %swap3A_55 = vector.shape_cast %swap3A_54 : vector<1x16xf32> to vector<16xf32>
      %swap3A_56 = vector.shape_cast %broadcast_in_dim3A_51 : vector<16xf32> to vector<1x16xf32>
      tpu.vector_store %arg9[%swap3A_52, %swap3A_53], %swap3A_56 {strides = array<i32>} : memref<128x128xf32, #tpu.memory_space<vmem>>, vector<1x16xf32>,
      %broadcast_in_dim3A_57 = arith.constant 0.000000e+00 : f32
      %broadcast_in_dim3A_58 = vector.broadcast %broadcast_in_dim3A_57 : f32 to vector<16xf32>
      %swap3A_59 = arith.index_cast %scan3A_29 : i32 to index
      %swap3A_60 = arith.constant 64 : index
      %swap3A_61 = tpu.vector_load %arg9[%swap3A_59, %swap3A_60] {strides = array<i32>} : memref<128x128xf32, #tpu.memory_space<vmem>>, vector<1x16xf32>,
      %swap3A_62 = vector.shape_cast %swap3A_61 : vector<1x16xf32> to vector<16xf32>
      %swap3A_63 = vector.shape_cast %broadcast_in_dim3A_58 : vector<16xf32> to vector<1x16xf32>
      tpu.vector_store %arg9[%swap3A_59, %swap3A_60], %swap3A_63 {strides = array<i32>} : memref<128x128xf32, #tpu.memory_space<vmem>>, vector<1x16xf32>,
      %broadcast_in_dim3A_64 = arith.constant 0.000000e+00 : f32
      %broadcast_in_dim3A_65 = vector.broadcast %broadcast_in_dim3A_64 : f32 to vector<16xf32>
      %swap3A_66 = arith.index_cast %scan3A_29 : i32 to index
      %swap3A_67 = arith.constant 80 : index
      %swap3A_68 = tpu.vector_load %arg9[%swap3A_66, %swap3A_67] {strides = array<i32>} : memref<128x128xf32, #tpu.memory_space<vmem>>, vector<1x16xf32>,
      %swap3A_69 = vector.shape_cast %swap3A_68 : vector<1x16xf32> to vector<16xf32>
      %swap3A_70 = vector.shape_cast %broadcast_in_dim3A_65 : vector<16xf32> to vector<1x16xf32>
      tpu.vector_store %arg9[%swap3A_66, %swap3A_67], %swap3A_70 {strides = array<i32>} : memref<128x128xf32, #tpu.memory_space<vmem>>, vector<1x16xf32>,
      %broadcast_in_dim3A_71 = arith.constant 0.000000e+00 : f32
      %broadcast_in_dim3A_72 = vector.broadcast %broadcast_in_dim3A_71 : f32 to vector<16xf32>
      %swap3A_73 = arith.index_cast %scan3A_29 : i32 to index
      %swap3A_74 = arith.constant 96 : index
      %swap3A_75 = tpu.vector_load %arg9[%swap3A_73, %swap3A_74] {strides = array<i32>} : memref<128x128xf32, #tpu.memory_space<vmem>>, vector<1x16xf32>,
      %swap3A_76 = vector.shape_cast %swap3A_75 : vector<1x16xf32> to vector<16xf32>
      %swap3A_77 = vector.shape_cast %broadcast_in_dim3A_72 : vector<16xf32> to vector<1x16xf32>
      tpu.vector_store %arg9[%swap3A_73, %swap3A_74], %swap3A_77 {strides = array<i32>} : memref<128x128xf32, #tpu.memory_space<vmem>>, vector<1x16xf32>,
      %broadcast_in_dim3A_78 = arith.constant 0.000000e+00 : f32
      %broadcast_in_dim3A_79 = vector.broadcast %broadcast_in_dim3A_78 : f32 to vector<16xf32>
      %swap3A_80 = arith.index_cast %scan3A_29 : i32 to index
      %swap3A_81 = arith.constant 112 : index
      %swap3A_82 = tpu.vector_load %arg9[%swap3A_80, %swap3A_81] {strides = array<i32>} : memref<128x128xf32, #tpu.memory_space<vmem>>, vector<1x16xf32>,
      %swap3A_83 = vector.shape_cast %swap3A_82 : vector<1x16xf32> to vector<16xf32>
      %swap3A_84 = vector.shape_cast %broadcast_in_dim3A_79 : vector<16xf32> to vector<1x16xf32>
      tpu.vector_store %arg9[%swap3A_80, %swap3A_81], %swap3A_84 {strides = array<i32>} : memref<128x128xf32, #tpu.memory_space<vmem>>, vector<1x16xf32>,
      %scan3A_85 = arith.constant 0 : i32
      scf.yield %scan3A_85 : i32
    }
    %scan3A_6 = arith.constant 128 : i32
    %scan3A_7 = arith.constant 0 : i32
    %scan3A_8 = arith.constant 0 : i32
    %scan3A_9 = arith.constant 5 : i32
    %scan3A_10 = arith.addi %scan3A_8, %scan3A_9 : i32
    %scan3A_11 = arith.constant 1 : i32
    %scan3A_12 = scf.for %scan3A_29 = %scan3A_8 to %scan3A_10 step %scan3A_11 iter_args(%scan3A_30 = %scan3A_7) -> (i32)  : i32 {
      %mul3A_31 = arith.constant 640 : i32
      %mul3A_32 = arith.muli %arg1, %mul3A_31 : i32
      %mul3A_33 = arith.constant 128 : i32
      %mul3A_34 = arith.muli %scan3A_29, %mul3A_33 : i32
      %add3A_35 = arith.addi %mul3A_32, %mul3A_34 : i32
      "tpu.region"() ({
        %run_scoped3A = tpu.sem_alloc : memref<!tpu.dma_semaphore, #tpu.memory_space<semaphore_mem>>
        %dma_start3A = arith.constant 0 : i32
        %dma_start3A_37 = tpu.memref_slice %arg6[%add3A_35, %dma_start3A] : memref<10240x128xf32, #tpu.memory_space<vmem_shared>> -> memref<128x128xf32, #tpu.memory_space<vmem_shared>>
        %dma_start3A_38 = arith.constant 0 : i32
        %dma_start3A_39 = tpu.memref_slice %arg6[%add3A_35, %dma_start3A_38] : memref<10240x128xf32, #tpu.memory_space<vmem_shared>> -> memref<128x128xf32, #tpu.memory_space<vmem_shared>>
        tpu.enqueue_dma source(%arg9 : memref<128x128xf32, #tpu.memory_space<vmem>>) target(%dma_start3A_39 : memref<128x128xf32, #tpu.memory_space<vmem_shared>>) target_semaphore(%run_scoped3A : memref<!tpu.dma_semaphore, #tpu.memory_space<semaphore_mem>>)
        %dma_wait3A = arith.constant 0 : i32
        %dma_wait3A_40 = tpu.memref_slice %arg6[%add3A_35, %dma_wait3A] : memref<10240x128xf32, #tpu.memory_space<vmem_shared>> -> memref<128x128xf32, #tpu.memory_space<vmem_shared>>
        %dma_wait3A_41 = arith.constant 0 : i32
        %dma_wait3A_42 = tpu.memref_slice %arg6[%add3A_35, %dma_wait3A_41] : memref<10240x128xf32, #tpu.memory_space<vmem_shared>> -> memref<128x128xf32, #tpu.memory_space<vmem_shared>>
        tpu.wait_dma2 semaphore(%run_scoped3A : memref<!tpu.dma_semaphore, #tpu.memory_space<semaphore_mem>>) src(%arg9 : memref<128x128xf32, #tpu.memory_space<vmem>>) dst(%dma_wait3A_42 : memref<128x128xf32, #tpu.memory_space<vmem_shared>>)
        tpu.yield
      }) : () -> ()
      %scan3A_36 = arith.constant 0 : i32
      scf.yield %scan3A_36 : i32
    }
    %scan3A_13 = arith.constant 5 : i32
    %barrier3A = arith.constant 0 : index
    tpu.barrier barrier_id(%barrier3A)
    %scan3A_14 = arith.constant 0 : i32
    %scan3A_15 = arith.constant 0 : i32
    %scan3A_16 = arith.constant 79 : i32
    %scan3A_17 = arith.addi %scan3A_15, %scan3A_16 : i32
    %scan3A_18 = arith.constant 1 : i32
    %scan3A_19 = scf.for %scan3A_29 = %scan3A_15 to %scan3A_17 step %scan3A_18 iter_args(%scan3A_30 = %scan3A_14) -> (i32)  : i32 {
      "tpu.region"() ({
        %run_scoped3A = tpu.sem_alloc : memref<!tpu.dma_semaphore, #tpu.memory_space<semaphore_mem>>
        %dma_start3A_36 = arith.constant 0 : i32
        %dma_start3A_37 = tpu.memref_slice %arg3[%add3A, %scan3A_29, %dma_start3A_36] : memref<32x79x128xi32, #tpu.memory_space<hbm>> -> memref<1x1x128xi32, #tpu.memory_space<hbm>>
        %dma_start3A_38 = tpu.memref_squeeze %dma_start3A_37 : memref<1x1x128xi32, #tpu.memory_space<hbm>> -> memref<128xi32, #tpu.memory_space<hbm>>
        %dma_start3A_39 = arith.constant 0 : i32
        %dma_start3A_40 = tpu.memref_slice %arg3[%add3A, %scan3A_29, %dma_start3A_39] : memref<32x79x128xi32, #tpu.memory_space<hbm>> -> memref<1x1x128xi32, #tpu.memory_space<hbm>>
        %dma_start3A_41 = tpu.memref_squeeze %dma_start3A_40 : memref<1x1x128xi32, #tpu.memory_space<hbm>> -> memref<128xi32, #tpu.memory_space<hbm>>
        tpu.enqueue_dma source(%dma_start3A_41 : memref<128xi32, #tpu.memory_space<hbm>>) target(%arg7 : memref<128xi32, #tpu.memory_space<vmem>>) target_semaphore(%run_scoped3A : memref<!tpu.dma_semaphore, #tpu.memory_space<semaphore_mem>>)
        %dma_wait3A_42 = arith.constant 0 : i32
        %dma_wait3A_43 = tpu.memref_slice %arg3[%add3A, %scan3A_29, %dma_wait3A_42] : memref<32x79x128xi32, #tpu.memory_space<hbm>> -> memref<1x1x128xi32, #tpu.memory_space<hbm>>
        %dma_wait3A_44 = tpu.memref_squeeze %dma_wait3A_43 : memref<1x1x128xi32, #tpu.memory_space<hbm>> -> memref<128xi32, #tpu.memory_space<hbm>>
        %dma_wait3A_45 = arith.constant 0 : i32
        %dma_wait3A_46 = tpu.memref_slice %arg3[%add3A, %scan3A_29, %dma_wait3A_45] : memref<32x79x128xi32, #tpu.memory_space<hbm>> -> memref<1x1x128xi32, #tpu.memory_space<hbm>>
        %dma_wait3A_47 = tpu.memref_squeeze %dma_wait3A_46 : memref<1x1x128xi32, #tpu.memory_space<hbm>> -> memref<128xi32, #tpu.memory_space<hbm>>
        tpu.wait_dma2 semaphore(%run_scoped3A : memref<!tpu.dma_semaphore, #tpu.memory_space<semaphore_mem>>) src(%dma_wait3A_47 : memref<128xi32, #tpu.memory_space<hbm>>) dst(%arg7 : memref<128xi32, #tpu.memory_space<vmem>>)
        tpu.yield
      }) : () -> ()
      "tpu.region"() ({
        %run_scoped3A = tpu.sem_alloc : memref<!tpu.dma_semaphore, #tpu.memory_space<semaphore_mem>>
        %dma_start3A_36 = arith.constant 0 : i32
        %dma_start3A_37 = tpu.memref_slice %arg4[%add3A, %scan3A_29, %dma_start3A_36] : memref<32x79x128xi32, #tpu.memory_space<hbm>> -> memref<1x1x128xi32, #tpu.memory_space<hbm>>
        %dma_start3A_38 = tpu.memref_squeeze %dma_start3A_37 : memref<1x1x128xi32, #tpu.memory_space<hbm>> -> memref<128xi32, #tpu.memory_space<hbm>>
        %dma_start3A_39 = arith.constant 0 : i32
        %dma_start3A_40 = tpu.memref_slice %arg4[%add3A, %scan3A_29, %dma_start3A_39] : memref<32x79x128xi32, #tpu.memory_space<hbm>> -> memref<1x1x128xi32, #tpu.memory_space<hbm>>
        %dma_start3A_41 = tpu.memref_squeeze %dma_start3A_40 : memref<1x1x128xi32, #tpu.memory_space<hbm>> -> memref<128xi32, #tpu.memory_space<hbm>>
        tpu.enqueue_dma source(%dma_start3A_41 : memref<128xi32, #tpu.memory_space<hbm>>) target(%arg8 : memref<128xi32, #tpu.memory_space<vmem>>) target_semaphore(%run_scoped3A : memref<!tpu.dma_semaphore, #tpu.memory_space<semaphore_mem>>)
        %dma_wait3A_42 = arith.constant 0 : i32
        %dma_wait3A_43 = tpu.memref_slice %arg4[%add3A, %scan3A_29, %dma_wait3A_42] : memref<32x79x128xi32, #tpu.memory_space<hbm>> -> memref<1x1x128xi32, #tpu.memory_space<hbm>>
        %dma_wait3A_44 = tpu.memref_squeeze %dma_wait3A_43 : memref<1x1x128xi32, #tpu.memory_space<hbm>> -> memref<128xi32, #tpu.memory_space<hbm>>
        %dma_wait3A_45 = arith.constant 0 : i32
        %dma_wait3A_46 = tpu.memref_slice %arg4[%add3A, %scan3A_29, %dma_wait3A_45] : memref<32x79x128xi32, #tpu.memory_space<hbm>> -> memref<1x1x128xi32, #tpu.memory_space<hbm>>
        %dma_wait3A_47 = tpu.memref_squeeze %dma_wait3A_46 : memref<1x1x128xi32, #tpu.memory_space<hbm>> -> memref<128xi32, #tpu.memory_space<hbm>>
        tpu.wait_dma2 semaphore(%run_scoped3A : memref<!tpu.dma_semaphore, #tpu.memory_space<semaphore_mem>>) src(%dma_wait3A_47 : memref<128xi32, #tpu.memory_space<hbm>>) dst(%arg8 : memref<128xi32, #tpu.memory_space<vmem>>)
        tpu.yield
      }) : () -> ()
      %dma_start3A = arith.constant 0 : i32
      %dma_start3A_31 = arith.constant 0 : i32
      %dma_start3A_32 = tpu.memref_slice %arg2[%dma_start3A, %dma_start3A_31] : memref<10240x128xf32, #tpu.memory_space<hbm>> -> memref<10240x128xf32, #tpu.memory_space<hbm>>
      tpu.enqueue_indirect_dma source(%dma_start3A_32 : memref<10240x128xf32, #tpu.memory_space<hbm>>) target(%arg9 : memref<128x128xf32, #tpu.memory_space<vmem>>) offsets(%arg7 : memref<128xi32, #tpu.memory_space<vmem>>) semaphore(%arg10 : memref<!tpu.dma_semaphore, #tpu.memory_space<semaphore_mem>>)
      %dma_wait3A = arith.constant 0 : i32
      %dma_wait3A_33 = arith.constant 0 : i32
      %dma_wait3A_34 = tpu.memref_slice %arg2[%dma_wait3A, %dma_wait3A_33] : memref<10240x128xf32, #tpu.memory_space<hbm>> -> memref<10240x128xf32, #tpu.memory_space<hbm>>
      tpu.wait_indirect_dma semaphore(%arg10 : memref<!tpu.dma_semaphore, #tpu.memory_space<semaphore_mem>>) src(%dma_wait3A_34 : memref<10240x128xf32, #tpu.memory_space<hbm>>) dst(%arg9 : memref<128x128xf32, #tpu.memory_space<vmem>>)
      "tpu.region"() ({
        %run_scoped3A = tpu.sem_alloc : memref<!tpu.dma_semaphore, #tpu.memory_space<semaphore_mem>>
        %dma_start3A_36 = arith.constant 0 : i32
        %dma_start3A_37 = arith.constant 0 : i32
        %dma_start3A_38 = tpu.memref_slice %arg6[%dma_start3A_36, %dma_start3A_37] : memref<10240x128xf32, #tpu.memory_space<vmem_shared>> -> memref<10240x128xf32, #tpu.memory_space<vmem_shared>>
        tpu.enqueue_indirect_dma source(%arg9 : memref<128x128xf32, #tpu.memory_space<vmem>>) target(%dma_start3A_38 : memref<10240x128xf32, #tpu.memory_space<vmem_shared>>) offsets(%arg8 : memref<128xi32, #tpu.memory_space<vmem>>) semaphore(%run_scoped3A : memref<!tpu.dma_semaphore, #tpu.memory_space<semaphore_mem>>) {add = true}
        %dma_wait3A_39 = arith.constant 0 : i32
        %dma_wait3A_40 = arith.constant 0 : i32
        %dma_wait3A_41 = tpu.memref_slice %arg6[%dma_wait3A_39, %dma_wait3A_40] : memref<10240x128xf32, #tpu.memory_space<vmem_shared>> -> memref<10240x128xf32, #tpu.memory_space<vmem_shared>>
        tpu.wait_indirect_dma semaphore(%run_scoped3A : memref<!tpu.dma_semaphore, #tpu.memory_space<semaphore_mem>>) src(%arg9 : memref<128x128xf32, #tpu.memory_space<vmem>>) dst(%dma_wait3A_41 : memref<10240x128xf32, #tpu.memory_space<vmem_shared>>)
        tpu.yield
      }) : () -> ()
      %scan3A_35 = arith.constant 0 : i32
      scf.yield %scan3A_35 : i32
    }
    %scan3A_20 = arith.constant 79 : i32
    %barrier3A_21 = arith.constant 0 : index
    tpu.barrier barrier_id(%barrier3A_21)
    %scan3A_22 = arith.constant 0 : i32
    %scan3A_23 = arith.constant 0 : i32
    %scan3A_24 = arith.constant 5 : i32
    %scan3A_25 = arith.addi %scan3A_23, %scan3A_24 : i32
    %scan3A_26 = arith.constant 1 : i32
    %scan3A_27 = scf.for %scan3A_29 = %scan3A_23 to %scan3A_25 step %scan3A_26 iter_args(%scan3A_30 = %scan3A_22) -> (i32)  : i32 {
      %mul3A_31 = arith.constant 640 : i32
      %mul3A_32 = arith.muli %arg1, %mul3A_31 : i32
      %mul3A_33 = arith.constant 128 : i32
      %mul3A_34 = arith.muli %scan3A_29, %mul3A_33 : i32
      %add3A_35 = arith.addi %mul3A_32, %mul3A_34 : i32
      "tpu.region"() ({
        %run_scoped3A = tpu.sem_alloc : memref<!tpu.dma_semaphore, #tpu.memory_space<semaphore_mem>>
        %dma_start3A = arith.constant 0 : i32
        %dma_start3A_37 = tpu.memref_slice %arg6[%add3A_35, %dma_start3A] : memref<10240x128xf32, #tpu.memory_space<vmem_shared>> -> memref<128x128xf32, #tpu.memory_space<vmem_shared>>
        %dma_start3A_38 = arith.constant 0 : i32
        %dma_start3A_39 = tpu.memref_slice %arg6[%add3A_35, %dma_start3A_38] : memref<10240x128xf32, #tpu.memory_space<vmem_shared>> -> memref<128x128xf32, #tpu.memory_space<vmem_shared>>
        tpu.enqueue_dma source(%dma_start3A_39 : memref<128x128xf32, #tpu.memory_space<vmem_shared>>) target(%arg9 : memref<128x128xf32, #tpu.memory_space<vmem>>) target_semaphore(%run_scoped3A : memref<!tpu.dma_semaphore, #tpu.memory_space<semaphore_mem>>)
        %dma_wait3A = arith.constant 0 : i32
        %dma_wait3A_40 = tpu.memref_slice %arg6[%add3A_35, %dma_wait3A] : memref<10240x128xf32, #tpu.memory_space<vmem_shared>> -> memref<128x128xf32, #tpu.memory_space<vmem_shared>>
        %dma_wait3A_41 = arith.constant 0 : i32
        %dma_wait3A_42 = tpu.memref_slice %arg6[%add3A_35, %dma_wait3A_41] : memref<10240x128xf32, #tpu.memory_space<vmem_shared>> -> memref<128x128xf32, #tpu.memory_space<vmem_shared>>
        tpu.wait_dma2 semaphore(%run_scoped3A : memref<!tpu.dma_semaphore, #tpu.memory_space<semaphore_mem>>) src(%dma_wait3A_42 : memref<128x128xf32, #tpu.memory_space<vmem_shared>>) dst(%arg9 : memref<128x128xf32, #tpu.memory_space<vmem>>)
        tpu.yield
      }) : () -> ()
      "tpu.region"() ({
        %run_scoped3A = tpu.sem_alloc : memref<!tpu.dma_semaphore, #tpu.memory_space<semaphore_mem>>
        %dma_start3A = arith.constant 0 : i32
        %dma_start3A_37 = tpu.memref_slice %arg5[%arg0, %add3A_35, %dma_start3A] : memref<2x10240x128xf32, #tpu.memory_space<hbm>> -> memref<1x128x128xf32, #tpu.memory_space<hbm>>
        %dma_start3A_38 = tpu.memref_squeeze %dma_start3A_37 : memref<1x128x128xf32, #tpu.memory_space<hbm>> -> memref<128x128xf32, #tpu.memory_space<hbm>>
        %dma_start3A_39 = arith.constant 0 : i32
        %dma_start3A_40 = tpu.memref_slice %arg5[%arg0, %add3A_35, %dma_start3A_39] : memref<2x10240x128xf32, #tpu.memory_space<hbm>> -> memref<1x128x128xf32, #tpu.memory_space<hbm>>
        %dma_start3A_41 = tpu.memref_squeeze %dma_start3A_40 : memref<1x128x128xf32, #tpu.memory_space<hbm>> -> memref<128x128xf32, #tpu.memory_space<hbm>>
        tpu.enqueue_dma source(%arg9 : memref<128x128xf32, #tpu.memory_space<vmem>>) target(%dma_start3A_41 : memref<128x128xf32, #tpu.memory_space<hbm>>) target_semaphore(%run_scoped3A : memref<!tpu.dma_semaphore, #tpu.memory_space<semaphore_mem>>)
        %dma_wait3A = arith.constant 0 : i32
        %dma_wait3A_42 = tpu.memref_slice %arg5[%arg0, %add3A_35, %dma_wait3A] : memref<2x10240x128xf32, #tpu.memory_space<hbm>> -> memref<1x128x128xf32, #tpu.memory_space<hbm>>
        %dma_wait3A_43 = tpu.memref_squeeze %dma_wait3A_42 : memref<1x128x128xf32, #tpu.memory_space<hbm>> -> memref<128x128xf32, #tpu.memory_space<hbm>>
        %dma_wait3A_44 = arith.constant 0 : i32
        %dma_wait3A_45 = tpu.memref_slice %arg5[%arg0, %add3A_35, %dma_wait3A_44] : memref<2x10240x128xf32, #tpu.memory_space<hbm>> -> memref<1x128x128xf32, #tpu.memory_space<hbm>>
        %dma_wait3A_46 = tpu.memref_squeeze %dma_wait3A_45 : memref<1x128x128xf32, #tpu.memory_space<hbm>> -> memref<128x128xf32, #tpu.memory_space<hbm>>
        tpu.wait_dma2 semaphore(%run_scoped3A : memref<!tpu.dma_semaphore, #tpu.memory_space<semaphore_mem>>) src(%arg9 : memref<128x128xf32, #tpu.memory_space<vmem>>) dst(%dma_wait3A_46 : memref<128x128xf32, #tpu.memory_space<hbm>>)
        tpu.yield
      }) : () -> ()
      %scan3A_36 = arith.constant 0 : i32
      scf.yield %scan3A_36 : i32
    }
    %scan3A_28 = arith.constant 5 : i32
    return
  }
}

#map = affine_map<(d0, d1) -> (0, 0)>
#map1 = affine_map<(d0, d1) -> (0, 0, 0)>
module attributes {stable_mosaic.version = 14 : i64} {
  func.func @scatter_k(%arg0: i32, %arg1: i32, %arg2: memref<10240x128xf32, #tpu.memory_space<hbm>>, %arg3: memref<32x79x128xi32, #tpu.memory_space<hbm>>, %arg4: memref<32x79x128xi32, #tpu.memory_space<hbm>>, %arg5: memref<2x10240x128xf32, #tpu.memory_space<hbm>>, %arg6: memref<10240x128xf32, #tpu.memory_space<vmem_shared>>, %arg7: memref<128xi32, #tpu.memory_space<vmem>>, %arg8: memref<128xi32, #tpu.memory_space<vmem>>, %arg9: memref<128x128xf32, #tpu.memory_space<vmem>>, %arg10: memref<!tpu.dma_semaphore, #tpu.memory_space<semaphore_mem>>) attributes {dimension_semantics = [#tpu.dimension_semantics<core_parallel>, #tpu.dimension_semantics<subcore_parallel>], iteration_bounds = array<i64: 2, 16>, scalar_prefetch = 0 : i64, scratch_operands = 5 : i64, tpu.core_type = #tpu.core_type<sc_vector_subcore>, window_params = [{transform_indices = #map}, {transform_indices = #map1}, {transform_indices = #map1}, {transform_indices = #map1}]} {
    %mul3A = arith.constant 2 : i32
    %mul3A_0 = arith.muli %arg1, %mul3A : i32
    %add3A = arith.addi %mul3A_0, %arg0 : i32
    %scan3A = arith.constant 0 : i32
    %scan3A_1 = arith.constant 0 : i32
    %scan3A_2 = arith.constant 128 : i32
    %scan3A_3 = arith.addi %scan3A_1, %scan3A_2 : i32
    %scan3A_4 = arith.constant 1 : i32
    %scan3A_5 = scf.for %scan3A_29 = %scan3A_1 to %scan3A_3 step %scan3A_4 iter_args(%scan3A_30 = %scan3A) -> (i32)  : i32 {
      %broadcast_in_dim3A = arith.constant 0.000000e+00 : f32
      %broadcast_in_dim3A_31 = vector.broadcast %broadcast_in_dim3A : f32 to vector<16xf32>
      %swap3A = arith.index_cast %scan3A_29 : i32 to index
      %swap3A_32 = arith.constant 0 : index
      %swap3A_33 = tpu.vector_load %arg9[%swap3A, %swap3A_32] {strides = array<i32>} : memref<128x128xf32, #tpu.memory_space<vmem>>, vector<1x16xf32>,
      %swap3A_34 = vector.shape_cast %swap3A_33 : vector<1x16xf32> to vector<16xf32>
      %swap3A_35 = vector.shape_cast %broadcast_in_dim3A_31 : vector<16xf32> to vector<1x16xf32>
      tpu.vector_store %arg9[%swap3A, %swap3A_32], %swap3A_35 {strides = array<i32>} : memref<128x128xf32, #tpu.memory_space<vmem>>, vector<1x16xf32>,
      %broadcast_in_dim3A_36 = arith.constant 0.000000e+00 : f32
      %broadcast_in_dim3A_37 = vector.broadcast %broadcast_in_dim3A_36 : f32 to vector<16xf32>
      %swap3A_38 = arith.index_cast %scan3A_29 : i32 to index
      %swap3A_39 = arith.constant 16 : index
      %swap3A_40 = tpu.vector_load %arg9[%swap3A_38, %swap3A_39] {strides = array<i32>} : memref<128x128xf32, #tpu.memory_space<vmem>>, vector<1x16xf32>,
      %swap3A_41 = vector.shape_cast %swap3A_40 : vector<1x16xf32> to vector<16xf32>
      %swap3A_42 = vector.shape_cast %broadcast_in_dim3A_37 : vector<16xf32> to vector<1x16xf32>
      tpu.vector_store %arg9[%swap3A_38, %swap3A_39], %swap3A_42 {strides = array<i32>} : memref<128x128xf32, #tpu.memory_space<vmem>>, vector<1x16xf32>,
      %broadcast_in_dim3A_43 = arith.constant 0.000000e+00 : f32
      %broadcast_in_dim3A_44 = vector.broadcast %broadcast_in_dim3A_43 : f32 to vector<16xf32>
      %swap3A_45 = arith.index_cast %scan3A_29 : i32 to index
      %swap3A_46 = arith.constant 32 : index
      %swap3A_47 = tpu.vector_load %arg9[%swap3A_45, %swap3A_46] {strides = array<i32>} : memref<128x128xf32, #tpu.memory_space<vmem>>, vector<1x16xf32>,
      %swap3A_48 = vector.shape_cast %swap3A_47 : vector<1x16xf32> to vector<16xf32>
      %swap3A_49 = vector.shape_cast %broadcast_in_dim3A_44 : vector<16xf32> to vector<1x16xf32>
      tpu.vector_store %arg9[%swap3A_45, %swap3A_46], %swap3A_49 {strides = array<i32>} : memref<128x128xf32, #tpu.memory_space<vmem>>, vector<1x16xf32>,
      %broadcast_in_dim3A_50 = arith.constant 0.000000e+00 : f32
      %broadcast_in_dim3A_51 = vector.broadcast %broadcast_in_dim3A_50 : f32 to vector<16xf32>
      %swap3A_52 = arith.index_cast %scan3A_29 : i32 to index
      %swap3A_53 = arith.constant 48 : index
      %swap3A_54 = tpu.vector_load %arg9[%swap3A_52, %swap3A_53] {strides = array<i32>} : memref<128x128xf32, #tpu.memory_space<vmem>>, vector<1x16xf32>,
      %swap3A_55 = vector.shape_cast %swap3A_54 : vector<1x16xf32> to vector<16xf32>
      %swap3A_56 = vector.shape_cast %broadcast_in_dim3A_51 : vector<16xf32> to vector<1x16xf32>
      tpu.vector_store %arg9[%swap3A_52, %swap3A_53], %swap3A_56 {strides = array<i32>} : memref<128x128xf32, #tpu.memory_space<vmem>>, vector<1x16xf32>,
      %broadcast_in_dim3A_57 = arith.constant 0.000000e+00 : f32
      %broadcast_in_dim3A_58 = vector.broadcast %broadcast_in_dim3A_57 : f32 to vector<16xf32>
      %swap3A_59 = arith.index_cast %scan3A_29 : i32 to index
      %swap3A_60 = arith.constant 64 : index
      %swap3A_61 = tpu.vector_load %arg9[%swap3A_59, %swap3A_60] {strides = array<i32>} : memref<128x128xf32, #tpu.memory_space<vmem>>, vector<1x16xf32>,
      %swap3A_62 = vector.shape_cast %swap3A_61 : vector<1x16xf32> to vector<16xf32>
      %swap3A_63 = vector.shape_cast %broadcast_in_dim3A_58 : vector<16xf32> to vector<1x16xf32>
      tpu.vector_store %arg9[%swap3A_59, %swap3A_60], %swap3A_63 {strides = array<i32>} : memref<128x128xf32, #tpu.memory_space<vmem>>, vector<1x16xf32>,
      %broadcast_in_dim3A_64 = arith.constant 0.000000e+00 : f32
      %broadcast_in_dim3A_65 = vector.broadcast %broadcast_in_dim3A_64 : f32 to vector<16xf32>
      %swap3A_66 = arith.index_cast %scan3A_29 : i32 to index
      %swap3A_67 = arith.constant 80 : index
      %swap3A_68 = tpu.vector_load %arg9[%swap3A_66, %swap3A_67] {strides = array<i32>} : memref<128x128xf32, #tpu.memory_space<vmem>>, vector<1x16xf32>,
      %swap3A_69 = vector.shape_cast %swap3A_68 : vector<1x16xf32> to vector<16xf32>
      %swap3A_70 = vector.shape_cast %broadcast_in_dim3A_65 : vector<16xf32> to vector<1x16xf32>
      tpu.vector_store %arg9[%swap3A_66, %swap3A_67], %swap3A_70 {strides = array<i32>} : memref<128x128xf32, #tpu.memory_space<vmem>>, vector<1x16xf32>,
      %broadcast_in_dim3A_71 = arith.constant 0.000000e+00 : f32
      %broadcast_in_dim3A_72 = vector.broadcast %broadcast_in_dim3A_71 : f32 to vector<16xf32>
      %swap3A_73 = arith.index_cast %scan3A_29 : i32 to index
      %swap3A_74 = arith.constant 96 : index
      %swap3A_75 = tpu.vector_load %arg9[%swap3A_73, %swap3A_74] {strides = array<i32>} : memref<128x128xf32, #tpu.memory_space<vmem>>, vector<1x16xf32>,
      %swap3A_76 = vector.shape_cast %swap3A_75 : vector<1x16xf32> to vector<16xf32>
      %swap3A_77 = vector.shape_cast %broadcast_in_dim3A_72 : vector<16xf32> to vector<1x16xf32>
      tpu.vector_store %arg9[%swap3A_73, %swap3A_74], %swap3A_77 {strides = array<i32>} : memref<128x128xf32, #tpu.memory_space<vmem>>, vector<1x16xf32>,
      %broadcast_in_dim3A_78 = arith.constant 0.000000e+00 : f32
      %broadcast_in_dim3A_79 = vector.broadcast %broadcast_in_dim3A_78 : f32 to vector<16xf32>
      %swap3A_80 = arith.index_cast %scan3A_29 : i32 to index
      %swap3A_81 = arith.constant 112 : index
      %swap3A_82 = tpu.vector_load %arg9[%swap3A_80, %swap3A_81] {strides = array<i32>} : memref<128x128xf32, #tpu.memory_space<vmem>>, vector<1x16xf32>,
      %swap3A_83 = vector.shape_cast %swap3A_82 : vector<1x16xf32> to vector<16xf32>
      %swap3A_84 = vector.shape_cast %broadcast_in_dim3A_79 : vector<16xf32> to vector<1x16xf32>
      tpu.vector_store %arg9[%swap3A_80, %swap3A_81], %swap3A_84 {strides = array<i32>} : memref<128x128xf32, #tpu.memory_space<vmem>>, vector<1x16xf32>,
      %scan3A_85 = arith.constant 0 : i32
      scf.yield %scan3A_85 : i32
    }
    %scan3A_6 = arith.constant 128 : i32
    %scan3A_7 = arith.constant 0 : i32
    %scan3A_8 = arith.constant 0 : i32
    %scan3A_9 = arith.constant 5 : i32
    %scan3A_10 = arith.addi %scan3A_8, %scan3A_9 : i32
    %scan3A_11 = arith.constant 1 : i32
    %scan3A_12 = scf.for %scan3A_29 = %scan3A_8 to %scan3A_10 step %scan3A_11 iter_args(%scan3A_30 = %scan3A_7) -> (i32)  : i32 {
      %mul3A_31 = arith.constant 640 : i32
      %mul3A_32 = arith.muli %arg1, %mul3A_31 : i32
      %mul3A_33 = arith.constant 128 : i32
      %mul3A_34 = arith.muli %scan3A_29, %mul3A_33 : i32
      %add3A_35 = arith.addi %mul3A_32, %mul3A_34 : i32
      "tpu.region"() ({
        %run_scoped3A = tpu.sem_alloc : memref<!tpu.dma_semaphore, #tpu.memory_space<semaphore_mem>>
        %dma_start3A = arith.constant 0 : i32
        %dma_start3A_37 = tpu.memref_slice %arg6[%add3A_35, %dma_start3A] : memref<10240x128xf32, #tpu.memory_space<vmem_shared>> -> memref<128x128xf32, #tpu.memory_space<vmem_shared>>
        %dma_start3A_38 = arith.constant 0 : i32
        %dma_start3A_39 = tpu.memref_slice %arg6[%add3A_35, %dma_start3A_38] : memref<10240x128xf32, #tpu.memory_space<vmem_shared>> -> memref<128x128xf32, #tpu.memory_space<vmem_shared>>
        tpu.enqueue_dma source(%arg9 : memref<128x128xf32, #tpu.memory_space<vmem>>) target(%dma_start3A_39 : memref<128x128xf32, #tpu.memory_space<vmem_shared>>) target_semaphore(%run_scoped3A : memref<!tpu.dma_semaphore, #tpu.memory_space<semaphore_mem>>)
        %dma_wait3A = arith.constant 0 : i32
        %dma_wait3A_40 = tpu.memref_slice %arg6[%add3A_35, %dma_wait3A] : memref<10240x128xf32, #tpu.memory_space<vmem_shared>> -> memref<128x128xf32, #tpu.memory_space<vmem_shared>>
        %dma_wait3A_41 = arith.constant 0 : i32
        %dma_wait3A_42 = tpu.memref_slice %arg6[%add3A_35, %dma_wait3A_41] : memref<10240x128xf32, #tpu.memory_space<vmem_shared>> -> memref<128x128xf32, #tpu.memory_space<vmem_shared>>
        tpu.wait_dma2 semaphore(%run_scoped3A : memref<!tpu.dma_semaphore, #tpu.memory_space<semaphore_mem>>) src(%arg9 : memref<128x128xf32, #tpu.memory_space<vmem>>) dst(%dma_wait3A_42 : memref<128x128xf32, #tpu.memory_space<vmem_shared>>)
        tpu.yield
      }) : () -> ()
      %scan3A_36 = arith.constant 0 : i32
      scf.yield %scan3A_36 : i32
    }
    %scan3A_13 = arith.constant 5 : i32
    %barrier3A = arith.constant 0 : index
    tpu.barrier barrier_id(%barrier3A)
    %scan3A_14 = arith.constant 0 : i32
    %scan3A_15 = arith.constant 0 : i32
    %scan3A_16 = arith.constant 79 : i32
    %scan3A_17 = arith.addi %scan3A_15, %scan3A_16 : i32
    %scan3A_18 = arith.constant 1 : i32
    %scan3A_19 = scf.for %scan3A_29 = %scan3A_15 to %scan3A_17 step %scan3A_18 iter_args(%scan3A_30 = %scan3A_14) -> (i32)  : i32 {
      "tpu.region"() ({
        %run_scoped3A = tpu.sem_alloc : memref<!tpu.dma_semaphore, #tpu.memory_space<semaphore_mem>>
        %dma_start3A_36 = arith.constant 0 : i32
        %dma_start3A_37 = tpu.memref_slice %arg3[%add3A, %scan3A_29, %dma_start3A_36] : memref<32x79x128xi32, #tpu.memory_space<hbm>> -> memref<1x1x128xi32, #tpu.memory_space<hbm>>
        %dma_start3A_38 = tpu.memref_squeeze %dma_start3A_37 : memref<1x1x128xi32, #tpu.memory_space<hbm>> -> memref<128xi32, #tpu.memory_space<hbm>>
        %dma_start3A_39 = arith.constant 0 : i32
        %dma_start3A_40 = tpu.memref_slice %arg3[%add3A, %scan3A_29, %dma_start3A_39] : memref<32x79x128xi32, #tpu.memory_space<hbm>> -> memref<1x1x128xi32, #tpu.memory_space<hbm>>
        %dma_start3A_41 = tpu.memref_squeeze %dma_start3A_40 : memref<1x1x128xi32, #tpu.memory_space<hbm>> -> memref<128xi32, #tpu.memory_space<hbm>>
        tpu.enqueue_dma source(%dma_start3A_41 : memref<128xi32, #tpu.memory_space<hbm>>) target(%arg7 : memref<128xi32, #tpu.memory_space<vmem>>) target_semaphore(%run_scoped3A : memref<!tpu.dma_semaphore, #tpu.memory_space<semaphore_mem>>)
        %dma_wait3A_42 = arith.constant 0 : i32
        %dma_wait3A_43 = tpu.memref_slice %arg3[%add3A, %scan3A_29, %dma_wait3A_42] : memref<32x79x128xi32, #tpu.memory_space<hbm>> -> memref<1x1x128xi32, #tpu.memory_space<hbm>>
        %dma_wait3A_44 = tpu.memref_squeeze %dma_wait3A_43 : memref<1x1x128xi32, #tpu.memory_space<hbm>> -> memref<128xi32, #tpu.memory_space<hbm>>
        %dma_wait3A_45 = arith.constant 0 : i32
        %dma_wait3A_46 = tpu.memref_slice %arg3[%add3A, %scan3A_29, %dma_wait3A_45] : memref<32x79x128xi32, #tpu.memory_space<hbm>> -> memref<1x1x128xi32, #tpu.memory_space<hbm>>
        %dma_wait3A_47 = tpu.memref_squeeze %dma_wait3A_46 : memref<1x1x128xi32, #tpu.memory_space<hbm>> -> memref<128xi32, #tpu.memory_space<hbm>>
        tpu.wait_dma2 semaphore(%run_scoped3A : memref<!tpu.dma_semaphore, #tpu.memory_space<semaphore_mem>>) src(%dma_wait3A_47 : memref<128xi32, #tpu.memory_space<hbm>>) dst(%arg7 : memref<128xi32, #tpu.memory_space<vmem>>)
        tpu.yield
      }) : () -> ()
      "tpu.region"() ({
        %run_scoped3A = tpu.sem_alloc : memref<!tpu.dma_semaphore, #tpu.memory_space<semaphore_mem>>
        %dma_start3A_36 = arith.constant 0 : i32
        %dma_start3A_37 = tpu.memref_slice %arg4[%add3A, %scan3A_29, %dma_start3A_36] : memref<32x79x128xi32, #tpu.memory_space<hbm>> -> memref<1x1x128xi32, #tpu.memory_space<hbm>>
        %dma_start3A_38 = tpu.memref_squeeze %dma_start3A_37 : memref<1x1x128xi32, #tpu.memory_space<hbm>> -> memref<128xi32, #tpu.memory_space<hbm>>
        %dma_start3A_39 = arith.constant 0 : i32
        %dma_start3A_40 = tpu.memref_slice %arg4[%add3A, %scan3A_29, %dma_start3A_39] : memref<32x79x128xi32, #tpu.memory_space<hbm>> -> memref<1x1x128xi32, #tpu.memory_space<hbm>>
        %dma_start3A_41 = tpu.memref_squeeze %dma_start3A_40 : memref<1x1x128xi32, #tpu.memory_space<hbm>> -> memref<128xi32, #tpu.memory_space<hbm>>
        tpu.enqueue_dma source(%dma_start3A_41 : memref<128xi32, #tpu.memory_space<hbm>>) target(%arg8 : memref<128xi32, #tpu.memory_space<vmem>>) target_semaphore(%run_scoped3A : memref<!tpu.dma_semaphore, #tpu.memory_space<semaphore_mem>>)
        %dma_wait3A_42 = arith.constant 0 : i32
        %dma_wait3A_43 = tpu.memref_slice %arg4[%add3A, %scan3A_29, %dma_wait3A_42] : memref<32x79x128xi32, #tpu.memory_space<hbm>> -> memref<1x1x128xi32, #tpu.memory_space<hbm>>
        %dma_wait3A_44 = tpu.memref_squeeze %dma_wait3A_43 : memref<1x1x128xi32, #tpu.memory_space<hbm>> -> memref<128xi32, #tpu.memory_space<hbm>>
        %dma_wait3A_45 = arith.constant 0 : i32
        %dma_wait3A_46 = tpu.memref_slice %arg4[%add3A, %scan3A_29, %dma_wait3A_45] : memref<32x79x128xi32, #tpu.memory_space<hbm>> -> memref<1x1x128xi32, #tpu.memory_space<hbm>>
        %dma_wait3A_47 = tpu.memref_squeeze %dma_wait3A_46 : memref<1x1x128xi32, #tpu.memory_space<hbm>> -> memref<128xi32, #tpu.memory_space<hbm>>
        tpu.wait_dma2 semaphore(%run_scoped3A : memref<!tpu.dma_semaphore, #tpu.memory_space<semaphore_mem>>) src(%dma_wait3A_47 : memref<128xi32, #tpu.memory_space<hbm>>) dst(%arg8 : memref<128xi32, #tpu.memory_space<vmem>>)
        tpu.yield
      }) : () -> ()
      %dma_start3A = arith.constant 0 : i32
      %dma_start3A_31 = arith.constant 0 : i32
      %dma_start3A_32 = tpu.memref_slice %arg2[%dma_start3A, %dma_start3A_31] : memref<10240x128xf32, #tpu.memory_space<hbm>> -> memref<10240x128xf32, #tpu.memory_space<hbm>>
      tpu.enqueue_indirect_dma source(%dma_start3A_32 : memref<10240x128xf32, #tpu.memory_space<hbm>>) target(%arg9 : memref<128x128xf32, #tpu.memory_space<vmem>>) offsets(%arg7 : memref<128xi32, #tpu.memory_space<vmem>>) semaphore(%arg10 : memref<!tpu.dma_semaphore, #tpu.memory_space<semaphore_mem>>)
      %dma_wait3A = arith.constant 0 : i32
      %dma_wait3A_33 = arith.constant 0 : i32
      %dma_wait3A_34 = tpu.memref_slice %arg2[%dma_wait3A, %dma_wait3A_33] : memref<10240x128xf32, #tpu.memory_space<hbm>> -> memref<10240x128xf32, #tpu.memory_space<hbm>>
      tpu.wait_indirect_dma semaphore(%arg10 : memref<!tpu.dma_semaphore, #tpu.memory_space<semaphore_mem>>) src(%dma_wait3A_34 : memref<10240x128xf32, #tpu.memory_space<hbm>>) dst(%arg9 : memref<128x128xf32, #tpu.memory_space<vmem>>)
      "tpu.region"() ({
        %run_scoped3A = tpu.sem_alloc : memref<!tpu.dma_semaphore, #tpu.memory_space<semaphore_mem>>
        %dma_start3A_36 = arith.constant 0 : i32
        %dma_start3A_37 = arith.constant 0 : i32
        %dma_start3A_38 = tpu.memref_slice %arg6[%dma_start3A_36, %dma_start3A_37] : memref<10240x128xf32, #tpu.memory_space<vmem_shared>> -> memref<10240x128xf32, #tpu.memory_space<vmem_shared>>
        tpu.enqueue_indirect_dma source(%arg9 : memref<128x128xf32, #tpu.memory_space<vmem>>) target(%dma_start3A_38 : memref<10240x128xf32, #tpu.memory_space<vmem_shared>>) offsets(%arg8 : memref<128xi32, #tpu.memory_space<vmem>>) semaphore(%run_scoped3A : memref<!tpu.dma_semaphore, #tpu.memory_space<semaphore_mem>>) {add = true}
        %dma_wait3A_39 = arith.constant 0 : i32
        %dma_wait3A_40 = arith.constant 0 : i32
        %dma_wait3A_41 = tpu.memref_slice %arg6[%dma_wait3A_39, %dma_wait3A_40] : memref<10240x128xf32, #tpu.memory_space<vmem_shared>> -> memref<10240x128xf32, #tpu.memory_space<vmem_shared>>
        tpu.wait_indirect_dma semaphore(%run_scoped3A : memref<!tpu.dma_semaphore, #tpu.memory_space<semaphore_mem>>) src(%arg9 : memref<128x128xf32, #tpu.memory_space<vmem>>) dst(%dma_wait3A_41 : memref<10240x128xf32, #tpu.memory_space<vmem_shared>>)
        tpu.yield
      }) : () -> ()
      %scan3A_35 = arith.constant 0 : i32
      scf.yield %scan3A_35 : i32
    }
    %scan3A_20 = arith.constant 79 : i32
    %barrier3A_21 = arith.constant 0 : index
    tpu.barrier barrier_id(%barrier3A_21)
    %scan3A_22 = arith.constant 0 : i32
    %scan3A_23 = arith.constant 0 : i32
    %scan3A_24 = arith.constant 5 : i32
    %scan3A_25 = arith.addi %scan3A_23, %scan3A_24 : i32
    %scan3A_26 = arith.constant 1 : i32
    %scan3A_27 = scf.for %scan3A_29 = %scan3A_23 to %scan3A_25 step %scan3A_26 iter_args(%scan3A_30 = %scan3A_22) -> (i32)  : i32 {
      %mul3A_31 = arith.constant 640 : i32
      %mul3A_32 = arith.muli %arg1, %mul3A_31 : i32
      %mul3A_33 = arith.constant 128 : i32
      %mul3A_34 = arith.muli %scan3A_29, %mul3A_33 : i32
      %add3A_35 = arith.addi %mul3A_32, %mul3A_34 : i32
      "tpu.region"() ({
        %run_scoped3A = tpu.sem_alloc : memref<!tpu.dma_semaphore, #tpu.memory_space<semaphore_mem>>
        %dma_start3A = arith.constant 0 : i32
        %dma_start3A_37 = tpu.memref_slice %arg6[%add3A_35, %dma_start3A] : memref<10240x128xf32, #tpu.memory_space<vmem_shared>> -> memref<128x128xf32, #tpu.memory_space<vmem_shared>>
        %dma_start3A_38 = arith.constant 0 : i32
        %dma_start3A_39 = tpu.memref_slice %arg6[%add3A_35, %dma_start3A_38] : memref<10240x128xf32, #tpu.memory_space<vmem_shared>> -> memref<128x128xf32, #tpu.memory_space<vmem_shared>>
        tpu.enqueue_dma source(%dma_start3A_39 : memref<128x128xf32, #tpu.memory_space<vmem_shared>>) target(%arg9 : memref<128x128xf32, #tpu.memory_space<vmem>>) target_semaphore(%run_scoped3A : memref<!tpu.dma_semaphore, #tpu.memory_space<semaphore_mem>>)
        %dma_wait3A = arith.constant 0 : i32
        %dma_wait3A_40 = tpu.memref_slice %arg6[%add3A_35, %dma_wait3A] : memref<10240x128xf32, #tpu.memory_space<vmem_shared>> -> memref<128x128xf32, #tpu.memory_space<vmem_shared>>
        %dma_wait3A_41 = arith.constant 0 : i32
        %dma_wait3A_42 = tpu.memref_slice %arg6[%add3A_35, %dma_wait3A_41] : memref<10240x128xf32, #tpu.memory_space<vmem_shared>> -> memref<128x128xf32, #tpu.memory_space<vmem_shared>>
        tpu.wait_dma2 semaphore(%run_scoped3A : memref<!tpu.dma_semaphore, #tpu.memory_space<semaphore_mem>>) src(%dma_wait3A_42 : memref<128x128xf32, #tpu.memory_space<vmem_shared>>) dst(%arg9 : memref<128x128xf32, #tpu.memory_space<vmem>>)
        tpu.yield
      }) : () -> ()
      "tpu.region"() ({
        %run_scoped3A = tpu.sem_alloc : memref<!tpu.dma_semaphore, #tpu.memory_space<semaphore_mem>>
        %dma_start3A = arith.constant 0 : i32
        %dma_start3A_37 = tpu.memref_slice %arg5[%arg0, %add3A_35, %dma_start3A] : memref<2x10240x128xf32, #tpu.memory_space<hbm>> -> memref<1x128x128xf32, #tpu.memory_space<hbm>>
        %dma_start3A_38 = tpu.memref_squeeze %dma_start3A_37 : memref<1x128x128xf32, #tpu.memory_space<hbm>> -> memref<128x128xf32, #tpu.memory_space<hbm>>
        %dma_start3A_39 = arith.constant 0 : i32
        %dma_start3A_40 = tpu.memref_slice %arg5[%arg0, %add3A_35, %dma_start3A_39] : memref<2x10240x128xf32, #tpu.memory_space<hbm>> -> memref<1x128x128xf32, #tpu.memory_space<hbm>>
        %dma_start3A_41 = tpu.memref_squeeze %dma_start3A_40 : memref<1x128x128xf32, #tpu.memory_space<hbm>> -> memref<128x128xf32, #tpu.memory_space<hbm>>
        tpu.enqueue_dma source(%arg9 : memref<128x128xf32, #tpu.memory_space<vmem>>) target(%dma_start3A_41 : memref<128x128xf32, #tpu.memory_space<hbm>>) target_semaphore(%run_scoped3A : memref<!tpu.dma_semaphore, #tpu.memory_space<semaphore_mem>>)
        %dma_wait3A = arith.constant 0 : i32
        %dma_wait3A_42 = tpu.memref_slice %arg5[%arg0, %add3A_35, %dma_wait3A] : memref<2x10240x128xf32, #tpu.memory_space<hbm>> -> memref<1x128x128xf32, #tpu.memory_space<hbm>>
        %dma_wait3A_43 = tpu.memref_squeeze %dma_wait3A_42 : memref<1x128x128xf32, #tpu.memory_space<hbm>> -> memref<128x128xf32, #tpu.memory_space<hbm>>
        %dma_wait3A_44 = arith.constant 0 : i32
        %dma_wait3A_45 = tpu.memref_slice %arg5[%arg0, %add3A_35, %dma_wait3A_44] : memref<2x10240x128xf32, #tpu.memory_space<hbm>> -> memref<1x128x128xf32, #tpu.memory_space<hbm>>
        %dma_wait3A_46 = tpu.memref_squeeze %dma_wait3A_45 : memref<1x128x128xf32, #tpu.memory_space<hbm>> -> memref<128x128xf32, #tpu.memory_space<hbm>>
        tpu.wait_dma2 semaphore(%run_scoped3A : memref<!tpu.dma_semaphore, #tpu.memory_space<semaphore_mem>>) src(%arg9 : memref<128x128xf32, #tpu.memory_space<vmem>>) dst(%dma_wait3A_46 : memref<128x128xf32, #tpu.memory_space<hbm>>)
        tpu.yield
      }) : () -> ()
      %scan3A_36 = arith.constant 0 : i32
      scf.yield %scan3A_36 : i32
    }
    %scan3A_28 = arith.constant 5 : i32
    return
  }
}

#map = affine_map<(d0, d1) -> (0, 0)>
#map1 = affine_map<(d0, d1) -> (0, 0, 0)>
module attributes {stable_mosaic.version = 14 : i64} {
  func.func @scatter_k(%arg0: i32, %arg1: i32, %arg2: memref<10240x128xf32, #tpu.memory_space<hbm>>, %arg3: memref<32x79x128xi32, #tpu.memory_space<hbm>>, %arg4: memref<32x79x128xi32, #tpu.memory_space<hbm>>, %arg5: memref<2x10240x128xf32, #tpu.memory_space<hbm>>, %arg6: memref<10240x128xf32, #tpu.memory_space<vmem_shared>>, %arg7: memref<128xi32, #tpu.memory_space<vmem>>, %arg8: memref<128xi32, #tpu.memory_space<vmem>>, %arg9: memref<128x128xf32, #tpu.memory_space<vmem>>, %arg10: memref<!tpu.dma_semaphore, #tpu.memory_space<semaphore_mem>>) attributes {dimension_semantics = [#tpu.dimension_semantics<core_parallel>, #tpu.dimension_semantics<subcore_parallel>], iteration_bounds = array<i64: 2, 16>, scalar_prefetch = 0 : i64, scratch_operands = 5 : i64, tpu.core_type = #tpu.core_type<sc_vector_subcore>, window_params = [{transform_indices = #map}, {transform_indices = #map1}, {transform_indices = #map1}, {transform_indices = #map1}]} {
    %mul3A = arith.constant 2 : i32
    %mul3A_0 = arith.muli %arg1, %mul3A : i32
    %add3A = arith.addi %mul3A_0, %arg0 : i32
    %scan3A = arith.constant 0 : i32
    %scan3A_1 = arith.constant 0 : i32
    %scan3A_2 = arith.constant 128 : i32
    %scan3A_3 = arith.addi %scan3A_1, %scan3A_2 : i32
    %scan3A_4 = arith.constant 1 : i32
    %scan3A_5 = scf.for %scan3A_29 = %scan3A_1 to %scan3A_3 step %scan3A_4 iter_args(%scan3A_30 = %scan3A) -> (i32)  : i32 {
      %broadcast_in_dim3A = arith.constant 0.000000e+00 : f32
      %broadcast_in_dim3A_31 = vector.broadcast %broadcast_in_dim3A : f32 to vector<16xf32>
      %swap3A = arith.index_cast %scan3A_29 : i32 to index
      %swap3A_32 = arith.constant 0 : index
      %swap3A_33 = tpu.vector_load %arg9[%swap3A, %swap3A_32] {strides = array<i32>} : memref<128x128xf32, #tpu.memory_space<vmem>>, vector<1x16xf32>,
      %swap3A_34 = vector.shape_cast %swap3A_33 : vector<1x16xf32> to vector<16xf32>
      %swap3A_35 = vector.shape_cast %broadcast_in_dim3A_31 : vector<16xf32> to vector<1x16xf32>
      tpu.vector_store %arg9[%swap3A, %swap3A_32], %swap3A_35 {strides = array<i32>} : memref<128x128xf32, #tpu.memory_space<vmem>>, vector<1x16xf32>,
      %broadcast_in_dim3A_36 = arith.constant 0.000000e+00 : f32
      %broadcast_in_dim3A_37 = vector.broadcast %broadcast_in_dim3A_36 : f32 to vector<16xf32>
      %swap3A_38 = arith.index_cast %scan3A_29 : i32 to index
      %swap3A_39 = arith.constant 16 : index
      %swap3A_40 = tpu.vector_load %arg9[%swap3A_38, %swap3A_39] {strides = array<i32>} : memref<128x128xf32, #tpu.memory_space<vmem>>, vector<1x16xf32>,
      %swap3A_41 = vector.shape_cast %swap3A_40 : vector<1x16xf32> to vector<16xf32>
      %swap3A_42 = vector.shape_cast %broadcast_in_dim3A_37 : vector<16xf32> to vector<1x16xf32>
      tpu.vector_store %arg9[%swap3A_38, %swap3A_39], %swap3A_42 {strides = array<i32>} : memref<128x128xf32, #tpu.memory_space<vmem>>, vector<1x16xf32>,
      %broadcast_in_dim3A_43 = arith.constant 0.000000e+00 : f32
      %broadcast_in_dim3A_44 = vector.broadcast %broadcast_in_dim3A_43 : f32 to vector<16xf32>
      %swap3A_45 = arith.index_cast %scan3A_29 : i32 to index
      %swap3A_46 = arith.constant 32 : index
      %swap3A_47 = tpu.vector_load %arg9[%swap3A_45, %swap3A_46] {strides = array<i32>} : memref<128x128xf32, #tpu.memory_space<vmem>>, vector<1x16xf32>,
      %swap3A_48 = vector.shape_cast %swap3A_47 : vector<1x16xf32> to vector<16xf32>
      %swap3A_49 = vector.shape_cast %broadcast_in_dim3A_44 : vector<16xf32> to vector<1x16xf32>
      tpu.vector_store %arg9[%swap3A_45, %swap3A_46], %swap3A_49 {strides = array<i32>} : memref<128x128xf32, #tpu.memory_space<vmem>>, vector<1x16xf32>,
      %broadcast_in_dim3A_50 = arith.constant 0.000000e+00 : f32
      %broadcast_in_dim3A_51 = vector.broadcast %broadcast_in_dim3A_50 : f32 to vector<16xf32>
      %swap3A_52 = arith.index_cast %scan3A_29 : i32 to index
      %swap3A_53 = arith.constant 48 : index
      %swap3A_54 = tpu.vector_load %arg9[%swap3A_52, %swap3A_53] {strides = array<i32>} : memref<128x128xf32, #tpu.memory_space<vmem>>, vector<1x16xf32>,
      %swap3A_55 = vector.shape_cast %swap3A_54 : vector<1x16xf32> to vector<16xf32>
      %swap3A_56 = vector.shape_cast %broadcast_in_dim3A_51 : vector<16xf32> to vector<1x16xf32>
      tpu.vector_store %arg9[%swap3A_52, %swap3A_53], %swap3A_56 {strides = array<i32>} : memref<128x128xf32, #tpu.memory_space<vmem>>, vector<1x16xf32>,
      %broadcast_in_dim3A_57 = arith.constant 0.000000e+00 : f32
      %broadcast_in_dim3A_58 = vector.broadcast %broadcast_in_dim3A_57 : f32 to vector<16xf32>
      %swap3A_59 = arith.index_cast %scan3A_29 : i32 to index
      %swap3A_60 = arith.constant 64 : index
      %swap3A_61 = tpu.vector_load %arg9[%swap3A_59, %swap3A_60] {strides = array<i32>} : memref<128x128xf32, #tpu.memory_space<vmem>>, vector<1x16xf32>,
      %swap3A_62 = vector.shape_cast %swap3A_61 : vector<1x16xf32> to vector<16xf32>
      %swap3A_63 = vector.shape_cast %broadcast_in_dim3A_58 : vector<16xf32> to vector<1x16xf32>
      tpu.vector_store %arg9[%swap3A_59, %swap3A_60], %swap3A_63 {strides = array<i32>} : memref<128x128xf32, #tpu.memory_space<vmem>>, vector<1x16xf32>,
      %broadcast_in_dim3A_64 = arith.constant 0.000000e+00 : f32
      %broadcast_in_dim3A_65 = vector.broadcast %broadcast_in_dim3A_64 : f32 to vector<16xf32>
      %swap3A_66 = arith.index_cast %scan3A_29 : i32 to index
      %swap3A_67 = arith.constant 80 : index
      %swap3A_68 = tpu.vector_load %arg9[%swap3A_66, %swap3A_67] {strides = array<i32>} : memref<128x128xf32, #tpu.memory_space<vmem>>, vector<1x16xf32>,
      %swap3A_69 = vector.shape_cast %swap3A_68 : vector<1x16xf32> to vector<16xf32>
      %swap3A_70 = vector.shape_cast %broadcast_in_dim3A_65 : vector<16xf32> to vector<1x16xf32>
      tpu.vector_store %arg9[%swap3A_66, %swap3A_67], %swap3A_70 {strides = array<i32>} : memref<128x128xf32, #tpu.memory_space<vmem>>, vector<1x16xf32>,
      %broadcast_in_dim3A_71 = arith.constant 0.000000e+00 : f32
      %broadcast_in_dim3A_72 = vector.broadcast %broadcast_in_dim3A_71 : f32 to vector<16xf32>
      %swap3A_73 = arith.index_cast %scan3A_29 : i32 to index
      %swap3A_74 = arith.constant 96 : index
      %swap3A_75 = tpu.vector_load %arg9[%swap3A_73, %swap3A_74] {strides = array<i32>} : memref<128x128xf32, #tpu.memory_space<vmem>>, vector<1x16xf32>,
      %swap3A_76 = vector.shape_cast %swap3A_75 : vector<1x16xf32> to vector<16xf32>
      %swap3A_77 = vector.shape_cast %broadcast_in_dim3A_72 : vector<16xf32> to vector<1x16xf32>
      tpu.vector_store %arg9[%swap3A_73, %swap3A_74], %swap3A_77 {strides = array<i32>} : memref<128x128xf32, #tpu.memory_space<vmem>>, vector<1x16xf32>,
      %broadcast_in_dim3A_78 = arith.constant 0.000000e+00 : f32
      %broadcast_in_dim3A_79 = vector.broadcast %broadcast_in_dim3A_78 : f32 to vector<16xf32>
      %swap3A_80 = arith.index_cast %scan3A_29 : i32 to index
      %swap3A_81 = arith.constant 112 : index
      %swap3A_82 = tpu.vector_load %arg9[%swap3A_80, %swap3A_81] {strides = array<i32>} : memref<128x128xf32, #tpu.memory_space<vmem>>, vector<1x16xf32>,
      %swap3A_83 = vector.shape_cast %swap3A_82 : vector<1x16xf32> to vector<16xf32>
      %swap3A_84 = vector.shape_cast %broadcast_in_dim3A_79 : vector<16xf32> to vector<1x16xf32>
      tpu.vector_store %arg9[%swap3A_80, %swap3A_81], %swap3A_84 {strides = array<i32>} : memref<128x128xf32, #tpu.memory_space<vmem>>, vector<1x16xf32>,
      %scan3A_85 = arith.constant 0 : i32
      scf.yield %scan3A_85 : i32
    }
    %scan3A_6 = arith.constant 128 : i32
    %scan3A_7 = arith.constant 0 : i32
    %scan3A_8 = arith.constant 0 : i32
    %scan3A_9 = arith.constant 5 : i32
    %scan3A_10 = arith.addi %scan3A_8, %scan3A_9 : i32
    %scan3A_11 = arith.constant 1 : i32
    %scan3A_12 = scf.for %scan3A_29 = %scan3A_8 to %scan3A_10 step %scan3A_11 iter_args(%scan3A_30 = %scan3A_7) -> (i32)  : i32 {
      %mul3A_31 = arith.constant 640 : i32
      %mul3A_32 = arith.muli %arg1, %mul3A_31 : i32
      %mul3A_33 = arith.constant 128 : i32
      %mul3A_34 = arith.muli %scan3A_29, %mul3A_33 : i32
      %add3A_35 = arith.addi %mul3A_32, %mul3A_34 : i32
      "tpu.region"() ({
        %run_scoped3A = tpu.sem_alloc : memref<!tpu.dma_semaphore, #tpu.memory_space<semaphore_mem>>
        %dma_start3A = arith.constant 0 : i32
        %dma_start3A_37 = tpu.memref_slice %arg6[%add3A_35, %dma_start3A] : memref<10240x128xf32, #tpu.memory_space<vmem_shared>> -> memref<128x128xf32, #tpu.memory_space<vmem_shared>>
        %dma_start3A_38 = arith.constant 0 : i32
        %dma_start3A_39 = tpu.memref_slice %arg6[%add3A_35, %dma_start3A_38] : memref<10240x128xf32, #tpu.memory_space<vmem_shared>> -> memref<128x128xf32, #tpu.memory_space<vmem_shared>>
        tpu.enqueue_dma source(%arg9 : memref<128x128xf32, #tpu.memory_space<vmem>>) target(%dma_start3A_39 : memref<128x128xf32, #tpu.memory_space<vmem_shared>>) target_semaphore(%run_scoped3A : memref<!tpu.dma_semaphore, #tpu.memory_space<semaphore_mem>>)
        %dma_wait3A = arith.constant 0 : i32
        %dma_wait3A_40 = tpu.memref_slice %arg6[%add3A_35, %dma_wait3A] : memref<10240x128xf32, #tpu.memory_space<vmem_shared>> -> memref<128x128xf32, #tpu.memory_space<vmem_shared>>
        %dma_wait3A_41 = arith.constant 0 : i32
        %dma_wait3A_42 = tpu.memref_slice %arg6[%add3A_35, %dma_wait3A_41] : memref<10240x128xf32, #tpu.memory_space<vmem_shared>> -> memref<128x128xf32, #tpu.memory_space<vmem_shared>>
        tpu.wait_dma2 semaphore(%run_scoped3A : memref<!tpu.dma_semaphore, #tpu.memory_space<semaphore_mem>>) src(%arg9 : memref<128x128xf32, #tpu.memory_space<vmem>>) dst(%dma_wait3A_42 : memref<128x128xf32, #tpu.memory_space<vmem_shared>>)
        tpu.yield
      }) : () -> ()
      %scan3A_36 = arith.constant 0 : i32
      scf.yield %scan3A_36 : i32
    }
    %scan3A_13 = arith.constant 5 : i32
    %barrier3A = arith.constant 0 : index
    tpu.barrier barrier_id(%barrier3A)
    %scan3A_14 = arith.constant 0 : i32
    %scan3A_15 = arith.constant 0 : i32
    %scan3A_16 = arith.constant 79 : i32
    %scan3A_17 = arith.addi %scan3A_15, %scan3A_16 : i32
    %scan3A_18 = arith.constant 1 : i32
    %scan3A_19 = scf.for %scan3A_29 = %scan3A_15 to %scan3A_17 step %scan3A_18 iter_args(%scan3A_30 = %scan3A_14) -> (i32)  : i32 {
      "tpu.region"() ({
        %run_scoped3A = tpu.sem_alloc : memref<!tpu.dma_semaphore, #tpu.memory_space<semaphore_mem>>
        %dma_start3A_36 = arith.constant 0 : i32
        %dma_start3A_37 = tpu.memref_slice %arg3[%add3A, %scan3A_29, %dma_start3A_36] : memref<32x79x128xi32, #tpu.memory_space<hbm>> -> memref<1x1x128xi32, #tpu.memory_space<hbm>>
        %dma_start3A_38 = tpu.memref_squeeze %dma_start3A_37 : memref<1x1x128xi32, #tpu.memory_space<hbm>> -> memref<128xi32, #tpu.memory_space<hbm>>
        %dma_start3A_39 = arith.constant 0 : i32
        %dma_start3A_40 = tpu.memref_slice %arg3[%add3A, %scan3A_29, %dma_start3A_39] : memref<32x79x128xi32, #tpu.memory_space<hbm>> -> memref<1x1x128xi32, #tpu.memory_space<hbm>>
        %dma_start3A_41 = tpu.memref_squeeze %dma_start3A_40 : memref<1x1x128xi32, #tpu.memory_space<hbm>> -> memref<128xi32, #tpu.memory_space<hbm>>
        tpu.enqueue_dma source(%dma_start3A_41 : memref<128xi32, #tpu.memory_space<hbm>>) target(%arg7 : memref<128xi32, #tpu.memory_space<vmem>>) target_semaphore(%run_scoped3A : memref<!tpu.dma_semaphore, #tpu.memory_space<semaphore_mem>>)
        %dma_wait3A_42 = arith.constant 0 : i32
        %dma_wait3A_43 = tpu.memref_slice %arg3[%add3A, %scan3A_29, %dma_wait3A_42] : memref<32x79x128xi32, #tpu.memory_space<hbm>> -> memref<1x1x128xi32, #tpu.memory_space<hbm>>
        %dma_wait3A_44 = tpu.memref_squeeze %dma_wait3A_43 : memref<1x1x128xi32, #tpu.memory_space<hbm>> -> memref<128xi32, #tpu.memory_space<hbm>>
        %dma_wait3A_45 = arith.constant 0 : i32
        %dma_wait3A_46 = tpu.memref_slice %arg3[%add3A, %scan3A_29, %dma_wait3A_45] : memref<32x79x128xi32, #tpu.memory_space<hbm>> -> memref<1x1x128xi32, #tpu.memory_space<hbm>>
        %dma_wait3A_47 = tpu.memref_squeeze %dma_wait3A_46 : memref<1x1x128xi32, #tpu.memory_space<hbm>> -> memref<128xi32, #tpu.memory_space<hbm>>
        tpu.wait_dma2 semaphore(%run_scoped3A : memref<!tpu.dma_semaphore, #tpu.memory_space<semaphore_mem>>) src(%dma_wait3A_47 : memref<128xi32, #tpu.memory_space<hbm>>) dst(%arg7 : memref<128xi32, #tpu.memory_space<vmem>>)
        tpu.yield
      }) : () -> ()
      "tpu.region"() ({
        %run_scoped3A = tpu.sem_alloc : memref<!tpu.dma_semaphore, #tpu.memory_space<semaphore_mem>>
        %dma_start3A_36 = arith.constant 0 : i32
        %dma_start3A_37 = tpu.memref_slice %arg4[%add3A, %scan3A_29, %dma_start3A_36] : memref<32x79x128xi32, #tpu.memory_space<hbm>> -> memref<1x1x128xi32, #tpu.memory_space<hbm>>
        %dma_start3A_38 = tpu.memref_squeeze %dma_start3A_37 : memref<1x1x128xi32, #tpu.memory_space<hbm>> -> memref<128xi32, #tpu.memory_space<hbm>>
        %dma_start3A_39 = arith.constant 0 : i32
        %dma_start3A_40 = tpu.memref_slice %arg4[%add3A, %scan3A_29, %dma_start3A_39] : memref<32x79x128xi32, #tpu.memory_space<hbm>> -> memref<1x1x128xi32, #tpu.memory_space<hbm>>
        %dma_start3A_41 = tpu.memref_squeeze %dma_start3A_40 : memref<1x1x128xi32, #tpu.memory_space<hbm>> -> memref<128xi32, #tpu.memory_space<hbm>>
        tpu.enqueue_dma source(%dma_start3A_41 : memref<128xi32, #tpu.memory_space<hbm>>) target(%arg8 : memref<128xi32, #tpu.memory_space<vmem>>) target_semaphore(%run_scoped3A : memref<!tpu.dma_semaphore, #tpu.memory_space<semaphore_mem>>)
        %dma_wait3A_42 = arith.constant 0 : i32
        %dma_wait3A_43 = tpu.memref_slice %arg4[%add3A, %scan3A_29, %dma_wait3A_42] : memref<32x79x128xi32, #tpu.memory_space<hbm>> -> memref<1x1x128xi32, #tpu.memory_space<hbm>>
        %dma_wait3A_44 = tpu.memref_squeeze %dma_wait3A_43 : memref<1x1x128xi32, #tpu.memory_space<hbm>> -> memref<128xi32, #tpu.memory_space<hbm>>
        %dma_wait3A_45 = arith.constant 0 : i32
        %dma_wait3A_46 = tpu.memref_slice %arg4[%add3A, %scan3A_29, %dma_wait3A_45] : memref<32x79x128xi32, #tpu.memory_space<hbm>> -> memref<1x1x128xi32, #tpu.memory_space<hbm>>
        %dma_wait3A_47 = tpu.memref_squeeze %dma_wait3A_46 : memref<1x1x128xi32, #tpu.memory_space<hbm>> -> memref<128xi32, #tpu.memory_space<hbm>>
        tpu.wait_dma2 semaphore(%run_scoped3A : memref<!tpu.dma_semaphore, #tpu.memory_space<semaphore_mem>>) src(%dma_wait3A_47 : memref<128xi32, #tpu.memory_space<hbm>>) dst(%arg8 : memref<128xi32, #tpu.memory_space<vmem>>)
        tpu.yield
      }) : () -> ()
      %dma_start3A = arith.constant 0 : i32
      %dma_start3A_31 = arith.constant 0 : i32
      %dma_start3A_32 = tpu.memref_slice %arg2[%dma_start3A, %dma_start3A_31] : memref<10240x128xf32, #tpu.memory_space<hbm>> -> memref<10240x128xf32, #tpu.memory_space<hbm>>
      tpu.enqueue_indirect_dma source(%dma_start3A_32 : memref<10240x128xf32, #tpu.memory_space<hbm>>) target(%arg9 : memref<128x128xf32, #tpu.memory_space<vmem>>) offsets(%arg7 : memref<128xi32, #tpu.memory_space<vmem>>) semaphore(%arg10 : memref<!tpu.dma_semaphore, #tpu.memory_space<semaphore_mem>>)
      %dma_wait3A = arith.constant 0 : i32
      %dma_wait3A_33 = arith.constant 0 : i32
      %dma_wait3A_34 = tpu.memref_slice %arg2[%dma_wait3A, %dma_wait3A_33] : memref<10240x128xf32, #tpu.memory_space<hbm>> -> memref<10240x128xf32, #tpu.memory_space<hbm>>
      tpu.wait_indirect_dma semaphore(%arg10 : memref<!tpu.dma_semaphore, #tpu.memory_space<semaphore_mem>>) src(%dma_wait3A_34 : memref<10240x128xf32, #tpu.memory_space<hbm>>) dst(%arg9 : memref<128x128xf32, #tpu.memory_space<vmem>>)
      "tpu.region"() ({
        %run_scoped3A = tpu.sem_alloc : memref<!tpu.dma_semaphore, #tpu.memory_space<semaphore_mem>>
        %dma_start3A_36 = arith.constant 0 : i32
        %dma_start3A_37 = arith.constant 0 : i32
        %dma_start3A_38 = tpu.memref_slice %arg6[%dma_start3A_36, %dma_start3A_37] : memref<10240x128xf32, #tpu.memory_space<vmem_shared>> -> memref<10240x128xf32, #tpu.memory_space<vmem_shared>>
        tpu.enqueue_indirect_dma source(%arg9 : memref<128x128xf32, #tpu.memory_space<vmem>>) target(%dma_start3A_38 : memref<10240x128xf32, #tpu.memory_space<vmem_shared>>) offsets(%arg8 : memref<128xi32, #tpu.memory_space<vmem>>) semaphore(%run_scoped3A : memref<!tpu.dma_semaphore, #tpu.memory_space<semaphore_mem>>) {add = true}
        %dma_wait3A_39 = arith.constant 0 : i32
        %dma_wait3A_40 = arith.constant 0 : i32
        %dma_wait3A_41 = tpu.memref_slice %arg6[%dma_wait3A_39, %dma_wait3A_40] : memref<10240x128xf32, #tpu.memory_space<vmem_shared>> -> memref<10240x128xf32, #tpu.memory_space<vmem_shared>>
        tpu.wait_indirect_dma semaphore(%run_scoped3A : memref<!tpu.dma_semaphore, #tpu.memory_space<semaphore_mem>>) src(%arg9 : memref<128x128xf32, #tpu.memory_space<vmem>>) dst(%dma_wait3A_41 : memref<10240x128xf32, #tpu.memory_space<vmem_shared>>)
        tpu.yield
      }) : () -> ()
      %scan3A_35 = arith.constant 0 : i32
      scf.yield %scan3A_35 : i32
    }
    %scan3A_20 = arith.constant 79 : i32
    %barrier3A_21 = arith.constant 0 : index
    tpu.barrier barrier_id(%barrier3A_21)
    %scan3A_22 = arith.constant 0 : i32
    %scan3A_23 = arith.constant 0 : i32
    %scan3A_24 = arith.constant 5 : i32
    %scan3A_25 = arith.addi %scan3A_23, %scan3A_24 : i32
    %scan3A_26 = arith.constant 1 : i32
    %scan3A_27 = scf.for %scan3A_29 = %scan3A_23 to %scan3A_25 step %scan3A_26 iter_args(%scan3A_30 = %scan3A_22) -> (i32)  : i32 {
      %mul3A_31 = arith.constant 640 : i32
      %mul3A_32 = arith.muli %arg1, %mul3A_31 : i32
      %mul3A_33 = arith.constant 128 : i32
      %mul3A_34 = arith.muli %scan3A_29, %mul3A_33 : i32
      %add3A_35 = arith.addi %mul3A_32, %mul3A_34 : i32
      "tpu.region"() ({
        %run_scoped3A = tpu.sem_alloc : memref<!tpu.dma_semaphore, #tpu.memory_space<semaphore_mem>>
        %dma_start3A = arith.constant 0 : i32
        %dma_start3A_37 = tpu.memref_slice %arg6[%add3A_35, %dma_start3A] : memref<10240x128xf32, #tpu.memory_space<vmem_shared>> -> memref<128x128xf32, #tpu.memory_space<vmem_shared>>
        %dma_start3A_38 = arith.constant 0 : i32
        %dma_start3A_39 = tpu.memref_slice %arg6[%add3A_35, %dma_start3A_38] : memref<10240x128xf32, #tpu.memory_space<vmem_shared>> -> memref<128x128xf32, #tpu.memory_space<vmem_shared>>
        tpu.enqueue_dma source(%dma_start3A_39 : memref<128x128xf32, #tpu.memory_space<vmem_shared>>) target(%arg9 : memref<128x128xf32, #tpu.memory_space<vmem>>) target_semaphore(%run_scoped3A : memref<!tpu.dma_semaphore, #tpu.memory_space<semaphore_mem>>)
        %dma_wait3A = arith.constant 0 : i32
        %dma_wait3A_40 = tpu.memref_slice %arg6[%add3A_35, %dma_wait3A] : memref<10240x128xf32, #tpu.memory_space<vmem_shared>> -> memref<128x128xf32, #tpu.memory_space<vmem_shared>>
        %dma_wait3A_41 = arith.constant 0 : i32
        %dma_wait3A_42 = tpu.memref_slice %arg6[%add3A_35, %dma_wait3A_41] : memref<10240x128xf32, #tpu.memory_space<vmem_shared>> -> memref<128x128xf32, #tpu.memory_space<vmem_shared>>
        tpu.wait_dma2 semaphore(%run_scoped3A : memref<!tpu.dma_semaphore, #tpu.memory_space<semaphore_mem>>) src(%dma_wait3A_42 : memref<128x128xf32, #tpu.memory_space<vmem_shared>>) dst(%arg9 : memref<128x128xf32, #tpu.memory_space<vmem>>)
        tpu.yield
      }) : () -> ()
      "tpu.region"() ({
        %run_scoped3A = tpu.sem_alloc : memref<!tpu.dma_semaphore, #tpu.memory_space<semaphore_mem>>
        %dma_start3A = arith.constant 0 : i32
        %dma_start3A_37 = tpu.memref_slice %arg5[%arg0, %add3A_35, %dma_start3A] : memref<2x10240x128xf32, #tpu.memory_space<hbm>> -> memref<1x128x128xf32, #tpu.memory_space<hbm>>
        %dma_start3A_38 = tpu.memref_squeeze %dma_start3A_37 : memref<1x128x128xf32, #tpu.memory_space<hbm>> -> memref<128x128xf32, #tpu.memory_space<hbm>>
        %dma_start3A_39 = arith.constant 0 : i32
        %dma_start3A_40 = tpu.memref_slice %arg5[%arg0, %add3A_35, %dma_start3A_39] : memref<2x10240x128xf32, #tpu.memory_space<hbm>> -> memref<1x128x128xf32, #tpu.memory_space<hbm>>
        %dma_start3A_41 = tpu.memref_squeeze %dma_start3A_40 : memref<1x128x128xf32, #tpu.memory_space<hbm>> -> memref<128x128xf32, #tpu.memory_space<hbm>>
        tpu.enqueue_dma source(%arg9 : memref<128x128xf32, #tpu.memory_space<vmem>>) target(%dma_start3A_41 : memref<128x128xf32, #tpu.memory_space<hbm>>) target_semaphore(%run_scoped3A : memref<!tpu.dma_semaphore, #tpu.memory_space<semaphore_mem>>)
        %dma_wait3A = arith.constant 0 : i32
        %dma_wait3A_42 = tpu.memref_slice %arg5[%arg0, %add3A_35, %dma_wait3A] : memref<2x10240x128xf32, #tpu.memory_space<hbm>> -> memref<1x128x128xf32, #tpu.memory_space<hbm>>
        %dma_wait3A_43 = tpu.memref_squeeze %dma_wait3A_42 : memref<1x128x128xf32, #tpu.memory_space<hbm>> -> memref<128x128xf32, #tpu.memory_space<hbm>>
        %dma_wait3A_44 = arith.constant 0 : i32
        %dma_wait3A_45 = tpu.memref_slice %arg5[%arg0, %add3A_35, %dma_wait3A_44] : memref<2x10240x128xf32, #tpu.memory_space<hbm>> -> memref<1x128x128xf32, #tpu.memory_space<hbm>>
        %dma_wait3A_46 = tpu.memref_squeeze %dma_wait3A_45 : memref<1x128x128xf32, #tpu.memory_space<hbm>> -> memref<128x128xf32, #tpu.memory_space<hbm>>
        tpu.wait_dma2 semaphore(%run_scoped3A : memref<!tpu.dma_semaphore, #tpu.memory_space<semaphore_mem>>) src(%arg9 : memref<128x128xf32, #tpu.memory_space<vmem>>) dst(%dma_wait3A_46 : memref<128x128xf32, #tpu.memory_space<hbm>>)
        tpu.yield
      }) : () -> ()
      %scan3A_36 = arith.constant 0 : i32
      scf.yield %scan3A_36 : i32
    }
    %scan3A_28 = arith.constant 5 : i32
    return
  }
}

module attributes {stable_mosaic.version = 14 : i64} {
  func.func @_prep_body(%arg0: i32, %arg1: memref<2x256x128xf32, #tpu.memory_space<vmem>>, %arg2: memref<256x128xf32, #tpu.memory_space<vmem>>, %arg3: memref<128x128xf32, #tpu.memory_space<vmem>>, %arg4: memref<256x128xf32, #tpu.memory_space<vmem>>, %arg5: memref<256x1xf32, #tpu.memory_space<vmem>>) attributes {dimension_semantics = [#tpu.dimension_semantics<arbitrary>], iteration_bounds = array<i64: 40>, scalar_prefetch = 0 : i64, scratch_operands = 0 : i64, tpu.core_type = #tpu.core_type<tc>, window_params = [{transform_indices = @transform_0, window_bounds = array<i64: 2, 256, 128>}, {transform_indices = @transform_1, window_bounds = array<i64: 256, 128>}, {pipeline_mode = #tpu.pipeline_mode<synchronous>, transform_indices = @transform_2, window_bounds = array<i64: 128, 128>}, {transform_indices = @transform_3, window_bounds = array<i64: 256, 128>}, {transform_indices = @transform_4, window_bounds = array<i64: 256, 1>}]} {
    %get3A = arith.constant 0 : index
    %get3A_0 = arith.constant 0 : index
    %get3A_1 = arith.constant 0 : index
    %get3A_2 = vector.load %arg1[%get3A, %get3A_0, %get3A_1] : memref<2x256x128xf32, #tpu.memory_space<vmem>>, vector<1x256x1xf32>
    %get3A_3 = vector.shape_cast %get3A_2 : vector<1x256x1xf32> to vector<256x1xf32>
    %get3A_4 = arith.constant 1 : index
    %get3A_5 = arith.constant 0 : index
    %get3A_6 = arith.constant 0 : index
    %get3A_7 = vector.load %arg1[%get3A_4, %get3A_5, %get3A_6] : memref<2x256x128xf32, #tpu.memory_space<vmem>>, vector<1x256x1xf32>
    %get3A_8 = vector.shape_cast %get3A_7 : vector<1x256x1xf32> to vector<256x1xf32>
    %add3A = arith.addf %get3A_3, %get3A_8 : vector<256x1xf32>
    %add3A_9 = arith.constant 1.000000e+00 : f32
    %add3A_10 = vector.broadcast %add3A_9 : f32 to vector<256x1xf32>
    %add3A_11 = arith.addf %add3A, %add3A_10 : vector<256x1xf32>
    %rsqrt3A = math.rsqrt %add3A_11 : vector<256x1xf32>
    %get3A_12 = arith.constant 0 : index
    %get3A_13 = arith.constant 0 : index
    %get3A_14 = vector.load %arg2[%get3A_12, %get3A_13] : memref<256x128xf32, #tpu.memory_space<vmem>>, vector<256x128xf32>
    %get3A_15 = arith.constant 0 : index
    %get3A_16 = arith.constant 0 : index
    %get3A_17 = vector.load %arg3[%get3A_15, %get3A_16] : memref<128x128xf32, #tpu.memory_space<vmem>>, vector<128x128xf32>
    %dot_general3A = arith.constant dense<0.000000e+00> : vector<256x128xf32>
    %dot_general3A_18 = tpu.matmul %get3A_14, %get3A_17, %dot_general3A {dimension_numbers = #tpu.dot_dimension_numbers<[1], [0], [0], [1], [0, 0, 1, 1], [], []>, transpose_lhs_hint = false} : vector<256x128xf32>, vector<128x128xf32>, vector<256x128xf32> -> vector<256x128xf32>
    %mul3A = vector.broadcast %rsqrt3A : vector<256x1xf32> to vector<256x128xf32>
    %mul3A_19 = arith.mulf %mul3A, %dot_general3A_18 : vector<256x128xf32>
    %swap3A = arith.constant 0 : index
    %swap3A_20 = arith.constant 0 : index
    %swap3A_21 = vector.load %arg4[%swap3A, %swap3A_20] : memref<256x128xf32, #tpu.memory_space<vmem>>, vector<256x128xf32>
    tpu.vector_store %arg4[%swap3A, %swap3A_20], %mul3A_19 {strides = array<i32>} : memref<256x128xf32, #tpu.memory_space<vmem>>, vector<256x128xf32>,
    %swap3A_22 = arith.constant 0 : index
    %swap3A_23 = arith.constant 0 : index
    %swap3A_24 = vector.load %arg5[%swap3A_22, %swap3A_23] : memref<256x1xf32, #tpu.memory_space<vmem>>, vector<256x1xf32>
    tpu.vector_store %arg5[%swap3A_22, %swap3A_23], %rsqrt3A {strides = array<i32>} : memref<256x1xf32, #tpu.memory_space<vmem>>, vector<256x1xf32>,
    return
  }
  func.func @transform_0(%arg0: i32) -> (i32, i32, i32) {
    %c0_i32 = arith.constant 0 : i32
    %c0_i32_0 = arith.constant 0 : i32
    %c0_i32_1 = arith.constant 0 : i32
    return %c0_i32, %arg0, %c0_i32_0 : i32, i32, i32
  }
  func.func @transform_1(%arg0: i32) -> (i32, i32) {
    %c0_i32 = arith.constant 0 : i32
    %c0_i32_0 = arith.constant 0 : i32
    return %arg0, %c0_i32 : i32, i32
  }
  func.func @transform_2(%arg0: i32) -> (i32, i32) {
    %c0_i32 = arith.constant 0 : i32
    %c0_i32_0 = arith.constant 0 : i32
    %c0_i32_1 = arith.constant 0 : i32
    return %c0_i32, %c0_i32_0 : i32, i32
  }
  func.func @transform_3(%arg0: i32) -> (i32, i32) {
    %c0_i32 = arith.constant 0 : i32
    %c0_i32_0 = arith.constant 0 : i32
    return %arg0, %c0_i32 : i32, i32
  }
  func.func @transform_4(%arg0: i32) -> (i32, i32) {
    %c0_i32 = arith.constant 0 : i32
    %c0_i32_0 = arith.constant 0 : i32
    return %arg0, %c0_i32 : i32, i32
  }
}

module attributes {stable_mosaic.version = 14 : i64} {
  func.func @_layer_body(%arg0: i32, %arg1: memref<2x256x128xf32, #tpu.memory_space<vmem>>, %arg2: memref<256x128xf32, #tpu.memory_space<vmem>>, %arg3: memref<256x1xf32, #tpu.memory_space<vmem>>, %arg4: memref<1x128xf32, #tpu.memory_space<vmem>>, %arg5: memref<128x128xf32, #tpu.memory_space<vmem>>, %arg6: memref<256x128xf32, #tpu.memory_space<vmem>>) attributes {dimension_semantics = [#tpu.dimension_semantics<arbitrary>], iteration_bounds = array<i64: 40>, scalar_prefetch = 0 : i64, scratch_operands = 0 : i64, tpu.core_type = #tpu.core_type<tc>, window_params = [{transform_indices = @transform_0, window_bounds = array<i64: 2, 256, 128>}, {transform_indices = @transform_1, window_bounds = array<i64: 256, 128>}, {transform_indices = @transform_2, window_bounds = array<i64: 256, 1>}, {pipeline_mode = #tpu.pipeline_mode<synchronous>, transform_indices = @transform_3, window_bounds = array<i64: 1, 128>}, {pipeline_mode = #tpu.pipeline_mode<synchronous>, transform_indices = @transform_4, window_bounds = array<i64: 128, 128>}, {transform_indices = @transform_5, window_bounds = array<i64: 256, 128>}]} {
    %get3A = arith.constant 0 : index
    %get3A_0 = arith.constant 0 : index
    %get3A_1 = vector.load %arg3[%get3A, %get3A_0] : memref<256x1xf32, #tpu.memory_space<vmem>>, vector<256x1xf32>
    %get3A_2 = arith.constant 0 : index
    %get3A_3 = arith.constant 0 : index
    %get3A_4 = arith.constant 0 : index
    %get3A_5 = vector.load %arg1[%get3A_2, %get3A_3, %get3A_4] : memref<2x256x128xf32, #tpu.memory_space<vmem>>, vector<1x256x128xf32>
    %get3A_6 = vector.shape_cast %get3A_5 : vector<1x256x128xf32> to vector<256x128xf32>
    %get3A_7 = arith.constant 1 : index
    %get3A_8 = arith.constant 0 : index
    %get3A_9 = arith.constant 0 : index
    %get3A_10 = vector.load %arg1[%get3A_7, %get3A_8, %get3A_9] : memref<2x256x128xf32, #tpu.memory_space<vmem>>, vector<1x256x128xf32>
    %get3A_11 = vector.shape_cast %get3A_10 : vector<1x256x128xf32> to vector<256x128xf32>
    %add3A = arith.addf %get3A_6, %get3A_11 : vector<256x128xf32>
    %get3A_12 = arith.constant 0 : index
    %get3A_13 = arith.constant 0 : index
    %get3A_14 = vector.load %arg2[%get3A_12, %get3A_13] : memref<256x128xf32, #tpu.memory_space<vmem>>, vector<256x128xf32>
    %add3A_15 = arith.addf %add3A, %get3A_14 : vector<256x128xf32>
    %mul3A = vector.broadcast %get3A_1 : vector<256x1xf32> to vector<256x128xf32>
    %mul3A_16 = arith.mulf %mul3A, %add3A_15 : vector<256x128xf32>
    %get3A_17 = arith.constant 0 : index
    %get3A_18 = arith.constant 0 : index
    %get3A_19 = vector.load %arg4[%get3A_17, %get3A_18] : memref<1x128xf32, #tpu.memory_space<vmem>>, vector<1x128xf32>
    %add3A_20 = vector.broadcast %get3A_19 : vector<1x128xf32> to vector<256x128xf32>
    %add3A_21 = arith.addf %mul3A_16, %add3A_20 : vector<256x128xf32>
    %max3A = arith.constant 0.000000e+00 : f32
    %max3A_22 = vector.broadcast %max3A : f32 to vector<256x128xf32>
    %max3A_23 = arith.maximumf %add3A_21, %max3A_22 : vector<256x128xf32>
    %get3A_24 = arith.constant 0 : index
    %get3A_25 = arith.constant 0 : index
    %get3A_26 = vector.load %arg5[%get3A_24, %get3A_25] : memref<128x128xf32, #tpu.memory_space<vmem>>, vector<128x128xf32>
    %dot_general3A = arith.constant dense<0.000000e+00> : vector<256x128xf32>
    %dot_general3A_27 = tpu.matmul %max3A_23, %get3A_26, %dot_general3A {dimension_numbers = #tpu.dot_dimension_numbers<[1], [0], [0], [1], [0, 0, 1, 1], [], []>, transpose_lhs_hint = false} : vector<256x128xf32>, vector<128x128xf32>, vector<256x128xf32> -> vector<256x128xf32>
    %mul3A_28 = vector.broadcast %get3A_1 : vector<256x1xf32> to vector<256x128xf32>
    %mul3A_29 = arith.mulf %mul3A_28, %dot_general3A_27 : vector<256x128xf32>
    %swap3A = arith.constant 0 : index
    %swap3A_30 = arith.constant 0 : index
    %swap3A_31 = vector.load %arg6[%swap3A, %swap3A_30] : memref<256x128xf32, #tpu.memory_space<vmem>>, vector<256x128xf32>
    tpu.vector_store %arg6[%swap3A, %swap3A_30], %mul3A_29 {strides = array<i32>} : memref<256x128xf32, #tpu.memory_space<vmem>>, vector<256x128xf32>,
    return
  }
  func.func @transform_0(%arg0: i32) -> (i32, i32, i32) {
    %c0_i32 = arith.constant 0 : i32
    %c0_i32_0 = arith.constant 0 : i32
    %c0_i32_1 = arith.constant 0 : i32
    return %c0_i32, %arg0, %c0_i32_0 : i32, i32, i32
  }
  func.func @transform_1(%arg0: i32) -> (i32, i32) {
    %c0_i32 = arith.constant 0 : i32
    %c0_i32_0 = arith.constant 0 : i32
    return %arg0, %c0_i32 : i32, i32
  }
  func.func @transform_2(%arg0: i32) -> (i32, i32) {
    %c0_i32 = arith.constant 0 : i32
    %c0_i32_0 = arith.constant 0 : i32
    return %arg0, %c0_i32 : i32, i32
  }
  func.func @transform_3(%arg0: i32) -> (i32, i32) {
    %c0_i32 = arith.constant 0 : i32
    %c0_i32_0 = arith.constant 0 : i32
    %c0_i32_1 = arith.constant 0 : i32
    return %c0_i32, %c0_i32_0 : i32, i32
  }
  func.func @transform_4(%arg0: i32) -> (i32, i32) {
    %c0_i32 = arith.constant 0 : i32
    %c0_i32_0 = arith.constant 0 : i32
    %c0_i32_1 = arith.constant 0 : i32
    return %c0_i32, %c0_i32_0 : i32, i32
  }
  func.func @transform_5(%arg0: i32) -> (i32, i32) {
    %c0_i32 = arith.constant 0 : i32
    %c0_i32_0 = arith.constant 0 : i32
    return %arg0, %c0_i32 : i32, i32
  }
}

module attributes {stable_mosaic.version = 14 : i64} {
  func.func @_final_body(%arg0: i32, %arg1: memref<2x256x128xf32, #tpu.memory_space<vmem>>, %arg2: memref<256x128xf32, #tpu.memory_space<vmem>>, %arg3: memref<256x1xf32, #tpu.memory_space<vmem>>, %arg4: memref<1x128xf32, #tpu.memory_space<vmem>>, %arg5: memref<256x1xi32, #tpu.memory_space<vmem>>, %arg6: memref<128x128xf32, #tpu.memory_space<vmem>>, %arg7: memref<1x128xf32, #tpu.memory_space<vmem>>, %arg8: memref<64x128xf32, #tpu.memory_space<vmem>>, %arg9: memref<64x128xf32, #tpu.memory_space<vmem>>, %arg10: memref<64x128xf32, #tpu.memory_space<vmem>>) attributes {dimension_semantics = [#tpu.dimension_semantics<arbitrary>], iteration_bounds = array<i64: 40>, scalar_prefetch = 0 : i64, scratch_operands = 2 : i64, tpu.core_type = #tpu.core_type<tc>, window_params = [{transform_indices = @transform_0, window_bounds = array<i64: 2, 256, 128>}, {transform_indices = @transform_1, window_bounds = array<i64: 256, 128>}, {transform_indices = @transform_2, window_bounds = array<i64: 256, 1>}, {pipeline_mode = #tpu.pipeline_mode<synchronous>, transform_indices = @transform_3, window_bounds = array<i64: 1, 128>}, {transform_indices = @transform_4, window_bounds = array<i64: 256, 1>}, {pipeline_mode = #tpu.pipeline_mode<synchronous>, transform_indices = @transform_5, window_bounds = array<i64: 128, 128>}, {pipeline_mode = #tpu.pipeline_mode<synchronous>, transform_indices = @transform_6, window_bounds = array<i64: 1, 128>}, {pipeline_mode = #tpu.pipeline_mode<synchronous>, transform_indices = @transform_7, window_bounds = array<i64: 64, 128>}]} {
    %eq3A = arith.constant 0 : i32
    %eq3A_0 = arith.cmpi eq, %arg0, %eq3A : i32
    %convert_element_type3A = arith.extui %eq3A_0 : i1 to i32
    %cond3A = arith.constant 0 : i32
    %cond3A_1 = arith.cmpi ne, %convert_element_type3A, %cond3A : i32
    scf.if %cond3A_1 {
      %broadcast_in_dim3A_53 = arith.constant 0.000000e+00 : f32
      %broadcast_in_dim3A_54 = vector.broadcast %broadcast_in_dim3A_53 : f32 to vector<64x128xf32>
      %swap3A_55 = arith.constant 0 : index
      %swap3A_56 = arith.constant 0 : index
      %swap3A_57 = vector.load %arg9[%swap3A_55, %swap3A_56] : memref<64x128xf32, #tpu.memory_space<vmem>>, vector<64x128xf32>
      tpu.vector_store %arg9[%swap3A_55, %swap3A_56], %broadcast_in_dim3A_54 {strides = array<i32>} : memref<64x128xf32, #tpu.memory_space<vmem>>, vector<64x128xf32>,
      %broadcast_in_dim3A_58 = arith.constant 0.000000e+00 : f32
      %broadcast_in_dim3A_59 = vector.broadcast %broadcast_in_dim3A_58 : f32 to vector<64x128xf32>
      %swap3A_60 = arith.constant 0 : index
      %swap3A_61 = arith.constant 0 : index
      %swap3A_62 = vector.load %arg10[%swap3A_60, %swap3A_61] : memref<64x128xf32, #tpu.memory_space<vmem>>, vector<64x128xf32>
      tpu.vector_store %arg10[%swap3A_60, %swap3A_61], %broadcast_in_dim3A_59 {strides = array<i32>} : memref<64x128xf32, #tpu.memory_space<vmem>>, vector<64x128xf32>,
    } else {
    }
    %get3A = arith.constant 0 : index
    %get3A_2 = arith.constant 0 : index
    %get3A_3 = vector.load %arg3[%get3A, %get3A_2] : memref<256x1xf32, #tpu.memory_space<vmem>>, vector<256x1xf32>
    %get3A_4 = arith.constant 0 : index
    %get3A_5 = arith.constant 0 : index
    %get3A_6 = arith.constant 0 : index
    %get3A_7 = vector.load %arg1[%get3A_4, %get3A_5, %get3A_6] : memref<2x256x128xf32, #tpu.memory_space<vmem>>, vector<1x256x128xf32>
    %get3A_8 = vector.shape_cast %get3A_7 : vector<1x256x128xf32> to vector<256x128xf32>
    %get3A_9 = arith.constant 1 : index
    %get3A_10 = arith.constant 0 : index
    %get3A_11 = arith.constant 0 : index
    %get3A_12 = vector.load %arg1[%get3A_9, %get3A_10, %get3A_11] : memref<2x256x128xf32, #tpu.memory_space<vmem>>, vector<1x256x128xf32>
    %get3A_13 = vector.shape_cast %get3A_12 : vector<1x256x128xf32> to vector<256x128xf32>
    %add3A = arith.addf %get3A_8, %get3A_13 : vector<256x128xf32>
    %get3A_14 = arith.constant 0 : index
    %get3A_15 = arith.constant 0 : index
    %get3A_16 = vector.load %arg2[%get3A_14, %get3A_15] : memref<256x128xf32, #tpu.memory_space<vmem>>, vector<256x128xf32>
    %add3A_17 = arith.addf %add3A, %get3A_16 : vector<256x128xf32>
    %mul3A = vector.broadcast %get3A_3 : vector<256x1xf32> to vector<256x128xf32>
    %mul3A_18 = arith.mulf %mul3A, %add3A_17 : vector<256x128xf32>
    %get3A_19 = arith.constant 0 : index
    %get3A_20 = arith.constant 0 : index
    %get3A_21 = vector.load %arg4[%get3A_19, %get3A_20] : memref<1x128xf32, #tpu.memory_space<vmem>>, vector<1x128xf32>
    %add3A_22 = vector.broadcast %get3A_21 : vector<1x128xf32> to vector<256x128xf32>
    %add3A_23 = arith.addf %mul3A_18, %add3A_22 : vector<256x128xf32>
    %iota3A = tpu.iota {dimensions = array<i32: 1>} : vector<256x64xi32>
    %get3A_24 = arith.constant 0 : index
    %get3A_25 = arith.constant 0 : index
    %get3A_26 = vector.load %arg5[%get3A_24, %get3A_25] : memref<256x1xi32, #tpu.memory_space<vmem>>, vector<256x1xi32>
    %eq3A_27 = vector.broadcast %get3A_26 : vector<256x1xi32> to vector<256x64xi32>
    %eq3A_28 = arith.cmpi eq, %eq3A_27, %iota3A : vector<256x64xi32>
    %convert_element_type3A_29 = arith.extui %eq3A_28 : vector<256x64xi1> to vector<256x64xi32>
    %convert_element_type3A_30 = arith.sitofp %convert_element_type3A_29 : vector<256x64xi32> to vector<256x64xf32>
    %get3A_31 = arith.constant 0 : index
    %get3A_32 = arith.constant 0 : index
    %get3A_33 = vector.load %arg9[%get3A_31, %get3A_32] : memref<64x128xf32, #tpu.memory_space<vmem>>, vector<64x128xf32>
    %dot_general3A = arith.constant dense<0.000000e+00> : vector<64x128xf32>
    %dot_general3A_34 = tpu.matmul %convert_element_type3A_30, %add3A_23, %dot_general3A {dimension_numbers = #tpu.dot_dimension_numbers<[0], [0], [1], [1], [0, 1, 1, 1], [], []>, transpose_lhs_hint = false} : vector<256x64xf32>, vector<256x128xf32>, vector<64x128xf32> -> vector<64x128xf32>
    %add3A_35 = arith.addf %get3A_33, %dot_general3A_34 : vector<64x128xf32>
    %swap3A = arith.constant 0 : index
    %swap3A_36 = arith.constant 0 : index
    %swap3A_37 = vector.load %arg9[%swap3A, %swap3A_36] : memref<64x128xf32, #tpu.memory_space<vmem>>, vector<64x128xf32>
    tpu.vector_store %arg9[%swap3A, %swap3A_36], %add3A_35 {strides = array<i32>} : memref<64x128xf32, #tpu.memory_space<vmem>>, vector<64x128xf32>,
    %get3A_38 = arith.constant 0 : index
    %get3A_39 = arith.constant 0 : index
    %get3A_40 = vector.load %arg10[%get3A_38, %get3A_39] : memref<64x128xf32, #tpu.memory_space<vmem>>, vector<64x128xf32>
    %broadcast_in_dim3A = arith.constant 1.000000e+00 : f32
    %broadcast_in_dim3A_41 = vector.broadcast %broadcast_in_dim3A : f32 to vector<256x128xf32>
    %dot_general3A_42 = arith.constant dense<0.000000e+00> : vector<64x128xf32>
    %dot_general3A_43 = tpu.matmul %convert_element_type3A_30, %broadcast_in_dim3A_41, %dot_general3A_42 {dimension_numbers = #tpu.dot_dimension_numbers<[0], [0], [1], [1], [0, 1, 1, 1], [], []>, transpose_lhs_hint = false} : vector<256x64xf32>, vector<256x128xf32>, vector<64x128xf32> -> vector<64x128xf32>
    %add3A_44 = arith.addf %get3A_40, %dot_general3A_43 : vector<64x128xf32>
    %swap3A_45 = arith.constant 0 : index
    %swap3A_46 = arith.constant 0 : index
    %swap3A_47 = vector.load %arg10[%swap3A_45, %swap3A_46] : memref<64x128xf32, #tpu.memory_space<vmem>>, vector<64x128xf32>
    tpu.vector_store %arg10[%swap3A_45, %swap3A_46], %add3A_44 {strides = array<i32>} : memref<64x128xf32, #tpu.memory_space<vmem>>, vector<64x128xf32>,
    %eq3A_48 = arith.constant 39 : i32
    %eq3A_49 = arith.cmpi eq, %arg0, %eq3A_48 : i32
    %convert_element_type3A_50 = arith.extui %eq3A_49 : i1 to i32
    %cond3A_51 = arith.constant 0 : i32
    %cond3A_52 = arith.cmpi ne, %convert_element_type3A_50, %cond3A_51 : i32
    scf.if %cond3A_52 {
      %get3A_53 = arith.constant 0 : index
      %get3A_54 = arith.constant 0 : index
      %get3A_55 = vector.load %arg9[%get3A_53, %get3A_54] : memref<64x128xf32, #tpu.memory_space<vmem>>, vector<64x128xf32>
      %get3A_56 = arith.constant 0 : index
      %get3A_57 = arith.constant 0 : index
      %get3A_58 = vector.load %arg10[%get3A_56, %get3A_57] : memref<64x128xf32, #tpu.memory_space<vmem>>, vector<64x128xf32>
      %max3A = arith.constant 1.000000e+00 : f32
      %max3A_59 = vector.broadcast %max3A : f32 to vector<64x128xf32>
      %max3A_60 = arith.maximumf %get3A_58, %max3A_59 : vector<64x128xf32>
      %div3A = arith.divf %get3A_55, %max3A_60 : vector<64x128xf32>
      %get3A_61 = arith.constant 0 : index
      %get3A_62 = arith.constant 0 : index
      %get3A_63 = vector.load %arg6[%get3A_61, %get3A_62] : memref<128x128xf32, #tpu.memory_space<vmem>>, vector<128x128xf32>
      %dot_general3A_64 = arith.constant dense<0.000000e+00> : vector<64x128xf32>
      %dot_general3A_65 = tpu.matmul %div3A, %get3A_63, %dot_general3A_64 {dimension_numbers = #tpu.dot_dimension_numbers<[1], [0], [0], [1], [0, 0, 1, 1], [], []>, transpose_lhs_hint = false} : vector<64x128xf32>, vector<128x128xf32>, vector<64x128xf32> -> vector<64x128xf32>
      %get3A_66 = arith.constant 0 : index
      %get3A_67 = arith.constant 0 : index
      %get3A_68 = vector.load %arg7[%get3A_66, %get3A_67] : memref<1x128xf32, #tpu.memory_space<vmem>>, vector<1x128xf32>
      %add3A_69 = vector.broadcast %get3A_68 : vector<1x128xf32> to vector<64x128xf32>
      %add3A_70 = arith.addf %dot_general3A_65, %add3A_69 : vector<64x128xf32>
      %swap3A_71 = arith.constant 0 : index
      %swap3A_72 = arith.constant 0 : index
      %swap3A_73 = vector.load %arg8[%swap3A_71, %swap3A_72] : memref<64x128xf32, #tpu.memory_space<vmem>>, vector<64x128xf32>
      tpu.vector_store %arg8[%swap3A_71, %swap3A_72], %add3A_70 {strides = array<i32>} : memref<64x128xf32, #tpu.memory_space<vmem>>, vector<64x128xf32>,
    } else {
    }
    return
  }
  func.func @transform_0(%arg0: i32) -> (i32, i32, i32) {
    %c0_i32 = arith.constant 0 : i32
    %c0_i32_0 = arith.constant 0 : i32
    %c0_i32_1 = arith.constant 0 : i32
    return %c0_i32, %arg0, %c0_i32_0 : i32, i32, i32
  }
  func.func @transform_1(%arg0: i32) -> (i32, i32) {
    %c0_i32 = arith.constant 0 : i32
    %c0_i32_0 = arith.constant 0 : i32
    return %arg0, %c0_i32 : i32, i32
  }
  func.func @transform_2(%arg0: i32) -> (i32, i32) {
    %c0_i32 = arith.constant 0 : i32
    %c0_i32_0 = arith.constant 0 : i32
    return %arg0, %c0_i32 : i32, i32
  }
  func.func @transform_3(%arg0: i32) -> (i32, i32) {
    %c0_i32 = arith.constant 0 : i32
    %c0_i32_0 = arith.constant 0 : i32
    %c0_i32_1 = arith.constant 0 : i32
    return %c0_i32, %c0_i32_0 : i32, i32
  }
  func.func @transform_4(%arg0: i32) -> (i32, i32) {
    %c0_i32 = arith.constant 0 : i32
    %c0_i32_0 = arith.constant 0 : i32
    return %arg0, %c0_i32 : i32, i32
  }
  func.func @transform_5(%arg0: i32) -> (i32, i32) {
    %c0_i32 = arith.constant 0 : i32
    %c0_i32_0 = arith.constant 0 : i32
    %c0_i32_1 = arith.constant 0 : i32
    return %c0_i32, %c0_i32_0 : i32, i32
  }
  func.func @transform_6(%arg0: i32) -> (i32, i32) {
    %c0_i32 = arith.constant 0 : i32
    %c0_i32_0 = arith.constant 0 : i32
    %c0_i32_1 = arith.constant 0 : i32
    return %c0_i32, %c0_i32_0 : i32, i32
  }
  func.func @transform_7(%arg0: i32) -> (i32, i32) {
    %c0_i32 = arith.constant 0 : i32
    %c0_i32_0 = arith.constant 0 : i32
    %c0_i32_1 = arith.constant 0 : i32
    return %c0_i32, %c0_i32_0 : i32, i32
  }
}

</mosaic_0001>

<sc_bundles>
// kernel: kernel.12.cloned.1.call-start
scs
__scs_entry_jumppad:
0x0: {  	(pc) =	sbr.rel $0x88, $3  }
0x1: {  	(tag) =	ssettag $0x0;
	lr =	simm.s32 $0x1  }
0x2: {  	[smem:$0x3F94] =	sst lr;
	_ =	strace $0xD0000000  }
0x3: {  	_ = 	snop  }
0x4: {  	_ = 	snop  }
0x5: {  	_ = 	snop  }
0x6: {  	_ = 	snop  }
0x7: {  	_ = 	snop  }
__scs_overlays_trampoline_lowered:
0x8: {  	[smem:$0x3FA3] =	sst s0  }
0x9: {  	[smem:$0x3FA4] =	sst s1  }
0xa: {  	[smem:$0x3FA5] =	sst s2  }
0xb: {  	[smem:$0x3FA6] =	sst s3  }
0xc: {  	[smem:$0x3FA7] =	sst s4  }
0xd: {  	[smem:$0x3FA8] =	sst s5  }
0xe: {  	[smem:$0x3FA9] =	sst s6  }
0xf: {  	[smem:$0x3FAA] =	sst s7  }
0x10: {  	[smem:$0x3FAB] =	sst s8  }
0x11: {  	[smem:$0x3FAC] =	sst s9;
	s0 =	simm.s32 @!p0 $0x0  }
0x12: {  	s1 =	sld [smem:$0x3F92];
	s0 =	simm.s32 @p0 $0x1  }
0x13: {  	[smem:$0x3FAD] =	sst s0;
	s0 =	simm.s32 @!p1 $0x0  }
0x14: {  	s2 =	sld [smem:$0x3F91];
	s0 =	simm.s32 @p1 $0x1  }
0x15: {  	[smem:$0x3FAE] =	sst s0;
	s0 =	simm.s32 @!p2 $0x0  }
0x16: {  	s3 =	sld [smem:$0x3FDB];
	s0 =	simm.s32 @p2 $0x1  }
0x17: {  	s4 =	simm.s32 $0x1BF5;
	[smem:$0x3FB0] =	sst s0  }
0x18: {  	s0 =	sld [smem:$0x3F93];
	_ =	swait.ge [sflag:s4], $0x0  }
0x19: {  	s7 =	sld [smem:$0x3F94]  }
0x1a: {  	s8 =	sadd.s32 $0xFFFFE003, lr  }
0x1b: {  	s9 =	sadd.s32 $0xFFFFFEF7, lr;
	s5 =	simm.s32 $0xFFFFFFFF;
	p2 =	slt.u32 s8, $0xFFFFF086  }
0x1c: {  	p1 =	slt.u32 s9, $0xF7A;
	s5 =	simm.s32 @!p2 $0x0  }
0x1d: {  	s5 =	simm.s32 @p1 $0x1;
	p0 =	seq.s32 s7, s2  }
0x1e: {  	s7 =	smul.u32 @!p0 $0xF7A, s2;
	p2 =	seq.s32 @!p0 s5, $0x0  }
0x1f: {  	s9 =	smul.u32 $0xF7A, s1;
	s8 =	simm.s32 @!p0 $0x1BF5;
	p2 =	por !p2, p0  }
0x20: {  	[sflag:s8] =	ssyncset.s32 @!p0 $0xFFFFF086;
	s6 =	sadd.s32 @!p0 s3, s7;
	s7 =	simm.s32 @!p0 $0x108  }
0x21: {  	s3 =	sadd.s32 s3, s9;
	s6 =	sadd.s32 @!p0 $0x88, s6;
	s7 =	simm.s32 @p2 $0x1082  }
0x22: {  	[simem:s7], [sflag:s8] =	dma.local @!p0 [hbm:s6], $0xF7A  }
0x23: {  	s9 =	sor.u32 $0xD0000000, s2;
	s6 =	simm.s32 $0x108;
	_ =	swait.ge @!p0 [sflag:s8], $0x0  }
0x24: {  	s3 =	sadd.s32 $0x88, s3;
	s6 =	simm.s32 @!p1 $0x1082;
	[sflag:s4] =	ssyncset.s32 $0xFFFFF086  }
0x25: {  	[simem:s6], [sflag:s4] =	dma.local [hbm:s3], $0xF7A  }
0x26: {  	[smem:$0x3F94] =	sst s1;
	(tag) =	ssettag s2;
	_ =	strace s9  }
0x27: {  	s1 =	sld [smem:$0x3FA4]  }
0x28: {  	s2 =	sld [smem:$0x3FA5]  }
0x29: {  	s4 =	sld [smem:$0x3FA7]  }
0x2a: {  	p0 =	seq.s32 s5, $0x0;
	s5 =	sld [smem:$0x3FA8]  }
0x2b: {  	s6 =	sld [smem:$0x3FA9]  }
0x2c: {  	s7 =	sld [smem:$0x3FAA]  }
0x2d: {  	s3 =	simm.s32 $0x108;
	s8 =	sld [smem:$0x3FAB]  }
0x2e: {  	s3 =	simm.s32 @!p0 $0x1082;
	s9 =	sld [smem:$0x3FAC]  }
0x2f: {  	lr =	sadd.s32 s0, s3;
	s0 =	sld [smem:$0x3FA3]  }
0x30: {  	s3 =	sld [smem:$0x3FA6]  }
0x31: {  	[smem:$0x3FAF] =	sst s10  }
0x32: {  	s10 =	sld [smem:$0x3FAD];
	_ =	sdelay $0x3  }
0x33: {  	p0 =	seq.s32 s10, $0x1;
	s10 =	sld [smem:$0x3FAF];
	_ =	sdelay $0x3  }
0x34: {  	[smem:$0x3FAF] =	sst s10  }
0x35: {  	s10 =	sld [smem:$0x3FAE];
	_ =	sdelay $0x3  }
0x36: {  	p1 =	seq.s32 s10, $0x1;
	s10 =	sld [smem:$0x3FAF];
	_ =	sdelay $0x3  }
0x37: {  	[smem:$0x3FAF] =	sst s10  }
0x38: {  	s10 =	sld [smem:$0x3FB0]  }
0x39: {  	_ = 	snop;
	(pc) =	sbr.ind lr, $3  }
0x3a: {  	_ = 	snop  }
0x3b: {  	_ = 	snop  }
0x3c: {  	p2 =	seq.s32 s10, $0x1;
	s10 =	sld [smem:$0x3FAF]  }
0x3d: {  	_ =	shalt  }
0x3e: {  	_ =	shalt  }
0x3f: {  	_ =	shalt  }
0x40: {  	_ =	shalt  }
0x41: {  	_ =	shalt  }
0x42: {  	_ =	shalt  }
0x43: {  	_ =	shalt  }
0x44: {  	_ =	shalt  }
0x45: {  	_ =	shalt  }
0x46: {  	_ =	shalt  }
0x47: {  	_ =	shalt  }
0x48: {  	_ =	shalt  }
0x49: {  	_ =	shalt  }
0x4a: {  	_ =	shalt  }
0x4b: {  	_ =	shalt  }
0x4c: {  	_ =	shalt  }
0x4d: {  	_ =	shalt  }
0x4e: {  	_ =	shalt  }
0x4f: {  	_ =	shalt  }
0x50: {  	_ =	shalt  }
0x51: {  	_ =	shalt  }
0x52: {  	_ =	shalt  }
0x53: {  	_ =	shalt  }
0x54: {  	_ =	shalt  }
0x55: {  	_ =	shalt  }
0x56: {  	_ =	shalt  }
0x57: {  	_ =	shalt  }
0x58: {  	_ =	shalt  }
0x59: {  	_ =	shalt  }
0x5a: {  	_ =	shalt  }
0x5b: {  	_ =	shalt  }
0x5c: {  	_ =	shalt  }
0x5d: {  	_ =	shalt  }
0x5e: {  	_ =	shalt  }
0x5f: {  	_ =	shalt  }
0x60: {  	_ =	shalt  }
0x61: {  	_ =	shalt  }
0x62: {  	_ =	shalt  }
0x63: {  	_ =	shalt  }
0x64: {  	_ =	shalt  }
0x65: {  	_ =	shalt  }
0x66: {  	_ =	shalt  }
0x67: {  	_ =	shalt  }
0x68: {  	_ =	shalt  }
0x69: {  	_ =	shalt  }
0x6a: {  	_ =	shalt  }
0x6b: {  	_ =	shalt  }
0x6c: {  	_ =	shalt  }
0x6d: {  	_ =	shalt  }
0x6e: {  	_ =	shalt  }
0x6f: {  	_ =	shalt  }
0x70: {  	_ =	shalt  }
0x71: {  	_ =	shalt  }
0x72: {  	_ =	shalt  }
0x73: {  	_ =	shalt  }
0x74: {  	_ =	shalt  }
0x75: {  	_ =	shalt  }
0x76: {  	_ =	shalt  }
0x77: {  	_ =	shalt  }
0x78: {  	_ =	shalt  }
0x79: {  	_ =	shalt  }
0x7a: {  	_ =	shalt  }
0x7b: {  	_ =	shalt  }
0x7c: {  	_ =	shalt  }
0x7d: {  	_ =	shalt  }
0x7e: {  	_ =	shalt  }
0x7f: {  	_ =	shalt  }
0x80: {  	_ =	shalt  }
0x81: {  	_ =	shalt  }
0x82: {  	_ =	shalt  }
0x83: {  	_ =	shalt  }
0x84: {  	_ =	shalt  }
0x85: {  	_ =	shalt  }
0x86: {  	_ =	shalt  }
0x87: {  	_ =	shalt  }
.Lfunc_end0:
.L_simem_size_0:
called_computation_lowered:
.L_overlay_start_0:
0x88: {  	s2 =	sld [smem:$0x3FD9]  }
0x89: {  	s3 =	sld [smem:$0x3FFE];
	_ =	sdelay $0x1  }
0x8a: {  	s1 =	srdreg.scid  }
0x8b: {  	s0 =	sand.u32 $0x1, s1  }
0x8c: {  	s16 =	sshll.u32 s0, $0xA;
	s2 =	sadd.s32 s3, s2  }
0x8d: {  	s2 =	sadd.s32 s2, s16  }
0x8e: {  	[smem:$0x3FBB] =	sst s2  }
0x8f: {  	_ = 	snop  }
0x90: {  	(tm) =	ssettm $0x1  }
0x91: {  	s17 =	sld [smem:$0x3FFB];
	_ =	sdelay $0x3  }
0x92: {  	_ =	strace s17  }
0x93: {  	s2 =	sld [smem:$0x3FFC];
	_ =	sdelay $0x3  }
0x94: {  	_ =	strace s2  }
0x95: {  	s2 =	sld [smem:$0x3FFD];
	_ =	sdelay $0x3  }
0x96: {  	_ =	strace s2  }
0x97: {  	_ =	strace $0x8FFFFFFF  }
0x98: {  	s18 =	sld [smem:$0x3FDB];
	_ =	sdelay $0x1  }
0x99: {  	s19 =	simm.s32 $_scs_section_size  }
0x9a: {  	s4 =	simm.s32 $_size__tile_overlayer_lowered;
	s5 =	simm.s32 $_tile_overlayer_lowered  }
0x9b: {  	s22 =	simm.s32 $0x1BFF;
	s21 =	sshll.u32 s5, $0x1;
	s2 =	sadd.s32 s19, s18  }
0x9c: {  	s6 =	simm.s32 $0x0;
	s20 =	sshll.u32 s4, $0x1;
	s4 =	sadd.s32 s21, s2  }
0x9d: {  	[timem:s6], [sflag:s22] =	dma.local [hbm:s4], s20  }
0x9e: {  	_ =	swait.ge [sflag:s22], s20  }
0x9f: {  	s3 =	ssub.s32 $0x0, s20;
	[sflag:s22] =	ssyncset.done $0x0  }
0xa0: {  	[sflag:s22] =	ssyncadd.s32 s3;
	_ =	sdelay $0x1  }
0xa1: {  	s23 =	simm.s32 $0x1B8B  }
0xa2: {  	_ =	swait.ge [sflag:s23], $0x1  }
0xa3: {  	[sflag:s23] =	ssyncset.done $0x0  }
0xa4: {  	s25 =	simm.s32 $0x1B8E;
	s24 =	sld [smem:$0x3FFE];
	[sflag:s23] =	ssyncadd.s32 $0xFFFFFFFF  }
0xa5: {  	s26 =	simm.s32 $execute0_lowered;
	[smem:$0x3FD2] =	sst s25  }
0xa6: {  	s4 =	sshll.u32 s26, $0x1;
	_ =	strace $0x80000046;
	[dreg:$0x1] =	wrdreg $0xFFFFFFFF  }
0xa7: {  	s28 =	simm.s32 $_size_execute0_lowered;
	s2 =	sadd.s32 s2, s4;
	[dreg:$0x0] =	wrdreg $0x0  }
0xa8: {  	s4 =	sshll.u32 s28, $0x1;
	[dreg:$0x2] =	wrdreg s2  }
0xa9: {  	[dreg:$0x3] =	wrdreg s4  }
0xaa: {  	[dreg:$0x4] =	wrdreg $0xC0  }
0xab: {  	_ =	task [dreg:s6], $0x5FFFF  }
0xac: {  	[dreg:$0x1] =	wrdreg $0xFFFFFFFF  }
0xad: {  	[dreg:$0x0] =	wrdreg $0x60  }
0xae: {  	[dreg:$0x2] =	wrdreg s24  }
0xaf: {  	[dreg:$0x3] =	wrdreg $0x0  }
0xb0: {  	[dreg:$0x4] =	wrdreg $0x9  }
0xb1: {  	_ =	task.clear_ibuf [dreg:s6], $0x5FFFF;
	_ =	strace $0x90000046  }
0xb2: {  	s29 =	simm.s32 $0x9;
	_ =	strace $0x80000048  }
0xb3: {  	_ =	swait.ge [sflag:s29], $0x1  }
0xb4: {  	[sflag:s29] =	ssyncadd.s32 $0xFFFFFFFF  }
0xb5: {  	_ =	strace $0x90000048  }
0xb6: {  	_ =	sfence  }
0xb7: {  	s30 =	sld [smem:$0x0];
	_ =	sdelay $0x2  }
0xb8: {  	s31 =	sshll.u32 s1, $0xD;
	s1 =	sshrl.u32 s1, $0x2  }
0xb9: {  	s3 =	sand.u32 $0x4000, s31;
	s1 =	sadd.s32 s1, s30  }
0xba: {  	s0 =	sor.u32 s3, s0;
	s1 =	sshll.u32 s1, $0x11  }
0xbb: {  	s0 =	sor.u32 s1, s0  }
0xbc: {  	s0 =	sadd.s32 $0x8F2B, s0  }
0xbd: {  	[sflag:s0] =	ssyncadd.remote.s32 $0x1  }
0xbe: {  	_ =	sfence.sel $0xFFFF  }
0xbf: {  	[dreg:$0x0] =	wrdreg $0xFFFFFFFF;
	(pc) =	sbr.abs _section_cstart, $3  }
0xc0: {  	[dreg:$0x1] =	wrdreg $0xFFFFFFFF  }
0xc1: {  	_ =	task.clear_ibuf [dreg:s6], $0x2FFFF;
	_ =	strace $0x9FFFFFFF  }
0xc2: {  	(tm) =	ssettm $0x7FFFFFFF  }
0xc3: {  	_ =	shalt  }
tec
execute0_lowered:
.L_overlay_start_1:
0x0: {  	(tag) =	ssettag $0x1  }
0x1: {  	s5 =	rddreg [dreg:$0x0]  }
0x2: {  	s1 =	rddreg [dreg:$0x1]  }
0x3: {  	s0 =	rddreg [dreg:$0x2];
	s2 =	simm.s32 $0x0;
	s3 =	srdreg.scid  }
0x4: {  	s23 =	simm.s32 $0x14000;
	s24 =	simm.s32 $0x80;
	s25 =	simm.s32 $0x14080  }
0x5: {  	s26 =	simm.s32 $0x0;
	s6 =	sand.u32 $0x1, s3;
	s3 =	stileid.u32  }
0x6: {  	[smem:$0x7FF] =	sst s2;
	s4 =	sadd.s32 $0x3C00, s5;
	s8 =	smul.u32 $0x50000, s3  }
0x7: {  	s20 =	sadd.s32 $0xDC00, s5;
	s7 =	ssub.s32 $0x2, s6;
	s17 =	smul.u32 $0x140000, s6  }
0x8: {  	s29 =	sshll.u32 s3, $0x1;
	s16 =	smul.u32 $0x14000, s3;
	s28 =	sshrl.u32 s7, $0x1  }
0x9: {  	_ =	strace $0x80000047;
	s6 =	sor.u32 s6, s29;
	s7 =	ssub.s32 s7, s28  }
0xa: {  	s30 =	sshrl.u32 s8, $0x2;
	s6 =	smul.u32 $0x2800, s6;
	s11 =	sadd.s32 s17, s16  }
0xb: {  	s13 =	sadd.s32 $0x4000, s16;
	s18 =	sadd.s32 $0x8000, s16;
	s19 =	sadd.s32 $0xC000, s16  }
0xc: {  	s21 =	sadd.s32 $0x10000, s16;
	s5 =	sadd.s32 s30, s1;
	s7 =	smax.u32 s7, $0x1  }
0xd: {  	s12 =	sshrl.u32 s11, $0x3;
	s14 =	sadd.s32 s17, s13;
	s13 =	sadd.s32 s13, s1  }
0xe: {  	s15 =	sadd.s32 s18, s1;
	s18 =	sadd.s32 s17, s18;
	s31 =	sadd.s32 s17, s19  }
0xf: {  	s22 =	sadd.s32 s17, s21;
	s17 =	sadd.s32 s19, s1;
	s19 =	sadd.s32 s21, s1  }
0x10: {  	s21 =	simm.s32 $0x18080;
	s8 =	sadd.s32 $0x4000, s5;
	s9 =	sadd.s32 $0x8000, s5  }
0x11: {  	s10 =	sadd.s32 $0xC000, s5;
	s11 =	sadd.s32 $0x10000, s5;
	s12 =	sadd.s32 s20, s12  }
0x12: {  	s14 =	sshrl.u32 s14, $0x3;
	s18 =	sshrl.u32 s18, $0x3;
	s22 =	sshrl.u32 s22, $0x3  }
0x13: {  	s14 =	sadd.s32 s20, s14;
	s16 =	sadd.s32 s20, s18;
	s18 =	sshrl.u32 s31, $0x3  }
0x14: {  	v0 =	vimm.f32 $1.000000000e+00;
	v1 =	vimm.f32 $0.0e+00;
	s18 =	sadd.s32 s20, s18;
	s20 =	sadd.s32 s20, s22;
	s22 =	simm.s32 $0x1  }
.LBB2_1:
0x15: {  	s28 =	simm.s32 $0x0;
	s29 =	simm.s32 $0x200  }
.LBB2_2:
0x16: {  	p0 =	sne.s32 s29, $0xFE00;
	[tilespmem:s28+$0x180F0] =	vst v1  }
0x17: {  	[tilespmem:s28+$0x14080] =	vst v0  }
0x18: {  	[tilespmem:s28+$0x18080] =	vst v1  }
0x19: {  	[tilespmem:s28+$0x14090] =	vst v0  }
0x1a: {  	[tilespmem:s28+$0x18090] =	vst v1  }
0x1b: {  	[tilespmem:s28+$0x140A0] =	vst v0  }
0x1c: {  	[tilespmem:s28+$0x180A0] =	vst v1  }
0x1d: {  	[tilespmem:s28+$0x140B0] =	vst v0  }
0x1e: {  	[tilespmem:s28+$0x180B0] =	vst v1  }
0x1f: {  	[tilespmem:s28+$0x140C0] =	vst v0  }
0x20: {  	[tilespmem:s28+$0x180C0] =	vst v1  }
.Ltmp0:
0x21: {  	[tilespmem:s28+$0x140D0] =	vst v0;
	(pc) =	sbr.rel @p0 .LBB2_2-.Ltmp0, $4  }
0x22: {  	[tilespmem:s28+$0x180D0] =	vst v1  }
0x23: {  	[tilespmem:s28+$0x140E0] =	vst v0  }
0x24: {  	[tilespmem:s28+$0x180E0] =	vst v1  }
0x25: {  	[tilespmem:s28+$0x140F0] =	vst v0;
	s28 =	sshra.s32 s29, $0x2;
	s29 =	sadd.s32 $0x200, s29  }
0x26: {  	[tilespmem:s28+$0x180F0] =	vst v1  }
0x27: {  	[tilespmem:s28+$0x14080] =	vst v0  }
0x28: {  	[tilespmem:s28+$0x18080] =	vst v1  }
0x29: {  	[tilespmem:s28+$0x14090] =	vst v0  }
0x2a: {  	[tilespmem:s28+$0x18090] =	vst v1  }
0x2b: {  	[tilespmem:s28+$0x140A0] =	vst v0  }
0x2c: {  	[tilespmem:s28+$0x180A0] =	vst v1  }
0x2d: {  	[tilespmem:s28+$0x140B0] =	vst v0  }
0x2e: {  	[tilespmem:s28+$0x180B0] =	vst v1  }
0x2f: {  	[tilespmem:s28+$0x140C0] =	vst v0  }
0x30: {  	[tilespmem:s28+$0x180C0] =	vst v1  }
0x31: {  	[tilespmem:s28+$0x140D0] =	vst v0  }
0x32: {  	[tilespmem:s28+$0x180D0] =	vst v1  }
0x33: {  	[tilespmem:s28+$0x140E0] =	vst v0  }
0x34: {  	[tilespmem:s28+$0x180E0] =	vst v1  }
0x35: {  	[tilespmem:s28+$0x140F0] =	vst v0  }
0x36: {  	[spmem:s5] =	stream.linear.scatter [tilespmem:s21], [sflag:$0x1], $0x4000, $0x38;
	[tilespmem:$0x1C080] =	vst v63  }
0x37: {  	_ =	swait.ge [sflag:s22], $0x4000  }
0x38: {  	[sflag:s22] =	ssyncset.done $0x0  }
0x39: {  	[sflag:s22] =	ssyncadd.s32 $0xFFFFC000  }
0x3a: {  	[spmem:s8] =	stream.linear.scatter [tilespmem:s21], [sflag:$0x1], $0x4000, $0x38;
	[tilespmem:$0x1C080] =	vst v63  }
0x3b: {  	_ =	swait.ge [sflag:s22], $0x4000  }
0x3c: {  	[sflag:s22] =	ssyncset.done $0x0  }
0x3d: {  	[sflag:s22] =	ssyncadd.s32 $0xFFFFC000  }
0x3e: {  	[spmem:s9] =	stream.linear.scatter [tilespmem:s21], [sflag:$0x1], $0x4000, $0x38;
	[tilespmem:$0x1C080] =	vst v63  }
0x3f: {  	_ =	swait.ge [sflag:s22], $0x4000  }
0x40: {  	[sflag:s22] =	ssyncset.done $0x0  }
0x41: {  	[sflag:s22] =	ssyncadd.s32 $0xFFFFC000  }
0x42: {  	[spmem:s10] =	stream.linear.scatter [tilespmem:s21], [sflag:$0x1], $0x4000, $0x38;
	[tilespmem:$0x1C080] =	vst v63  }
0x43: {  	_ =	swait.ge [sflag:s22], $0x4000  }
0x44: {  	s28 =	simm.s32 $0x0;
	[sflag:s22] =	ssyncset.done $0x0  }
0x45: {  	s29 =	sand.u32 $0x3C00, s28;
	[sflag:s22] =	ssyncadd.s32 $0xFFFFC000  }
0x46: {  	[spmem:s11] =	stream.linear.scatter [tilespmem:s21], [sflag:$0x1], $0x4000, $0x38;
	[tilespmem:$0x1C080] =	vst v63  }
0x47: {  	s28 =	sand.u32 $0x380, s28;
	s29 =	sadd.s32 s6, s29;
	_ =	swait.ge [sflag:s22], $0x4000  }
0x48: {  	s28 =	sor.u32 s28, s29;
	[sflag:s22] =	ssyncset.done $0x0  }
0x49: {  	s28 =	sshrl.u32 s28, $0x3;
	[sflag:s22] =	ssyncadd.s32 $0xFFFFC000  }
0x4a: {  	s28 =	sadd.s32 s4, s28;
	[bflag:$0x0] =	sbarrier.arrive $0xFFFF  }
0x4b: {  	[tilespmem:s23], [sflag:$0x1] =	stream.linear.gather [hbm4b:s28+s2], $0x80, $0x38;
	[tilespmem:$0x1C080] =	vst v63  }
0x4c: {  	_ =	swait.ge [sflag:s22], $0x80  }
0x4d: {  	s28 =	simm.s32 $0x80;
	[sflag:s22] =	ssyncset.done $0x0  }
0x4e: {  	s29 =	sand.u32 $0x3C00, s28;
	[sflag:s22] =	ssyncadd.s32 $0xFFFFFF80  }
0x4f: {  	[spmem:s1] =	stream.indirect.scatter.add.f32 [tilespmem:s25], [sflag:$0x1], $0x80, s23, s24, $0xb8;
	[tilespmem:$0x1C080] =	vst v63  }
0x50: {  	s30 =	sand.u32 $0x380, s28;
	s29 =	sadd.s32 s6, s29;
	_ =	swait.ge [sflag:s22], $0x4000  }
0x51: {  	s28 =	simm.s32 $0x100;
	s29 =	sor.u32 s30, s29;
	[sflag:s22] =	ssyncset.done $0x0  }
.LBB2_4:
0x52: {  	s29 =	sshrl.u32 s29, $0x3  }
0x53: {  	[sflag:s22] =	ssyncadd.s32 $0xFFFFC000;
	s30 =	smov.u32 s28;
	s31 =	sadd.s32 $0x80, s28  }
0x54: {  	p0 =	sne.s32 s28, $0x2700;
	s28 =	sadd.s32 s4, s29  }
0x55: {  	[tilespmem:s23], [sflag:$0x1] =	stream.linear.gather [hbm4b:s28+s2], $0x80, $0x38;
	[tilespmem:$0x1C080] =	vst v63  }
0x56: {  	_ =	swait.ge [sflag:s22], $0x80  }
.Ltmp1:
0x57: {  	[sflag:s22] =	ssyncset.done $0x0;
	(pc) =	sbr.rel @p0 .LBB2_4-.Ltmp1, $4  }
0x58: {  	s28 =	sand.u32 $0x3C00, s30;
	[sflag:s22] =	ssyncadd.s32 $0xFFFFFF80  }
0x59: {  	[spmem:s1] =	stream.indirect.scatter.add.f32 [tilespmem:s25], [sflag:$0x1], $0x80, s23, s24, $0xb8;
	[tilespmem:$0x1C080] =	vst v63  }
0x5a: {  	s29 =	sand.u32 $0x380, s30;
	s28 =	sadd.s32 s6, s28;
	_ =	swait.ge [sflag:s22], $0x4000  }
0x5b: {  	s29 =	sor.u32 s29, s28;
	s28 =	smov.u32 s31;
	[sflag:s22] =	ssyncset.done $0x0  }
0x5c: {  	s28 =	sshrl.u32 s29, $0x3  }
0x5d: {  	[sflag:s22] =	ssyncadd.s32 $0xFFFFC000;
	s28 =	sadd.s32 s4, s28  }
0x5e: {  	[tilespmem:s23], [sflag:$0x1] =	stream.linear.gather [hbm4b:s28+s2], $0x80, $0x38;
	[tilespmem:$0x1C080] =	vst v63  }
0x5f: {  	_ =	swait.ge [sflag:s22], $0x80  }
0x60: {  	[sflag:s22] =	ssyncset.done $0x0  }
0x61: {  	[sflag:s22] =	ssyncadd.s32 $0xFFFFFF80  }
0x62: {  	[spmem:s1] =	stream.indirect.scatter.add.f32 [tilespmem:s25], [sflag:$0x1], $0x80, s23, s24, $0xb8;
	[tilespmem:$0x1C080] =	vst v63  }
0x63: {  	_ =	swait.ge [sflag:s22], $0x4000  }
0x64: {  	[sflag:s22] =	ssyncset.done $0x0  }
0x65: {  	[sflag:s22] =	ssyncadd.s32 $0xFFFFC000  }
0x66: {  	[bflag:$0x0] =	sbarrier.arrive $0xFFFF  }
0x67: {  	[tilespmem:s21], [sflag:$0x1] =	stream.linear.gather [spmem:s5], $0x4000, $0x38;
	[tilespmem:$0x1C080] =	vst v63  }
0x68: {  	_ =	swait.ge [sflag:s22], $0x4000  }
0x69: {  	[sflag:s22] =	ssyncset.done $0x0  }
0x6a: {  	[sflag:s22] =	ssyncadd.s32 $0xFFFFC000  }
0x6b: {  	[hbm4b:s12+s2] =	stream.linear.scatter [tilespmem:s21], [sflag:$0x1], $0x4000, $0x38;
	[tilespmem:$0x1C080] =	vst v63  }
0x6c: {  	_ =	swait.ge [sflag:s22], $0x4000  }
0x6d: {  	[sflag:s22] =	ssyncset.done $0x0  }
0x6e: {  	[sflag:s22] =	ssyncadd.s32 $0xFFFFC000  }
0x6f: {  	[tilespmem:s21], [sflag:$0x1] =	stream.linear.gather [spmem:s13], $0x4000, $0x38;
	[tilespmem:$0x1C080] =	vst v63  }
0x70: {  	_ =	swait.ge [sflag:s22], $0x4000  }
0x71: {  	[sflag:s22] =	ssyncset.done $0x0  }
0x72: {  	[sflag:s22] =	ssyncadd.s32 $0xFFFFC000  }
0x73: {  	[hbm4b:s14+s2] =	stream.linear.scatter [tilespmem:s21], [sflag:$0x1], $0x4000, $0x38;
	[tilespmem:$0x1C080] =	vst v63  }
0x74: {  	_ =	swait.ge [sflag:s22], $0x4000  }
0x75: {  	[sflag:s22] =	ssyncset.done $0x0  }
0x76: {  	[sflag:s22] =	ssyncadd.s32 $0xFFFFC000  }
0x77: {  	[tilespmem:s21], [sflag:$0x1] =	stream.linear.gather [spmem:s15], $0x4000, $0x38;
	[tilespmem:$0x1C080] =	vst v63  }
0x78: {  	_ =	swait.ge [sflag:s22], $0x4000  }
0x79: {  	[sflag:s22] =	ssyncset.done $0x0  }
0x7a: {  	[sflag:s22] =	ssyncadd.s32 $0xFFFFC000  }
0x7b: {  	[hbm4b:s16+s2] =	stream.linear.scatter [tilespmem:s21], [sflag:$0x1], $0x4000, $0x38;
	[tilespmem:$0x1C080] =	vst v63  }
0x7c: {  	_ =	swait.ge [sflag:s22], $0x4000  }
0x7d: {  	[sflag:s22] =	ssyncset.done $0x0  }
0x7e: {  	[sflag:s22] =	ssyncadd.s32 $0xFFFFC000  }
0x7f: {  	[tilespmem:s21], [sflag:$0x1] =	stream.linear.gather [spmem:s17], $0x4000, $0x38;
	[tilespmem:$0x1C080] =	vst v63  }
0x80: {  	_ =	swait.ge [sflag:s22], $0x4000  }
0x81: {  	[sflag:s22] =	ssyncset.done $0x0  }
0x82: {  	[sflag:s22] =	ssyncadd.s32 $0xFFFFC000  }
0x83: {  	[hbm4b:s18+s2] =	stream.linear.scatter [tilespmem:s21], [sflag:$0x1], $0x4000, $0x38;
	[tilespmem:$0x1C080] =	vst v63  }
0x84: {  	_ =	swait.ge [sflag:s22], $0x4000  }
0x85: {  	[sflag:s22] =	ssyncset.done $0x0  }
0x86: {  	[sflag:s22] =	ssyncadd.s32 $0xFFFFC000  }
0x87: {  	[tilespmem:s21], [sflag:$0x1] =	stream.linear.gather [spmem:s19], $0x4000, $0x38;
	[tilespmem:$0x1C080] =	vst v63  }
0x88: {  	s26 =	sadd.s32 $0x1, s26;
	_ =	swait.ge [sflag:s22], $0x4000  }
0x89: {  	p0 =	sne.s32 s26, s7;
	[sflag:s22] =	ssyncset.done $0x0  }
.Ltmp2:
0x8a: {  	[sflag:s22] =	ssyncadd.s32 $0xFFFFC000;
	(pc) =	sbr.rel @p0 .LBB2_1-.Ltmp2, $4  }
0x8b: {  	[hbm4b:s20+s2] =	stream.linear.scatter [tilespmem:s21], [sflag:$0x1], $0x4000, $0x38;
	[tilespmem:$0x1C080] =	vst v63  }
0x8c: {  	_ =	swait.ge [sflag:s22], $0x4000  }
0x8d: {  	[sflag:s22] =	ssyncset.done $0x0  }
0x8e: {  	[sflag:s22] =	ssyncadd.s32 $0xFFFFC000  }
0x8f: {  	_ =	sfence.sel $0x180000  }
0x90: {  	[bflag:$0x0] =	sbarrier.arrive $0xFFFF  }
0x91: {  	p0 =	sne.s32 s3, $0x0;
	_ =	strace $0x90000047  }
0x92: {  	s0 =	sadd.s32 @!p0 $0x100000, s0;
	[bflag:$0x2] =	sbarrier.arrive $0xFFFF  }
0x93: {  	[sflag:s0] =	ssyncadd.tile.s32 @!p0 $0x1;
	_ =	shalt  }
.Lfunc_end2:
_tile_overlayer_lowered:
.L_overlay_start_2:
0x94: {  	(tag) =	ssettag $0x2  }
0x95: {  	s0 =	rddreg [dreg:$0x0];
	s2 =	stileid.u32  }
0x96: {  	s1 =	rddreg [dreg:$0x1];
	p0 =	sne.s32 s2, $0x0  }
0x97: {  	s3 =	rddreg [dreg:$0x2];
	[bflag:$0x3] =	sbarrier.arrive $0xFFFF;
	s2 =	simm.s32 @!p0 $0x1C01  }
0x98: {  	[timem:s3], [sflag:s2] =	dma.local @!p0 [hbm:s0], s1  }
0x99: {  	s0 =	simm.s32 @!p0 $0x1  }
0x9a: {  	_ =	swait.ge @!p0 [sflag:s0], s1  }
0x9b: {  	s1 =	ssub.s32 @!p0 $0x0, s1;
	[sflag:s0] =	ssyncset.done @!p0 $0x0  }
0x9c: {  	[sflag:s0] =	ssyncadd.s32 @!p0 s1  }
0x9d: {  	[bflag:$0x3] =	sbarrier.arrive $0xFFFF  }
0x9e: {  	_ =	shalt  }

// kernel: kernel.15.cloned.1.call-start
scs
__scs_entry_jumppad:
0x0: {  	(pc) =	sbr.rel $0x88, $3  }
0x1: {  	(tag) =	ssettag $0x0;
	lr =	simm.s32 $0x1  }
0x2: {  	[smem:$0x3F94] =	sst lr;
	_ =	strace $0xD0000000  }
0x3: {  	_ = 	snop  }
0x4: {  	_ = 	snop  }
0x5: {  	_ = 	snop  }
0x6: {  	_ = 	snop  }
0x7: {  	_ = 	snop  }
__scs_overlays_trampoline_lowered:
0x8: {  	[smem:$0x3FA3] =	sst s0  }
0x9: {  	[smem:$0x3FA4] =	sst s1  }
0xa: {  	[smem:$0x3FA5] =	sst s2  }
0xb: {  	[smem:$0x3FA6] =	sst s3  }
0xc: {  	[smem:$0x3FA7] =	sst s4  }
0xd: {  	[smem:$0x3FA8] =	sst s5  }
0xe: {  	[smem:$0x3FA9] =	sst s6  }
0xf: {  	[smem:$0x3FAA] =	sst s7  }
0x10: {  	[smem:$0x3FAB] =	sst s8  }
0x11: {  	[smem:$0x3FAC] =	sst s9;
	s0 =	simm.s32 @!p0 $0x0  }
0x12: {  	s1 =	sld [smem:$0x3F92];
	s0 =	simm.s32 @p0 $0x1  }
0x13: {  	[smem:$0x3FAD] =	sst s0;
	s0 =	simm.s32 @!p1 $0x0  }
0x14: {  	s2 =	sld [smem:$0x3F91];
	s0 =	simm.s32 @p1 $0x1  }
0x15: {  	[smem:$0x3FAE] =	sst s0;
	s0 =	simm.s32 @!p2 $0x0  }
0x16: {  	s3 =	sld [smem:$0x3FDB];
	s0 =	simm.s32 @p2 $0x1  }
0x17: {  	s4 =	simm.s32 $0x1BF5;
	[smem:$0x3FB0] =	sst s0  }
0x18: {  	s0 =	sld [smem:$0x3F93];
	_ =	swait.ge [sflag:s4], $0x0  }
0x19: {  	s7 =	sld [smem:$0x3F94]  }
0x1a: {  	s8 =	sadd.s32 $0xFFFFE003, lr  }
0x1b: {  	s9 =	sadd.s32 $0xFFFFFEF7, lr;
	s5 =	simm.s32 $0xFFFFFFFF;
	p2 =	slt.u32 s8, $0xFFFFF086  }
0x1c: {  	p1 =	slt.u32 s9, $0xF7A;
	s5 =	simm.s32 @!p2 $0x0  }
0x1d: {  	s5 =	simm.s32 @p1 $0x1;
	p0 =	seq.s32 s7, s2  }
0x1e: {  	s7 =	smul.u32 @!p0 $0xF7A, s2;
	p2 =	seq.s32 @!p0 s5, $0x0  }
0x1f: {  	s9 =	smul.u32 $0xF7A, s1;
	s8 =	simm.s32 @!p0 $0x1BF5;
	p2 =	por !p2, p0  }
0x20: {  	[sflag:s8] =	ssyncset.s32 @!p0 $0xFFFFF086;
	s6 =	sadd.s32 @!p0 s3, s7;
	s7 =	simm.s32 @!p0 $0x108  }
0x21: {  	s3 =	sadd.s32 s3, s9;
	s6 =	sadd.s32 @!p0 $0x88, s6;
	s7 =	simm.s32 @p2 $0x1082  }
0x22: {  	[simem:s7], [sflag:s8] =	dma.local @!p0 [hbm:s6], $0xF7A  }
0x23: {  	s9 =	sor.u32 $0xD0000000, s2;
	s6 =	simm.s32 $0x108;
	_ =	swait.ge @!p0 [sflag:s8], $0x0  }
0x24: {  	s3 =	sadd.s32 $0x88, s3;
	s6 =	simm.s32 @!p1 $0x1082;
	[sflag:s4] =	ssyncset.s32 $0xFFFFF086  }
0x25: {  	[simem:s6], [sflag:s4] =	dma.local [hbm:s3], $0xF7A  }
0x26: {  	[smem:$0x3F94] =	sst s1;
	(tag) =	ssettag s2;
	_ =	strace s9  }
0x27: {  	s1 =	sld [smem:$0x3FA4]  }
0x28: {  	s2 =	sld [smem:$0x3FA5]  }
0x29: {  	s4 =	sld [smem:$0x3FA7]  }
0x2a: {  	p0 =	seq.s32 s5, $0x0;
	s5 =	sld [smem:$0x3FA8]  }
0x2b: {  	s6 =	sld [smem:$0x3FA9]  }
0x2c: {  	s7 =	sld [smem:$0x3FAA]  }
0x2d: {  	s3 =	simm.s32 $0x108;
	s8 =	sld [smem:$0x3FAB]  }
0x2e: {  	s3 =	simm.s32 @!p0 $0x1082;
	s9 =	sld [smem:$0x3FAC]  }
0x2f: {  	lr =	sadd.s32 s0, s3;
	s0 =	sld [smem:$0x3FA3]  }
0x30: {  	s3 =	sld [smem:$0x3FA6]  }
0x31: {  	[smem:$0x3FAF] =	sst s10  }
0x32: {  	s10 =	sld [smem:$0x3FAD];
	_ =	sdelay $0x3  }
0x33: {  	p0 =	seq.s32 s10, $0x1;
	s10 =	sld [smem:$0x3FAF];
	_ =	sdelay $0x3  }
0x34: {  	[smem:$0x3FAF] =	sst s10  }
0x35: {  	s10 =	sld [smem:$0x3FAE];
	_ =	sdelay $0x3  }
0x36: {  	p1 =	seq.s32 s10, $0x1;
	s10 =	sld [smem:$0x3FAF];
	_ =	sdelay $0x3  }
0x37: {  	[smem:$0x3FAF] =	sst s10  }
0x38: {  	s10 =	sld [smem:$0x3FB0]  }
0x39: {  	_ = 	snop;
	(pc) =	sbr.ind lr, $3  }
0x3a: {  	_ = 	snop  }
0x3b: {  	_ = 	snop  }
0x3c: {  	p2 =	seq.s32 s10, $0x1;
	s10 =	sld [smem:$0x3FAF]  }
0x3d: {  	_ =	shalt  }
0x3e: {  	_ =	shalt  }
0x3f: {  	_ =	shalt  }
0x40: {  	_ =	shalt  }
0x41: {  	_ =	shalt  }
0x42: {  	_ =	shalt  }
0x43: {  	_ =	shalt  }
0x44: {  	_ =	shalt  }
0x45: {  	_ =	shalt  }
0x46: {  	_ =	shalt  }
0x47: {  	_ =	shalt  }
0x48: {  	_ =	shalt  }
0x49: {  	_ =	shalt  }
0x4a: {  	_ =	shalt  }
0x4b: {  	_ =	shalt  }
0x4c: {  	_ =	shalt  }
0x4d: {  	_ =	shalt  }
0x4e: {  	_ =	shalt  }
0x4f: {  	_ =	shalt  }
0x50: {  	_ =	shalt  }
0x51: {  	_ =	shalt  }
0x52: {  	_ =	shalt  }
0x53: {  	_ =	shalt  }
0x54: {  	_ =	shalt  }
0x55: {  	_ =	shalt  }
0x56: {  	_ =	shalt  }
0x57: {  	_ =	shalt  }
0x58: {  	_ =	shalt  }
0x59: {  	_ =	shalt  }
0x5a: {  	_ =	shalt  }
0x5b: {  	_ =	shalt  }
0x5c: {  	_ =	shalt  }
0x5d: {  	_ =	shalt  }
0x5e: {  	_ =	shalt  }
0x5f: {  	_ =	shalt  }
0x60: {  	_ =	shalt  }
0x61: {  	_ =	shalt  }
0x62: {  	_ =	shalt  }
0x63: {  	_ =	shalt  }
0x64: {  	_ =	shalt  }
0x65: {  	_ =	shalt  }
0x66: {  	_ =	shalt  }
0x67: {  	_ =	shalt  }
0x68: {  	_ =	shalt  }
0x69: {  	_ =	shalt  }
0x6a: {  	_ =	shalt  }
0x6b: {  	_ =	shalt  }
0x6c: {  	_ =	shalt  }
0x6d: {  	_ =	shalt  }
0x6e: {  	_ =	shalt  }
0x6f: {  	_ =	shalt  }
0x70: {  	_ =	shalt  }
0x71: {  	_ =	shalt  }
0x72: {  	_ =	shalt  }
0x73: {  	_ =	shalt  }
0x74: {  	_ =	shalt  }
0x75: {  	_ =	shalt  }
0x76: {  	_ =	shalt  }
0x77: {  	_ =	shalt  }
0x78: {  	_ =	shalt  }
0x79: {  	_ =	shalt  }
0x7a: {  	_ =	shalt  }
0x7b: {  	_ =	shalt  }
0x7c: {  	_ =	shalt  }
0x7d: {  	_ =	shalt  }
0x7e: {  	_ =	shalt  }
0x7f: {  	_ =	shalt  }
0x80: {  	_ =	shalt  }
0x81: {  	_ =	shalt  }
0x82: {  	_ =	shalt  }
0x83: {  	_ =	shalt  }
0x84: {  	_ =	shalt  }
0x85: {  	_ =	shalt  }
0x86: {  	_ =	shalt  }
0x87: {  	_ =	shalt  }
.Lfunc_end0:
.L_simem_size_0:
called_computation.1_lowered:
.L_overlay_start_0:
0x88: {  	s2 =	sld [smem:$0x3FD9]  }
0x89: {  	s3 =	sld [smem:$0x3FFE];
	_ =	sdelay $0x1  }
0x8a: {  	s1 =	srdreg.scid  }
0x8b: {  	s0 =	sand.u32 $0x1, s1  }
0x8c: {  	s16 =	sshll.u32 s0, $0xA;
	s2 =	sadd.s32 s3, s2  }
0x8d: {  	s2 =	sadd.s32 s2, s16  }
0x8e: {  	[smem:$0x3FBB] =	sst s2  }
0x8f: {  	_ = 	snop  }
0x90: {  	(tm) =	ssettm $0x1  }
0x91: {  	s17 =	sld [smem:$0x3FFB];
	_ =	sdelay $0x3  }
0x92: {  	_ =	strace s17  }
0x93: {  	s2 =	sld [smem:$0x3FFC];
	_ =	sdelay $0x3  }
0x94: {  	_ =	strace s2  }
0x95: {  	s2 =	sld [smem:$0x3FFD];
	_ =	sdelay $0x3  }
0x96: {  	_ =	strace s2  }
0x97: {  	_ =	strace $0x8FFFFFFF  }
0x98: {  	s18 =	sld [smem:$0x3FDB];
	_ =	sdelay $0x1  }
0x99: {  	s19 =	simm.s32 $_scs_section_size  }
0x9a: {  	s4 =	simm.s32 $_size__tile_overlayer_lowered;
	s5 =	simm.s32 $_tile_overlayer_lowered  }
0x9b: {  	s22 =	simm.s32 $0x1BFF;
	s21 =	sshll.u32 s5, $0x1;
	s2 =	sadd.s32 s19, s18  }
0x9c: {  	s6 =	simm.s32 $0x0;
	s20 =	sshll.u32 s4, $0x1;
	s4 =	sadd.s32 s21, s2  }
0x9d: {  	[timem:s6], [sflag:s22] =	dma.local [hbm:s4], s20  }
0x9e: {  	_ =	swait.ge [sflag:s22], s20  }
0x9f: {  	s3 =	ssub.s32 $0x0, s20;
	[sflag:s22] =	ssyncset.done $0x0  }
0xa0: {  	[sflag:s22] =	ssyncadd.s32 s3;
	_ =	sdelay $0x1  }
0xa1: {  	s23 =	simm.s32 $0x1B8B  }
0xa2: {  	_ =	swait.ge [sflag:s23], $0x1  }
0xa3: {  	[sflag:s23] =	ssyncset.done $0x0  }
0xa4: {  	s25 =	simm.s32 $0x1B8E;
	s24 =	sld [smem:$0x3FFE];
	[sflag:s23] =	ssyncadd.s32 $0xFFFFFFFF  }
0xa5: {  	s26 =	simm.s32 $execute0_lowered;
	[smem:$0x3FD2] =	sst s25  }
0xa6: {  	s4 =	sshll.u32 s26, $0x1;
	_ =	strace $0x80000049;
	[dreg:$0x1] =	wrdreg $0xFFFFFFFF  }
0xa7: {  	s28 =	simm.s32 $_size_execute0_lowered;
	s2 =	sadd.s32 s2, s4;
	[dreg:$0x0] =	wrdreg $0x0  }
0xa8: {  	s4 =	sshll.u32 s28, $0x1;
	[dreg:$0x2] =	wrdreg s2  }
0xa9: {  	[dreg:$0x3] =	wrdreg s4  }
0xaa: {  	[dreg:$0x4] =	wrdreg $0xC0  }
0xab: {  	_ =	task [dreg:s6], $0x5FFFF  }
0xac: {  	[dreg:$0x1] =	wrdreg $0xFFFFFFFF  }
0xad: {  	[dreg:$0x0] =	wrdreg $0x60  }
0xae: {  	[dreg:$0x2] =	wrdreg s24  }
0xaf: {  	[dreg:$0x3] =	wrdreg $0x0  }
0xb0: {  	[dreg:$0x4] =	wrdreg $0x9  }
0xb1: {  	_ =	task.clear_ibuf [dreg:s6], $0x5FFFF;
	_ =	strace $0x90000049  }
0xb2: {  	s29 =	simm.s32 $0x9;
	_ =	strace $0x8000004B  }
0xb3: {  	_ =	swait.ge [sflag:s29], $0x1  }
0xb4: {  	[sflag:s29] =	ssyncadd.s32 $0xFFFFFFFF  }
0xb5: {  	_ =	strace $0x9000004B  }
0xb6: {  	_ =	sfence  }
0xb7: {  	s30 =	sld [smem:$0x0];
	_ =	sdelay $0x2  }
0xb8: {  	s31 =	sshll.u32 s1, $0xD;
	s1 =	sshrl.u32 s1, $0x2  }
0xb9: {  	s3 =	sand.u32 $0x4000, s31;
	s1 =	sadd.s32 s1, s30  }
0xba: {  	s0 =	sor.u32 s3, s0;
	s1 =	sshll.u32 s1, $0x11  }
0xbb: {  	s0 =	sor.u32 s1, s0  }
0xbc: {  	s0 =	sadd.s32 $0x8F2B, s0  }
0xbd: {  	[sflag:s0] =	ssyncadd.remote.s32 $0x1  }
0xbe: {  	_ =	sfence.sel $0xFFFF  }
0xbf: {  	[dreg:$0x0] =	wrdreg $0xFFFFFFFF;
	(pc) =	sbr.abs _section_cstart, $3  }
0xc0: {  	[dreg:$0x1] =	wrdreg $0xFFFFFFFF  }
0xc1: {  	_ =	task.clear_ibuf [dreg:s6], $0x2FFFF;
	_ =	strace $0x9FFFFFFF  }
0xc2: {  	(tm) =	ssettm $0x7FFFFFFF  }
0xc3: {  	_ =	shalt  }
tec
execute0_lowered:
.L_overlay_start_1:
0x0: {  	(tag) =	ssettag $0x1  }
0x1: {  	s0 =	rddreg [dreg:$0x0]  }
0x2: {  	s1 =	rddreg [dreg:$0x1]  }
0x3: {  	s2 =	simm.s32 $0x0;
	s3 =	srdreg.scid;
	s23 =	stileid.u32  }
0x4: {  	s28 =	simm.s32 $0x80;
	s29 =	simm.s32 $0x1;
	s30 =	simm.s32 $0x0  }
0x5: {  	[smem:$0x7FF] =	sst s2;
	s7 =	sand.u32 $0x1, s3;
	s4 =	sadd.s32 $0xDC00, s0  }
0x6: {  	s5 =	sadd.s32 $0x5DC00, s0;
	s10 =	smul.u32 $0x50000, s23;
	s6 =	sadd.s32 $0x3C00, s0  }
0x7: {  	s0 =	sadd.s32 $0x67C00, s0;
	s24 =	sshll.u32 s23, $0x1;
	s18 =	smul.u32 $0x14000, s23  }
0x8: {  	_ =	strace $0x8000004A;
	s8 =	ssub.s32 $0x2, s7;
	s19 =	smul.u32 $0x140000, s7  }
0x9: {  	s9 =	sshrl.u32 s8, $0x1;
	s10 =	sshrl.u32 s10, $0x2;
	s15 =	sadd.s32 $0x4000, s18  }
0xa: {  	s20 =	sadd.s32 $0x8000, s18;
	s21 =	sadd.s32 $0xC000, s18;
	s23 =	sadd.s32 $0x10000, s18  }
0xb: {  	s9 =	ssub.s32 s8, s9;
	s8 =	sor.u32 s7, s24;
	s7 =	sadd.s32 s10, s1  }
0xc: {  	s13 =	sadd.s32 s19, s18;
	s16 =	sadd.s32 s19, s15;
	s15 =	sadd.s32 s15, s1  }
0xd: {  	s17 =	sadd.s32 s20, s1;
	s20 =	sadd.s32 s19, s20;
	s22 =	sadd.s32 s19, s21  }
0xe: {  	s31 =	sadd.s32 s19, s23;
	s19 =	sadd.s32 s21, s1;
	s21 =	sadd.s32 s23, s1  }
0xf: {  	s23 =	simm.s32 $0x14100;
	s24 =	simm.s32 $0x2;
	s8 =	smul.u32 $0x2800, s8  }
0x10: {  	s25 =	smax.u32 s9, $0x1;
	s10 =	sadd.s32 $0x4000, s7;
	s11 =	sadd.s32 $0x8000, s7  }
0x11: {  	s12 =	sadd.s32 $0xC000, s7;
	s14 =	sshrl.u32 s13, $0x3;
	s13 =	sadd.s32 $0x10000, s7  }
0x12: {  	s16 =	sshrl.u32 s16, $0x3;
	s20 =	sshrl.u32 s20, $0x3;
	s26 =	sshrl.u32 s22, $0x3  }
0x13: {  	s22 =	sshrl.u32 s31, $0x3;
	[dreg:$0x3] =	wrdreg s25;
	s14 =	sadd.s32 s0, s14  }
0x14: {  	s16 =	sadd.s32 s0, s16;
	s18 =	sadd.s32 s0, s20;
	s20 =	sadd.s32 s0, s26  }
0x15: {  	v0 =	vimm.f32 $0.0e+00;
	s22 =	sadd.s32 s0, s22;
	s25 =	simm.s32 $0x14000;
	s26 =	simm.s32 $0x14080  }
.LBB2_1:
0x16: {  	s31 =	simm.s32 $0x0;
	s0 =	simm.s32 $0x200  }
.LBB2_2:
0x17: {  	p0 =	sne.s32 s0, $0xFE00;
	[tilespmem:s31+$0x14170] =	vst v0  }
0x18: {  	[tilespmem:s31+$0x14100] =	vst v0  }
0x19: {  	[tilespmem:s31+$0x14110] =	vst v0  }
.Ltmp0:
0x1a: {  	[tilespmem:s31+$0x14120] =	vst v0;
	(pc) =	sbr.rel @p0 .LBB2_2-.Ltmp0, $4  }
0x1b: {  	[tilespmem:s31+$0x14130] =	vst v0  }
0x1c: {  	[tilespmem:s31+$0x14140] =	vst v0  }
0x1d: {  	[tilespmem:s31+$0x14150] =	vst v0  }
0x1e: {  	[tilespmem:s31+$0x14160] =	vst v0;
	s31 =	sshra.s32 s0, $0x2;
	s0 =	sadd.s32 $0x200, s0  }
0x1f: {  	[tilespmem:s31+$0x14170] =	vst v0  }
0x20: {  	[tilespmem:s31+$0x14100] =	vst v0  }
0x21: {  	[tilespmem:s31+$0x14110] =	vst v0  }
0x22: {  	[tilespmem:s31+$0x14120] =	vst v0  }
0x23: {  	[tilespmem:s31+$0x14130] =	vst v0  }
0x24: {  	[tilespmem:s31+$0x14140] =	vst v0  }
0x25: {  	[tilespmem:s31+$0x14150] =	vst v0  }
0x26: {  	[tilespmem:s31+$0x14160] =	vst v0  }
0x27: {  	[spmem:s7] =	stream.linear.scatter [tilespmem:s23], [sflag:$0x2], $0x4000, $0x38;
	[tilespmem:$0x18100] =	vst v63  }
0x28: {  	_ =	swait.ge [sflag:s24], $0x4000  }
0x29: {  	[sflag:s24] =	ssyncset.done $0x0  }
0x2a: {  	[sflag:s24] =	ssyncadd.s32 $0xFFFFC000  }
0x2b: {  	[spmem:s10] =	stream.linear.scatter [tilespmem:s23], [sflag:$0x2], $0x4000, $0x38;
	[tilespmem:$0x18100] =	vst v63  }
0x2c: {  	_ =	swait.ge [sflag:s24], $0x4000  }
0x2d: {  	[sflag:s24] =	ssyncset.done $0x0  }
0x2e: {  	[sflag:s24] =	ssyncadd.s32 $0xFFFFC000  }
0x2f: {  	[spmem:s11] =	stream.linear.scatter [tilespmem:s23], [sflag:$0x2], $0x4000, $0x38;
	[tilespmem:$0x18100] =	vst v63  }
0x30: {  	_ =	swait.ge [sflag:s24], $0x4000  }
0x31: {  	[sflag:s24] =	ssyncset.done $0x0  }
0x32: {  	[sflag:s24] =	ssyncadd.s32 $0xFFFFC000  }
0x33: {  	[spmem:s12] =	stream.linear.scatter [tilespmem:s23], [sflag:$0x2], $0x4000, $0x38;
	[tilespmem:$0x18100] =	vst v63  }
0x34: {  	_ =	swait.ge [sflag:s24], $0x4000  }
0x35: {  	s0 =	simm.s32 $0x0;
	[sflag:s24] =	ssyncset.done $0x0  }
0x36: {  	s31 =	sand.u32 $0x3C00, s0;
	[sflag:s24] =	ssyncadd.s32 $0xFFFFC000  }
0x37: {  	[spmem:s13] =	stream.linear.scatter [tilespmem:s23], [sflag:$0x2], $0x4000, $0x38;
	[tilespmem:$0x18100] =	vst v63  }
0x38: {  	s0 =	sand.u32 $0x380, s0;
	s31 =	sadd.s32 s8, s31;
	_ =	swait.ge [sflag:s24], $0x4000  }
0x39: {  	s0 =	sor.u32 s0, s31;
	[sflag:s24] =	ssyncset.done $0x0  }
0x3a: {  	s0 =	sshrl.u32 s0, $0x3;
	[sflag:s24] =	ssyncadd.s32 $0xFFFFC000  }
0x3b: {  	s31 =	sadd.s32 s5, s0;
	[bflag:$0x0] =	sbarrier.arrive $0xFFFF  }
0x3c: {  	[tilespmem:s25], [sflag:$0x2] =	stream.linear.gather [hbm4b:s31+s2], $0x80, $0x38;
	[tilespmem:$0x18100] =	vst v63  }
0x3d: {  	_ =	swait.ge [sflag:s24], $0x80  }
0x3e: {  	[sflag:s24] =	ssyncset.done $0x0  }
0x3f: {  	s0 =	sadd.s32 s6, s0;
	[sflag:s24] =	ssyncadd.s32 $0xFFFFFF80  }
0x40: {  	[tilespmem:s26], [sflag:$0x2] =	stream.linear.gather [hbm4b:s0+s2], $0x80, $0x38;
	[tilespmem:$0x18100] =	vst v63  }
0x41: {  	_ =	swait.ge [sflag:s24], $0x80  }
0x42: {  	[sflag:s24] =	ssyncset.done $0x0  }
0x43: {  	[sflag:s24] =	ssyncadd.s32 $0xFFFFFF80  }
0x44: {  	[tilespmem:s23], [sflag:$0x1] =	stream.indirect.gather [hbm4b:s4+s28], $0x80, s25, s28, $0xb8;
	[tilespmem:$0x18100] =	vst v63  }
0x45: {  	_ =	swait.ge [sflag:s29], $0x4000  }
0x46: {  	s9 =	simm.s32 $0x80;
	[sflag:s29] =	ssyncset.done $0x0  }
0x47: {  	s31 =	sand.u32 $0x3C00, s9;
	[sflag:s29] =	ssyncadd.s32 $0xFFFFC000  }
0x48: {  	[spmem:s1] =	stream.indirect.scatter.add.f32 [tilespmem:s23], [sflag:$0x2], $0x80, s26, s28, $0xb8;
	[tilespmem:$0x18100] =	vst v63  }
0x49: {  	s3 =	sand.u32 $0x380, s9;
	s31 =	sadd.s32 s8, s31;
	_ =	swait.ge [sflag:s24], $0x4000  }
0x4a: {  	s31 =	sor.u32 s3, s31;
	s0 =	simm.s32 $0x100;
	[sflag:s24] =	ssyncset.done $0x0  }
.LBB2_4:
0x4b: {  	s3 =	sshrl.u32 s31, $0x3  }
0x4c: {  	[sflag:s24] =	ssyncadd.s32 $0xFFFFC000;
	s31 =	smov.u32 s0;
	s9 =	sadd.s32 $0x80, s0  }
0x4d: {  	p0 =	sne.s32 s0, $0x2700;
	s0 =	sadd.s32 s5, s3  }
0x4e: {  	[tilespmem:s25], [sflag:$0x2] =	stream.linear.gather [hbm4b:s0+s2], $0x80, $0x38;
	[tilespmem:$0x18100] =	vst v63  }
0x4f: {  	_ =	swait.ge [sflag:s24], $0x80  }
0x50: {  	[sflag:s24] =	ssyncset.done $0x0  }
0x51: {  	s0 =	sadd.s32 s6, s3;
	[sflag:s24] =	ssyncadd.s32 $0xFFFFFF80  }
0x52: {  	[tilespmem:s26], [sflag:$0x2] =	stream.linear.gather [hbm4b:s0+s2], $0x80, $0x38;
	[tilespmem:$0x18100] =	vst v63  }
0x53: {  	_ =	swait.ge [sflag:s24], $0x80  }
0x54: {  	[sflag:s24] =	ssyncset.done $0x0  }
0x55: {  	[sflag:s24] =	ssyncadd.s32 $0xFFFFFF80  }
0x56: {  	[tilespmem:s23], [sflag:$0x1] =	stream.indirect.gather [hbm4b:s4+s28], $0x80, s25, s28, $0xb8;
	[tilespmem:$0x18100] =	vst v63  }
0x57: {  	_ =	swait.ge [sflag:s29], $0x4000  }
.Ltmp1:
0x58: {  	[sflag:s29] =	ssyncset.done $0x0;
	(pc) =	sbr.rel @p0 .LBB2_4-.Ltmp1, $4  }
0x59: {  	s0 =	sand.u32 $0x3C00, s31;
	[sflag:s29] =	ssyncadd.s32 $0xFFFFC000  }
0x5a: {  	[spmem:s1] =	stream.indirect.scatter.add.f32 [tilespmem:s23], [sflag:$0x2], $0x80, s26, s28, $0xb8;
	[tilespmem:$0x18100] =	vst v63  }
0x5b: {  	s3 =	sand.u32 $0x380, s31;
	s0 =	sadd.s32 s8, s0;
	_ =	swait.ge [sflag:s24], $0x4000  }
0x5c: {  	s31 =	sor.u32 s3, s0;
	s0 =	smov.u32 s9;
	[sflag:s24] =	ssyncset.done $0x0  }
0x5d: {  	s0 =	sshrl.u32 s31, $0x3  }
0x5e: {  	[sflag:s24] =	ssyncadd.s32 $0xFFFFC000;
	s3 =	sadd.s32 s5, s0  }
0x5f: {  	[tilespmem:s25], [sflag:$0x2] =	stream.linear.gather [hbm4b:s3+s2], $0x80, $0x38;
	[tilespmem:$0x18100] =	vst v63  }
0x60: {  	_ =	swait.ge [sflag:s24], $0x80  }
0x61: {  	[sflag:s24] =	ssyncset.done $0x0  }
0x62: {  	s0 =	sadd.s32 s6, s0;
	[sflag:s24] =	ssyncadd.s32 $0xFFFFFF80  }
0x63: {  	[tilespmem:s26], [sflag:$0x2] =	stream.linear.gather [hbm4b:s0+s2], $0x80, $0x38;
	[tilespmem:$0x18100] =	vst v63  }
0x64: {  	_ =	swait.ge [sflag:s24], $0x80  }
0x65: {  	[sflag:s24] =	ssyncset.done $0x0  }
0x66: {  	[sflag:s24] =	ssyncadd.s32 $0xFFFFFF80  }
0x67: {  	[tilespmem:s23], [sflag:$0x1] =	stream.indirect.gather [hbm4b:s4+s28], $0x80, s25, s28, $0xb8;
	[tilespmem:$0x18100] =	vst v63  }
0x68: {  	_ =	swait.ge [sflag:s29], $0x4000  }
0x69: {  	[sflag:s29] =	ssyncset.done $0x0  }
0x6a: {  	[sflag:s29] =	ssyncadd.s32 $0xFFFFC000  }
0x6b: {  	[spmem:s1] =	stream.indirect.scatter.add.f32 [tilespmem:s23], [sflag:$0x2], $0x80, s26, s28, $0xb8;
	[tilespmem:$0x18100] =	vst v63  }
0x6c: {  	_ =	swait.ge [sflag:s24], $0x4000  }
0x6d: {  	[sflag:s24] =	ssyncset.done $0x0  }
0x6e: {  	[sflag:s24] =	ssyncadd.s32 $0xFFFFC000  }
0x6f: {  	[bflag:$0x0] =	sbarrier.arrive $0xFFFF  }
0x70: {  	[tilespmem:s23], [sflag:$0x2] =	stream.linear.gather [spmem:s7], $0x4000, $0x38;
	[tilespmem:$0x18100] =	vst v63  }
0x71: {  	_ =	swait.ge [sflag:s24], $0x4000  }
0x72: {  	[sflag:s24] =	ssyncset.done $0x0  }
0x73: {  	[sflag:s24] =	ssyncadd.s32 $0xFFFFC000  }
0x74: {  	[hbm4b:s14+s2] =	stream.linear.scatter [tilespmem:s23], [sflag:$0x2], $0x4000, $0x38;
	[tilespmem:$0x18100] =	vst v63  }
0x75: {  	_ =	swait.ge [sflag:s24], $0x4000  }
0x76: {  	[sflag:s24] =	ssyncset.done $0x0  }
0x77: {  	[sflag:s24] =	ssyncadd.s32 $0xFFFFC000  }
0x78: {  	[tilespmem:s23], [sflag:$0x2] =	stream.linear.gather [spmem:s15], $0x4000, $0x38;
	[tilespmem:$0x18100] =	vst v63  }
0x79: {  	_ =	swait.ge [sflag:s24], $0x4000  }
0x7a: {  	[sflag:s24] =	ssyncset.done $0x0  }
0x7b: {  	[sflag:s24] =	ssyncadd.s32 $0xFFFFC000  }
0x7c: {  	[hbm4b:s16+s2] =	stream.linear.scatter [tilespmem:s23], [sflag:$0x2], $0x4000, $0x38;
	[tilespmem:$0x18100] =	vst v63  }
0x7d: {  	_ =	swait.ge [sflag:s24], $0x4000  }
0x7e: {  	[sflag:s24] =	ssyncset.done $0x0  }
0x7f: {  	[sflag:s24] =	ssyncadd.s32 $0xFFFFC000  }
0x80: {  	[tilespmem:s23], [sflag:$0x2] =	stream.linear.gather [spmem:s17], $0x4000, $0x38;
	[tilespmem:$0x18100] =	vst v63  }
0x81: {  	_ =	swait.ge [sflag:s24], $0x4000  }
0x82: {  	[sflag:s24] =	ssyncset.done $0x0  }
0x83: {  	[sflag:s24] =	ssyncadd.s32 $0xFFFFC000  }
0x84: {  	[hbm4b:s18+s2] =	stream.linear.scatter [tilespmem:s23], [sflag:$0x2], $0x4000, $0x38;
	[tilespmem:$0x18100] =	vst v63  }
0x85: {  	_ =	swait.ge [sflag:s24], $0x4000  }
0x86: {  	[sflag:s24] =	ssyncset.done $0x0  }
0x87: {  	[sflag:s24] =	ssyncadd.s32 $0xFFFFC000  }
0x88: {  	[tilespmem:s23], [sflag:$0x2] =	stream.linear.gather [spmem:s19], $0x4000, $0x38;
	[tilespmem:$0x18100] =	vst v63  }
0x89: {  	_ =	swait.ge [sflag:s24], $0x4000  }
0x8a: {  	[sflag:s24] =	ssyncset.done $0x0  }
0x8b: {  	[sflag:s24] =	ssyncadd.s32 $0xFFFFC000  }
0x8c: {  	[hbm4b:s20+s2] =	stream.linear.scatter [tilespmem:s23], [sflag:$0x2], $0x4000, $0x38;
	[tilespmem:$0x18100] =	vst v63  }
0x8d: {  	_ =	swait.ge [sflag:s24], $0x4000  }
0x8e: {  	[sflag:s24] =	ssyncset.done $0x0  }
0x8f: {  	[sflag:s24] =	ssyncadd.s32 $0xFFFFC000  }
0x90: {  	[tilespmem:s23], [sflag:$0x2] =	stream.linear.gather [spmem:s21], $0x4000, $0x38;
	[tilespmem:$0x18100] =	vst v63  }
0x91: {  	_ =	swait.ge [sflag:s24], $0x4000  }
0x92: {  	[sflag:s24] =	ssyncset.done $0x0  }
0x93: {  	[sflag:s24] =	ssyncadd.s32 $0xFFFFC000  }
0x94: {  	[hbm4b:s22+s2] =	stream.linear.scatter [tilespmem:s23], [sflag:$0x2], $0x4000, $0x38;
	[tilespmem:$0x18100] =	vst v63  }
0x95: {  	_ =	swait.ge [sflag:s24], $0x4000  }
0x96: {  	s30 =	sadd.s32 $0x1, s30;
	s31 =	rddreg [dreg:$0x3]  }
0x97: {  	p0 =	sne.s32 s30, s31  }
.Ltmp2:
0x98: {  	_ = 	snop;
	(pc) =	sbr.rel @p0 .LBB2_1-.Ltmp2, $3  }
0x99: {  	_ =	sdelay $0x1  }
0x9a: {  	[sflag:s24] =	ssyncset.done $0x0  }
0x9b: {  	[sflag:s24] =	ssyncadd.s32 $0xFFFFC000  }
0x9c: {  	_ =	sfence.sel $0x180000  }
0x9d: {  	[bflag:$0x0] =	sbarrier.arrive $0xFFFF  }
0x9e: {  	_ =	strace $0x9000004A  }
0x9f: {  	s0 =	stileid.u32;
	[bflag:$0x2] =	sbarrier.arrive $0xFFFF  }
0xa0: {  	p0 =	sne.s32 s0, $0x0;
	s0 =	rddreg [dreg:$0x2]  }
0xa1: {  	s0 =	sadd.s32 @!p0 $0x100000, s0  }
0xa2: {  	[sflag:s0] =	ssyncadd.tile.s32 @!p0 $0x1;
	_ =	shalt  }
.Lfunc_end2:
_tile_overlayer_lowered:
.L_overlay_start_2:
0xa3: {  	(tag) =	ssettag $0x2  }
0xa4: {  	s0 =	rddreg [dreg:$0x0];
	s2 =	stileid.u32  }
0xa5: {  	s1 =	rddreg [dreg:$0x1];
	p0 =	sne.s32 s2, $0x0  }
0xa6: {  	s3 =	rddreg [dreg:$0x2];
	[bflag:$0x3] =	sbarrier.arrive $0xFFFF;
	s2 =	simm.s32 @!p0 $0x1C02  }
0xa7: {  	[timem:s3], [sflag:s2] =	dma.local @!p0 [hbm:s0], s1  }
0xa8: {  	s0 =	simm.s32 @!p0 $0x2  }
0xa9: {  	_ =	swait.ge @!p0 [sflag:s0], s1  }
0xaa: {  	s1 =	ssub.s32 @!p0 $0x0, s1;
	[sflag:s0] =	ssyncset.done @!p0 $0x0  }
0xab: {  	[sflag:s0] =	ssyncadd.s32 @!p0 s1  }
0xac: {  	[bflag:$0x3] =	sbarrier.arrive $0xFFFF  }
0xad: {  	_ =	shalt  }

// kernel: kernel.18.cloned.1.call-start
scs
__scs_entry_jumppad:
0x0: {  	(pc) =	sbr.rel $0x88, $3  }
0x1: {  	(tag) =	ssettag $0x0;
	lr =	simm.s32 $0x1  }
0x2: {  	[smem:$0x3F94] =	sst lr;
	_ =	strace $0xD0000000  }
0x3: {  	_ = 	snop  }
0x4: {  	_ = 	snop  }
0x5: {  	_ = 	snop  }
0x6: {  	_ = 	snop  }
0x7: {  	_ = 	snop  }
__scs_overlays_trampoline_lowered:
0x8: {  	[smem:$0x3FA3] =	sst s0  }
0x9: {  	[smem:$0x3FA4] =	sst s1  }
0xa: {  	[smem:$0x3FA5] =	sst s2  }
0xb: {  	[smem:$0x3FA6] =	sst s3  }
0xc: {  	[smem:$0x3FA7] =	sst s4  }
0xd: {  	[smem:$0x3FA8] =	sst s5  }
0xe: {  	[smem:$0x3FA9] =	sst s6  }
0xf: {  	[smem:$0x3FAA] =	sst s7  }
0x10: {  	[smem:$0x3FAB] =	sst s8  }
0x11: {  	[smem:$0x3FAC] =	sst s9;
	s0 =	simm.s32 @!p0 $0x0  }
0x12: {  	s1 =	sld [smem:$0x3F92];
	s0 =	simm.s32 @p0 $0x1  }
0x13: {  	[smem:$0x3FAD] =	sst s0;
	s0 =	simm.s32 @!p1 $0x0  }
0x14: {  	s2 =	sld [smem:$0x3F91];
	s0 =	simm.s32 @p1 $0x1  }
0x15: {  	[smem:$0x3FAE] =	sst s0;
	s0 =	simm.s32 @!p2 $0x0  }
0x16: {  	s3 =	sld [smem:$0x3FDB];
	s0 =	simm.s32 @p2 $0x1  }
0x17: {  	s4 =	simm.s32 $0x1BF5;
	[smem:$0x3FB0] =	sst s0  }
0x18: {  	s0 =	sld [smem:$0x3F93];
	_ =	swait.ge [sflag:s4], $0x0  }
0x19: {  	s7 =	sld [smem:$0x3F94]  }
0x1a: {  	s8 =	sadd.s32 $0xFFFFE003, lr  }
0x1b: {  	s9 =	sadd.s32 $0xFFFFFEF7, lr;
	s5 =	simm.s32 $0xFFFFFFFF;
	p2 =	slt.u32 s8, $0xFFFFF086  }
0x1c: {  	p1 =	slt.u32 s9, $0xF7A;
	s5 =	simm.s32 @!p2 $0x0  }
0x1d: {  	s5 =	simm.s32 @p1 $0x1;
	p0 =	seq.s32 s7, s2  }
0x1e: {  	s7 =	smul.u32 @!p0 $0xF7A, s2;
	p2 =	seq.s32 @!p0 s5, $0x0  }
0x1f: {  	s9 =	smul.u32 $0xF7A, s1;
	s8 =	simm.s32 @!p0 $0x1BF5;
	p2 =	por !p2, p0  }
0x20: {  	[sflag:s8] =	ssyncset.s32 @!p0 $0xFFFFF086;
	s6 =	sadd.s32 @!p0 s3, s7;
	s7 =	simm.s32 @!p0 $0x108  }
0x21: {  	s3 =	sadd.s32 s3, s9;
	s6 =	sadd.s32 @!p0 $0x88, s6;
	s7 =	simm.s32 @p2 $0x1082  }
0x22: {  	[simem:s7], [sflag:s8] =	dma.local @!p0 [hbm:s6], $0xF7A  }
0x23: {  	s9 =	sor.u32 $0xD0000000, s2;
	s6 =	simm.s32 $0x108;
	_ =	swait.ge @!p0 [sflag:s8], $0x0  }
0x24: {  	s3 =	sadd.s32 $0x88, s3;
	s6 =	simm.s32 @!p1 $0x1082;
	[sflag:s4] =	ssyncset.s32 $0xFFFFF086  }
0x25: {  	[simem:s6], [sflag:s4] =	dma.local [hbm:s3], $0xF7A  }
0x26: {  	[smem:$0x3F94] =	sst s1;
	(tag) =	ssettag s2;
	_ =	strace s9  }
0x27: {  	s1 =	sld [smem:$0x3FA4]  }
0x28: {  	s2 =	sld [smem:$0x3FA5]  }
0x29: {  	s4 =	sld [smem:$0x3FA7]  }
0x2a: {  	p0 =	seq.s32 s5, $0x0;
	s5 =	sld [smem:$0x3FA8]  }
0x2b: {  	s6 =	sld [smem:$0x3FA9]  }
0x2c: {  	s7 =	sld [smem:$0x3FAA]  }
0x2d: {  	s3 =	simm.s32 $0x108;
	s8 =	sld [smem:$0x3FAB]  }
0x2e: {  	s3 =	simm.s32 @!p0 $0x1082;
	s9 =	sld [smem:$0x3FAC]  }
0x2f: {  	lr =	sadd.s32 s0, s3;
	s0 =	sld [smem:$0x3FA3]  }
0x30: {  	s3 =	sld [smem:$0x3FA6]  }
0x31: {  	[smem:$0x3FAF] =	sst s10  }
0x32: {  	s10 =	sld [smem:$0x3FAD];
	_ =	sdelay $0x3  }
0x33: {  	p0 =	seq.s32 s10, $0x1;
	s10 =	sld [smem:$0x3FAF];
	_ =	sdelay $0x3  }
0x34: {  	[smem:$0x3FAF] =	sst s10  }
0x35: {  	s10 =	sld [smem:$0x3FAE];
	_ =	sdelay $0x3  }
0x36: {  	p1 =	seq.s32 s10, $0x1;
	s10 =	sld [smem:$0x3FAF];
	_ =	sdelay $0x3  }
0x37: {  	[smem:$0x3FAF] =	sst s10  }
0x38: {  	s10 =	sld [smem:$0x3FB0]  }
0x39: {  	_ = 	snop;
	(pc) =	sbr.ind lr, $3  }
0x3a: {  	_ = 	snop  }
0x3b: {  	_ = 	snop  }
0x3c: {  	p2 =	seq.s32 s10, $0x1;
	s10 =	sld [smem:$0x3FAF]  }
0x3d: {  	_ =	shalt  }
0x3e: {  	_ =	shalt  }
0x3f: {  	_ =	shalt  }
0x40: {  	_ =	shalt  }
0x41: {  	_ =	shalt  }
0x42: {  	_ =	shalt  }
0x43: {  	_ =	shalt  }
0x44: {  	_ =	shalt  }
0x45: {  	_ =	shalt  }
0x46: {  	_ =	shalt  }
0x47: {  	_ =	shalt  }
0x48: {  	_ =	shalt  }
0x49: {  	_ =	shalt  }
0x4a: {  	_ =	shalt  }
0x4b: {  	_ =	shalt  }
0x4c: {  	_ =	shalt  }
0x4d: {  	_ =	shalt  }
0x4e: {  	_ =	shalt  }
0x4f: {  	_ =	shalt  }
0x50: {  	_ =	shalt  }
0x51: {  	_ =	shalt  }
0x52: {  	_ =	shalt  }
0x53: {  	_ =	shalt  }
0x54: {  	_ =	shalt  }
0x55: {  	_ =	shalt  }
0x56: {  	_ =	shalt  }
0x57: {  	_ =	shalt  }
0x58: {  	_ =	shalt  }
0x59: {  	_ =	shalt  }
0x5a: {  	_ =	shalt  }
0x5b: {  	_ =	shalt  }
0x5c: {  	_ =	shalt  }
0x5d: {  	_ =	shalt  }
0x5e: {  	_ =	shalt  }
0x5f: {  	_ =	shalt  }
0x60: {  	_ =	shalt  }
0x61: {  	_ =	shalt  }
0x62: {  	_ =	shalt  }
0x63: {  	_ =	shalt  }
0x64: {  	_ =	shalt  }
0x65: {  	_ =	shalt  }
0x66: {  	_ =	shalt  }
0x67: {  	_ =	shalt  }
0x68: {  	_ =	shalt  }
0x69: {  	_ =	shalt  }
0x6a: {  	_ =	shalt  }
0x6b: {  	_ =	shalt  }
0x6c: {  	_ =	shalt  }
0x6d: {  	_ =	shalt  }
0x6e: {  	_ =	shalt  }
0x6f: {  	_ =	shalt  }
0x70: {  	_ =	shalt  }
0x71: {  	_ =	shalt  }
0x72: {  	_ =	shalt  }
0x73: {  	_ =	shalt  }
0x74: {  	_ =	shalt  }
0x75: {  	_ =	shalt  }
0x76: {  	_ =	shalt  }
0x77: {  	_ =	shalt  }
0x78: {  	_ =	shalt  }
0x79: {  	_ =	shalt  }
0x7a: {  	_ =	shalt  }
0x7b: {  	_ =	shalt  }
0x7c: {  	_ =	shalt  }
0x7d: {  	_ =	shalt  }
0x7e: {  	_ =	shalt  }
0x7f: {  	_ =	shalt  }
0x80: {  	_ =	shalt  }
0x81: {  	_ =	shalt  }
0x82: {  	_ =	shalt  }
0x83: {  	_ =	shalt  }
0x84: {  	_ =	shalt  }
0x85: {  	_ =	shalt  }
0x86: {  	_ =	shalt  }
0x87: {  	_ =	shalt  }
.Lfunc_end0:
.L_simem_size_0:
called_computation.2_lowered:
.L_overlay_start_0:
0x88: {  	s2 =	sld [smem:$0x3FD9]  }
0x89: {  	s3 =	sld [smem:$0x3FFE];
	_ =	sdelay $0x1  }
0x8a: {  	s1 =	srdreg.scid  }
0x8b: {  	s0 =	sand.u32 $0x1, s1  }
0x8c: {  	s16 =	sshll.u32 s0, $0xA;
	s2 =	sadd.s32 s3, s2  }
0x8d: {  	s2 =	sadd.s32 s2, s16  }
0x8e: {  	[smem:$0x3FBB] =	sst s2  }
0x8f: {  	_ = 	snop  }
0x90: {  	(tm) =	ssettm $0x1  }
0x91: {  	s17 =	sld [smem:$0x3FFB];
	_ =	sdelay $0x3  }
0x92: {  	_ =	strace s17  }
0x93: {  	s2 =	sld [smem:$0x3FFC];
	_ =	sdelay $0x3  }
0x94: {  	_ =	strace s2  }
0x95: {  	s2 =	sld [smem:$0x3FFD];
	_ =	sdelay $0x3  }
0x96: {  	_ =	strace s2  }
0x97: {  	_ =	strace $0x8FFFFFFF  }
0x98: {  	s18 =	sld [smem:$0x3FDB];
	_ =	sdelay $0x1  }
0x99: {  	s19 =	simm.s32 $_scs_section_size  }
0x9a: {  	s4 =	simm.s32 $_size__tile_overlayer_lowered;
	s5 =	simm.s32 $_tile_overlayer_lowered  }
0x9b: {  	s22 =	simm.s32 $0x1BFF;
	s21 =	sshll.u32 s5, $0x1;
	s2 =	sadd.s32 s19, s18  }
0x9c: {  	s6 =	simm.s32 $0x0;
	s20 =	sshll.u32 s4, $0x1;
	s4 =	sadd.s32 s21, s2  }
0x9d: {  	[timem:s6], [sflag:s22] =	dma.local [hbm:s4], s20  }
0x9e: {  	_ =	swait.ge [sflag:s22], s20  }
0x9f: {  	s3 =	ssub.s32 $0x0, s20;
	[sflag:s22] =	ssyncset.done $0x0  }
0xa0: {  	[sflag:s22] =	ssyncadd.s32 s3;
	_ =	sdelay $0x1  }
0xa1: {  	s23 =	simm.s32 $0x1B8B  }
0xa2: {  	_ =	swait.ge [sflag:s23], $0x1  }
0xa3: {  	[sflag:s23] =	ssyncset.done $0x0  }
0xa4: {  	s25 =	simm.s32 $0x1B8E;
	s24 =	sld [smem:$0x3FFE];
	[sflag:s23] =	ssyncadd.s32 $0xFFFFFFFF  }
0xa5: {  	s26 =	simm.s32 $execute0_lowered;
	[smem:$0x3FD2] =	sst s25  }
0xa6: {  	s4 =	sshll.u32 s26, $0x1;
	_ =	strace $0x8000004C;
	[dreg:$0x1] =	wrdreg $0xFFFFFFFF  }
0xa7: {  	s28 =	simm.s32 $_size_execute0_lowered;
	s2 =	sadd.s32 s2, s4;
	[dreg:$0x0] =	wrdreg $0x0  }
0xa8: {  	s4 =	sshll.u32 s28, $0x1;
	[dreg:$0x2] =	wrdreg s2  }
0xa9: {  	[dreg:$0x3] =	wrdreg s4  }
0xaa: {  	[dreg:$0x4] =	wrdreg $0xC0  }
0xab: {  	_ =	task [dreg:s6], $0x5FFFF  }
0xac: {  	[dreg:$0x1] =	wrdreg $0xFFFFFFFF  }
0xad: {  	[dreg:$0x0] =	wrdreg $0x60  }
0xae: {  	[dreg:$0x2] =	wrdreg s24  }
0xaf: {  	[dreg:$0x3] =	wrdreg $0x0  }
0xb0: {  	[dreg:$0x4] =	wrdreg $0x9  }
0xb1: {  	_ =	task.clear_ibuf [dreg:s6], $0x5FFFF;
	_ =	strace $0x9000004C  }
0xb2: {  	s29 =	simm.s32 $0x9;
	_ =	strace $0x8000004E  }
0xb3: {  	_ =	swait.ge [sflag:s29], $0x1  }
0xb4: {  	[sflag:s29] =	ssyncadd.s32 $0xFFFFFFFF  }
0xb5: {  	_ =	strace $0x9000004E  }
0xb6: {  	_ =	sfence  }
0xb7: {  	s30 =	sld [smem:$0x0];
	_ =	sdelay $0x2  }
0xb8: {  	s31 =	sshll.u32 s1, $0xD;
	s1 =	sshrl.u32 s1, $0x2  }
0xb9: {  	s3 =	sand.u32 $0x4000, s31;
	s1 =	sadd.s32 s1, s30  }
0xba: {  	s0 =	sor.u32 s3, s0;
	s1 =	sshll.u32 s1, $0x11  }
0xbb: {  	s0 =	sor.u32 s1, s0  }
0xbc: {  	s0 =	sadd.s32 $0x8F2B, s0  }
0xbd: {  	[sflag:s0] =	ssyncadd.remote.s32 $0x1  }
0xbe: {  	_ =	sfence.sel $0xFFFF  }
0xbf: {  	[dreg:$0x0] =	wrdreg $0xFFFFFFFF;
	(pc) =	sbr.abs _section_cstart, $3  }
0xc0: {  	[dreg:$0x1] =	wrdreg $0xFFFFFFFF  }
0xc1: {  	_ =	task.clear_ibuf [dreg:s6], $0x2FFFF;
	_ =	strace $0x9FFFFFFF  }
0xc2: {  	(tm) =	ssettm $0x7FFFFFFF  }
0xc3: {  	_ =	shalt  }
tec
execute0_lowered:
.L_overlay_start_1:
0x0: {  	(tag) =	ssettag $0x1  }
0x1: {  	s0 =	rddreg [dreg:$0x0]  }
0x2: {  	s1 =	rddreg [dreg:$0x1]  }
0x3: {  	s2 =	simm.s32 $0x0;
	s3 =	srdreg.scid;
	s23 =	stileid.u32  }
0x4: {  	s28 =	simm.s32 $0x80;
	s29 =	simm.s32 $0x1;
	s30 =	simm.s32 $0x0  }
0x5: {  	[smem:$0x7FF] =	sst s2;
	s7 =	sand.u32 $0x1, s3;
	s4 =	sadd.s32 $0xDC00, s0  }
0x6: {  	s5 =	sadd.s32 $0x5DC00, s0;
	s10 =	smul.u32 $0x50000, s23;
	s6 =	sadd.s32 $0x3C00, s0  }
0x7: {  	s0 =	sadd.s32 $0x67C00, s0;
	s24 =	sshll.u32 s23, $0x1;
	s18 =	smul.u32 $0x14000, s23  }
0x8: {  	_ =	strace $0x8000004D;
	s8 =	ssub.s32 $0x2, s7;
	s19 =	smul.u32 $0x140000, s7  }
0x9: {  	s9 =	sshrl.u32 s8, $0x1;
	s10 =	sshrl.u32 s10, $0x2;
	s15 =	sadd.s32 $0x4000, s18  }
0xa: {  	s20 =	sadd.s32 $0x8000, s18;
	s21 =	sadd.s32 $0xC000, s18;
	s23 =	sadd.s32 $0x10000, s18  }
0xb: {  	s9 =	ssub.s32 s8, s9;
	s8 =	sor.u32 s7, s24;
	s7 =	sadd.s32 s10, s1  }
0xc: {  	s13 =	sadd.s32 s19, s18;
	s16 =	sadd.s32 s19, s15;
	s15 =	sadd.s32 s15, s1  }
0xd: {  	s17 =	sadd.s32 s20, s1;
	s20 =	sadd.s32 s19, s20;
	s22 =	sadd.s32 s19, s21  }
0xe: {  	s31 =	sadd.s32 s19, s23;
	s19 =	sadd.s32 s21, s1;
	s21 =	sadd.s32 s23, s1  }
0xf: {  	s23 =	simm.s32 $0x14100;
	s24 =	simm.s32 $0x2;
	s8 =	smul.u32 $0x2800, s8  }
0x10: {  	s25 =	smax.u32 s9, $0x1;
	s10 =	sadd.s32 $0x4000, s7;
	s11 =	sadd.s32 $0x8000, s7  }
0x11: {  	s12 =	sadd.s32 $0xC000, s7;
	s14 =	sshrl.u32 s13, $0x3;
	s13 =	sadd.s32 $0x10000, s7  }
0x12: {  	s16 =	sshrl.u32 s16, $0x3;
	s20 =	sshrl.u32 s20, $0x3;
	s26 =	sshrl.u32 s22, $0x3  }
0x13: {  	s22 =	sshrl.u32 s31, $0x3;
	[dreg:$0x3] =	wrdreg s25;
	s14 =	sadd.s32 s0, s14  }
0x14: {  	s16 =	sadd.s32 s0, s16;
	s18 =	sadd.s32 s0, s20;
	s20 =	sadd.s32 s0, s26  }
0x15: {  	v0 =	vimm.f32 $0.0e+00;
	s22 =	sadd.s32 s0, s22;
	s25 =	simm.s32 $0x14000;
	s26 =	simm.s32 $0x14080  }
.LBB2_1:
0x16: {  	s31 =	simm.s32 $0x0;
	s0 =	simm.s32 $0x200  }
.LBB2_2:
0x17: {  	p0 =	sne.s32 s0, $0xFE00;
	[tilespmem:s31+$0x14170] =	vst v0  }
0x18: {  	[tilespmem:s31+$0x14100] =	vst v0  }
0x19: {  	[tilespmem:s31+$0x14110] =	vst v0  }
.Ltmp0:
0x1a: {  	[tilespmem:s31+$0x14120] =	vst v0;
	(pc) =	sbr.rel @p0 .LBB2_2-.Ltmp0, $4  }
0x1b: {  	[tilespmem:s31+$0x14130] =	vst v0  }
0x1c: {  	[tilespmem:s31+$0x14140] =	vst v0  }
0x1d: {  	[tilespmem:s31+$0x14150] =	vst v0  }
0x1e: {  	[tilespmem:s31+$0x14160] =	vst v0;
	s31 =	sshra.s32 s0, $0x2;
	s0 =	sadd.s32 $0x200, s0  }
0x1f: {  	[tilespmem:s31+$0x14170] =	vst v0  }
0x20: {  	[tilespmem:s31+$0x14100] =	vst v0  }
0x21: {  	[tilespmem:s31+$0x14110] =	vst v0  }
0x22: {  	[tilespmem:s31+$0x14120] =	vst v0  }
0x23: {  	[tilespmem:s31+$0x14130] =	vst v0  }
0x24: {  	[tilespmem:s31+$0x14140] =	vst v0  }
0x25: {  	[tilespmem:s31+$0x14150] =	vst v0  }
0x26: {  	[tilespmem:s31+$0x14160] =	vst v0  }
0x27: {  	[spmem:s7] =	stream.linear.scatter [tilespmem:s23], [sflag:$0x2], $0x4000, $0x38;
	[tilespmem:$0x18100] =	vst v63  }
0x28: {  	_ =	swait.ge [sflag:s24], $0x4000  }
0x29: {  	[sflag:s24] =	ssyncset.done $0x0  }
0x2a: {  	[sflag:s24] =	ssyncadd.s32 $0xFFFFC000  }
0x2b: {  	[spmem:s10] =	stream.linear.scatter [tilespmem:s23], [sflag:$0x2], $0x4000, $0x38;
	[tilespmem:$0x18100] =	vst v63  }
0x2c: {  	_ =	swait.ge [sflag:s24], $0x4000  }
0x2d: {  	[sflag:s24] =	ssyncset.done $0x0  }
0x2e: {  	[sflag:s24] =	ssyncadd.s32 $0xFFFFC000  }
0x2f: {  	[spmem:s11] =	stream.linear.scatter [tilespmem:s23], [sflag:$0x2], $0x4000, $0x38;
	[tilespmem:$0x18100] =	vst v63  }
0x30: {  	_ =	swait.ge [sflag:s24], $0x4000  }
0x31: {  	[sflag:s24] =	ssyncset.done $0x0  }
0x32: {  	[sflag:s24] =	ssyncadd.s32 $0xFFFFC000  }
0x33: {  	[spmem:s12] =	stream.linear.scatter [tilespmem:s23], [sflag:$0x2], $0x4000, $0x38;
	[tilespmem:$0x18100] =	vst v63  }
0x34: {  	_ =	swait.ge [sflag:s24], $0x4000  }
0x35: {  	s0 =	simm.s32 $0x0;
	[sflag:s24] =	ssyncset.done $0x0  }
0x36: {  	s31 =	sand.u32 $0x3C00, s0;
	[sflag:s24] =	ssyncadd.s32 $0xFFFFC000  }
0x37: {  	[spmem:s13] =	stream.linear.scatter [tilespmem:s23], [sflag:$0x2], $0x4000, $0x38;
	[tilespmem:$0x18100] =	vst v63  }
0x38: {  	s0 =	sand.u32 $0x380, s0;
	s31 =	sadd.s32 s8, s31;
	_ =	swait.ge [sflag:s24], $0x4000  }
0x39: {  	s0 =	sor.u32 s0, s31;
	[sflag:s24] =	ssyncset.done $0x0  }
0x3a: {  	s0 =	sshrl.u32 s0, $0x3;
	[sflag:s24] =	ssyncadd.s32 $0xFFFFC000  }
0x3b: {  	s31 =	sadd.s32 s5, s0;
	[bflag:$0x0] =	sbarrier.arrive $0xFFFF  }
0x3c: {  	[tilespmem:s25], [sflag:$0x2] =	stream.linear.gather [hbm4b:s31+s2], $0x80, $0x38;
	[tilespmem:$0x18100] =	vst v63  }
0x3d: {  	_ =	swait.ge [sflag:s24], $0x80  }
0x3e: {  	[sflag:s24] =	ssyncset.done $0x0  }
0x3f: {  	s0 =	sadd.s32 s6, s0;
	[sflag:s24] =	ssyncadd.s32 $0xFFFFFF80  }
0x40: {  	[tilespmem:s26], [sflag:$0x2] =	stream.linear.gather [hbm4b:s0+s2], $0x80, $0x38;
	[tilespmem:$0x18100] =	vst v63  }
0x41: {  	_ =	swait.ge [sflag:s24], $0x80  }
0x42: {  	[sflag:s24] =	ssyncset.done $0x0  }
0x43: {  	[sflag:s24] =	ssyncadd.s32 $0xFFFFFF80  }
0x44: {  	[tilespmem:s23], [sflag:$0x1] =	stream.indirect.gather [hbm4b:s4+s28], $0x80, s25, s28, $0xb8;
	[tilespmem:$0x18100] =	vst v63  }
0x45: {  	_ =	swait.ge [sflag:s29], $0x4000  }
0x46: {  	s9 =	simm.s32 $0x80;
	[sflag:s29] =	ssyncset.done $0x0  }
0x47: {  	s31 =	sand.u32 $0x3C00, s9;
	[sflag:s29] =	ssyncadd.s32 $0xFFFFC000  }
0x48: {  	[spmem:s1] =	stream.indirect.scatter.add.f32 [tilespmem:s23], [sflag:$0x2], $0x80, s26, s28, $0xb8;
	[tilespmem:$0x18100] =	vst v63  }
0x49: {  	s3 =	sand.u32 $0x380, s9;
	s31 =	sadd.s32 s8, s31;
	_ =	swait.ge [sflag:s24], $0x4000  }
0x4a: {  	s31 =	sor.u32 s3, s31;
	s0 =	simm.s32 $0x100;
	[sflag:s24] =	ssyncset.done $0x0  }
.LBB2_4:
0x4b: {  	s3 =	sshrl.u32 s31, $0x3  }
0x4c: {  	[sflag:s24] =	ssyncadd.s32 $0xFFFFC000;
	s31 =	smov.u32 s0;
	s9 =	sadd.s32 $0x80, s0  }
0x4d: {  	p0 =	sne.s32 s0, $0x2700;
	s0 =	sadd.s32 s5, s3  }
0x4e: {  	[tilespmem:s25], [sflag:$0x2] =	stream.linear.gather [hbm4b:s0+s2], $0x80, $0x38;
	[tilespmem:$0x18100] =	vst v63  }
0x4f: {  	_ =	swait.ge [sflag:s24], $0x80  }
0x50: {  	[sflag:s24] =	ssyncset.done $0x0  }
0x51: {  	s0 =	sadd.s32 s6, s3;
	[sflag:s24] =	ssyncadd.s32 $0xFFFFFF80  }
0x52: {  	[tilespmem:s26], [sflag:$0x2] =	stream.linear.gather [hbm4b:s0+s2], $0x80, $0x38;
	[tilespmem:$0x18100] =	vst v63  }
0x53: {  	_ =	swait.ge [sflag:s24], $0x80  }
0x54: {  	[sflag:s24] =	ssyncset.done $0x0  }
0x55: {  	[sflag:s24] =	ssyncadd.s32 $0xFFFFFF80  }
0x56: {  	[tilespmem:s23], [sflag:$0x1] =	stream.indirect.gather [hbm4b:s4+s28], $0x80, s25, s28, $0xb8;
	[tilespmem:$0x18100] =	vst v63  }
0x57: {  	_ =	swait.ge [sflag:s29], $0x4000  }
.Ltmp1:
0x58: {  	[sflag:s29] =	ssyncset.done $0x0;
	(pc) =	sbr.rel @p0 .LBB2_4-.Ltmp1, $4  }
0x59: {  	s0 =	sand.u32 $0x3C00, s31;
	[sflag:s29] =	ssyncadd.s32 $0xFFFFC000  }
0x5a: {  	[spmem:s1] =	stream.indirect.scatter.add.f32 [tilespmem:s23], [sflag:$0x2], $0x80, s26, s28, $0xb8;
	[tilespmem:$0x18100] =	vst v63  }
0x5b: {  	s3 =	sand.u32 $0x380, s31;
	s0 =	sadd.s32 s8, s0;
	_ =	swait.ge [sflag:s24], $0x4000  }
0x5c: {  	s31 =	sor.u32 s3, s0;
	s0 =	smov.u32 s9;
	[sflag:s24] =	ssyncset.done $0x0  }
0x5d: {  	s0 =	sshrl.u32 s31, $0x3  }
0x5e: {  	[sflag:s24] =	ssyncadd.s32 $0xFFFFC000;
	s3 =	sadd.s32 s5, s0  }
0x5f: {  	[tilespmem:s25], [sflag:$0x2] =	stream.linear.gather [hbm4b:s3+s2], $0x80, $0x38;
	[tilespmem:$0x18100] =	vst v63  }
0x60: {  	_ =	swait.ge [sflag:s24], $0x80  }
0x61: {  	[sflag:s24] =	ssyncset.done $0x0  }
0x62: {  	s0 =	sadd.s32 s6, s0;
	[sflag:s24] =	ssyncadd.s32 $0xFFFFFF80  }
0x63: {  	[tilespmem:s26], [sflag:$0x2] =	stream.linear.gather [hbm4b:s0+s2], $0x80, $0x38;
	[tilespmem:$0x18100] =	vst v63  }
0x64: {  	_ =	swait.ge [sflag:s24], $0x80  }
0x65: {  	[sflag:s24] =	ssyncset.done $0x0  }
0x66: {  	[sflag:s24] =	ssyncadd.s32 $0xFFFFFF80  }
0x67: {  	[tilespmem:s23], [sflag:$0x1] =	stream.indirect.gather [hbm4b:s4+s28], $0x80, s25, s28, $0xb8;
	[tilespmem:$0x18100] =	vst v63  }
0x68: {  	_ =	swait.ge [sflag:s29], $0x4000  }
0x69: {  	[sflag:s29] =	ssyncset.done $0x0  }
0x6a: {  	[sflag:s29] =	ssyncadd.s32 $0xFFFFC000  }
0x6b: {  	[spmem:s1] =	stream.indirect.scatter.add.f32 [tilespmem:s23], [sflag:$0x2], $0x80, s26, s28, $0xb8;
	[tilespmem:$0x18100] =	vst v63  }
0x6c: {  	_ =	swait.ge [sflag:s24], $0x4000  }
0x6d: {  	[sflag:s24] =	ssyncset.done $0x0  }
0x6e: {  	[sflag:s24] =	ssyncadd.s32 $0xFFFFC000  }
0x6f: {  	[bflag:$0x0] =	sbarrier.arrive $0xFFFF  }
0x70: {  	[tilespmem:s23], [sflag:$0x2] =	stream.linear.gather [spmem:s7], $0x4000, $0x38;
	[tilespmem:$0x18100] =	vst v63  }
0x71: {  	_ =	swait.ge [sflag:s24], $0x4000  }
0x72: {  	[sflag:s24] =	ssyncset.done $0x0  }
0x73: {  	[sflag:s24] =	ssyncadd.s32 $0xFFFFC000  }
0x74: {  	[hbm4b:s14+s2] =	stream.linear.scatter [tilespmem:s23], [sflag:$0x2], $0x4000, $0x38;
	[tilespmem:$0x18100] =	vst v63  }
0x75: {  	_ =	swait.ge [sflag:s24], $0x4000  }
0x76: {  	[sflag:s24] =	ssyncset.done $0x0  }
0x77: {  	[sflag:s24] =	ssyncadd.s32 $0xFFFFC000  }
0x78: {  	[tilespmem:s23], [sflag:$0x2] =	stream.linear.gather [spmem:s15], $0x4000, $0x38;
	[tilespmem:$0x18100] =	vst v63  }
0x79: {  	_ =	swait.ge [sflag:s24], $0x4000  }
0x7a: {  	[sflag:s24] =	ssyncset.done $0x0  }
0x7b: {  	[sflag:s24] =	ssyncadd.s32 $0xFFFFC000  }
0x7c: {  	[hbm4b:s16+s2] =	stream.linear.scatter [tilespmem:s23], [sflag:$0x2], $0x4000, $0x38;
	[tilespmem:$0x18100] =	vst v63  }
0x7d: {  	_ =	swait.ge [sflag:s24], $0x4000  }
0x7e: {  	[sflag:s24] =	ssyncset.done $0x0  }
0x7f: {  	[sflag:s24] =	ssyncadd.s32 $0xFFFFC000  }
0x80: {  	[tilespmem:s23], [sflag:$0x2] =	stream.linear.gather [spmem:s17], $0x4000, $0x38;
	[tilespmem:$0x18100] =	vst v63  }
0x81: {  	_ =	swait.ge [sflag:s24], $0x4000  }
0x82: {  	[sflag:s24] =	ssyncset.done $0x0  }
0x83: {  	[sflag:s24] =	ssyncadd.s32 $0xFFFFC000  }
0x84: {  	[hbm4b:s18+s2] =	stream.linear.scatter [tilespmem:s23], [sflag:$0x2], $0x4000, $0x38;
	[tilespmem:$0x18100] =	vst v63  }
0x85: {  	_ =	swait.ge [sflag:s24], $0x4000  }
0x86: {  	[sflag:s24] =	ssyncset.done $0x0  }
0x87: {  	[sflag:s24] =	ssyncadd.s32 $0xFFFFC000  }
0x88: {  	[tilespmem:s23], [sflag:$0x2] =	stream.linear.gather [spmem:s19], $0x4000, $0x38;
	[tilespmem:$0x18100] =	vst v63  }
0x89: {  	_ =	swait.ge [sflag:s24], $0x4000  }
0x8a: {  	[sflag:s24] =	ssyncset.done $0x0  }
0x8b: {  	[sflag:s24] =	ssyncadd.s32 $0xFFFFC000  }
0x8c: {  	[hbm4b:s20+s2] =	stream.linear.scatter [tilespmem:s23], [sflag:$0x2], $0x4000, $0x38;
	[tilespmem:$0x18100] =	vst v63  }
0x8d: {  	_ =	swait.ge [sflag:s24], $0x4000  }
0x8e: {  	[sflag:s24] =	ssyncset.done $0x0  }
0x8f: {  	[sflag:s24] =	ssyncadd.s32 $0xFFFFC000  }
0x90: {  	[tilespmem:s23], [sflag:$0x2] =	stream.linear.gather [spmem:s21], $0x4000, $0x38;
	[tilespmem:$0x18100] =	vst v63  }
0x91: {  	_ =	swait.ge [sflag:s24], $0x4000  }
0x92: {  	[sflag:s24] =	ssyncset.done $0x0  }
0x93: {  	[sflag:s24] =	ssyncadd.s32 $0xFFFFC000  }
0x94: {  	[hbm4b:s22+s2] =	stream.linear.scatter [tilespmem:s23], [sflag:$0x2], $0x4000, $0x38;
	[tilespmem:$0x18100] =	vst v63  }
0x95: {  	_ =	swait.ge [sflag:s24], $0x4000  }
0x96: {  	s30 =	sadd.s32 $0x1, s30;
	s31 =	rddreg [dreg:$0x3]  }
0x97: {  	p0 =	sne.s32 s30, s31  }
.Ltmp2:
0x98: {  	_ = 	snop;
	(pc) =	sbr.rel @p0 .LBB2_1-.Ltmp2, $3  }
0x99: {  	_ =	sdelay $0x1  }
0x9a: {  	[sflag:s24] =	ssyncset.done $0x0  }
0x9b: {  	[sflag:s24] =	ssyncadd.s32 $0xFFFFC000  }
0x9c: {  	_ =	sfence.sel $0x180000  }
0x9d: {  	[bflag:$0x0] =	sbarrier.arrive $0xFFFF  }
0x9e: {  	_ =	strace $0x9000004D  }
0x9f: {  	s0 =	stileid.u32;
	[bflag:$0x2] =	sbarrier.arrive $0xFFFF  }
0xa0: {  	p0 =	sne.s32 s0, $0x0;
	s0 =	rddreg [dreg:$0x2]  }
0xa1: {  	s0 =	sadd.s32 @!p0 $0x100000, s0  }
0xa2: {  	[sflag:s0] =	ssyncadd.tile.s32 @!p0 $0x1;
	_ =	shalt  }
.Lfunc_end2:
_tile_overlayer_lowered:
.L_overlay_start_2:
0xa3: {  	(tag) =	ssettag $0x2  }
0xa4: {  	s0 =	rddreg [dreg:$0x0];
	s2 =	stileid.u32  }
0xa5: {  	s1 =	rddreg [dreg:$0x1];
	p0 =	sne.s32 s2, $0x0  }
0xa6: {  	s3 =	rddreg [dreg:$0x2];
	[bflag:$0x3] =	sbarrier.arrive $0xFFFF;
	s2 =	simm.s32 @!p0 $0x1C02  }
0xa7: {  	[timem:s3], [sflag:s2] =	dma.local @!p0 [hbm:s0], s1  }
0xa8: {  	s0 =	simm.s32 @!p0 $0x2  }
0xa9: {  	_ =	swait.ge @!p0 [sflag:s0], s1  }
0xaa: {  	s1 =	ssub.s32 @!p0 $0x0, s1;
	[sflag:s0] =	ssyncset.done @!p0 $0x0  }
0xab: {  	[sflag:s0] =	ssyncadd.s32 @!p0 s1  }
0xac: {  	[bflag:$0x3] =	sbarrier.arrive $0xFFFF  }
0xad: {  	_ =	shalt  }

// kernel: kernel.21.cloned.1.call-start
scs
__scs_entry_jumppad:
0x0: {  	(pc) =	sbr.rel $0x88, $3  }
0x1: {  	(tag) =	ssettag $0x0;
	lr =	simm.s32 $0x1  }
0x2: {  	[smem:$0x3F94] =	sst lr;
	_ =	strace $0xD0000000  }
0x3: {  	_ = 	snop  }
0x4: {  	_ = 	snop  }
0x5: {  	_ = 	snop  }
0x6: {  	_ = 	snop  }
0x7: {  	_ = 	snop  }
__scs_overlays_trampoline_lowered:
0x8: {  	[smem:$0x3FA3] =	sst s0  }
0x9: {  	[smem:$0x3FA4] =	sst s1  }
0xa: {  	[smem:$0x3FA5] =	sst s2  }
0xb: {  	[smem:$0x3FA6] =	sst s3  }
0xc: {  	[smem:$0x3FA7] =	sst s4  }
0xd: {  	[smem:$0x3FA8] =	sst s5  }
0xe: {  	[smem:$0x3FA9] =	sst s6  }
0xf: {  	[smem:$0x3FAA] =	sst s7  }
0x10: {  	[smem:$0x3FAB] =	sst s8  }
0x11: {  	[smem:$0x3FAC] =	sst s9;
	s0 =	simm.s32 @!p0 $0x0  }
0x12: {  	s1 =	sld [smem:$0x3F92];
	s0 =	simm.s32 @p0 $0x1  }
0x13: {  	[smem:$0x3FAD] =	sst s0;
	s0 =	simm.s32 @!p1 $0x0  }
0x14: {  	s2 =	sld [smem:$0x3F91];
	s0 =	simm.s32 @p1 $0x1  }
0x15: {  	[smem:$0x3FAE] =	sst s0;
	s0 =	simm.s32 @!p2 $0x0  }
0x16: {  	s3 =	sld [smem:$0x3FDB];
	s0 =	simm.s32 @p2 $0x1  }
0x17: {  	s4 =	simm.s32 $0x1BF5;
	[smem:$0x3FB0] =	sst s0  }
0x18: {  	s0 =	sld [smem:$0x3F93];
	_ =	swait.ge [sflag:s4], $0x0  }
0x19: {  	s7 =	sld [smem:$0x3F94]  }
0x1a: {  	s8 =	sadd.s32 $0xFFFFE003, lr  }
0x1b: {  	s9 =	sadd.s32 $0xFFFFFEF7, lr;
	s5 =	simm.s32 $0xFFFFFFFF;
	p2 =	slt.u32 s8, $0xFFFFF086  }
0x1c: {  	p1 =	slt.u32 s9, $0xF7A;
	s5 =	simm.s32 @!p2 $0x0  }
0x1d: {  	s5 =	simm.s32 @p1 $0x1;
	p0 =	seq.s32 s7, s2  }
0x1e: {  	s7 =	smul.u32 @!p0 $0xF7A, s2;
	p2 =	seq.s32 @!p0 s5, $0x0  }
0x1f: {  	s9 =	smul.u32 $0xF7A, s1;
	s8 =	simm.s32 @!p0 $0x1BF5;
	p2 =	por !p2, p0  }
0x20: {  	[sflag:s8] =	ssyncset.s32 @!p0 $0xFFFFF086;
	s6 =	sadd.s32 @!p0 s3, s7;
	s7 =	simm.s32 @!p0 $0x108  }
0x21: {  	s3 =	sadd.s32 s3, s9;
	s6 =	sadd.s32 @!p0 $0x88, s6;
	s7 =	simm.s32 @p2 $0x1082  }
0x22: {  	[simem:s7], [sflag:s8] =	dma.local @!p0 [hbm:s6], $0xF7A  }
0x23: {  	s9 =	sor.u32 $0xD0000000, s2;
	s6 =	simm.s32 $0x108;
	_ =	swait.ge @!p0 [sflag:s8], $0x0  }
0x24: {  	s3 =	sadd.s32 $0x88, s3;
	s6 =	simm.s32 @!p1 $0x1082;
	[sflag:s4] =	ssyncset.s32 $0xFFFFF086  }
0x25: {  	[simem:s6], [sflag:s4] =	dma.local [hbm:s3], $0xF7A  }
0x26: {  	[smem:$0x3F94] =	sst s1;
	(tag) =	ssettag s2;
	_ =	strace s9  }
0x27: {  	s1 =	sld [smem:$0x3FA4]  }
0x28: {  	s2 =	sld [smem:$0x3FA5]  }
0x29: {  	s4 =	sld [smem:$0x3FA7]  }
0x2a: {  	p0 =	seq.s32 s5, $0x0;
	s5 =	sld [smem:$0x3FA8]  }
0x2b: {  	s6 =	sld [smem:$0x3FA9]  }
0x2c: {  	s7 =	sld [smem:$0x3FAA]  }
0x2d: {  	s3 =	simm.s32 $0x108;
	s8 =	sld [smem:$0x3FAB]  }
0x2e: {  	s3 =	simm.s32 @!p0 $0x1082;
	s9 =	sld [smem:$0x3FAC]  }
0x2f: {  	lr =	sadd.s32 s0, s3;
	s0 =	sld [smem:$0x3FA3]  }
0x30: {  	s3 =	sld [smem:$0x3FA6]  }
0x31: {  	[smem:$0x3FAF] =	sst s10  }
0x32: {  	s10 =	sld [smem:$0x3FAD];
	_ =	sdelay $0x3  }
0x33: {  	p0 =	seq.s32 s10, $0x1;
	s10 =	sld [smem:$0x3FAF];
	_ =	sdelay $0x3  }
0x34: {  	[smem:$0x3FAF] =	sst s10  }
0x35: {  	s10 =	sld [smem:$0x3FAE];
	_ =	sdelay $0x3  }
0x36: {  	p1 =	seq.s32 s10, $0x1;
	s10 =	sld [smem:$0x3FAF];
	_ =	sdelay $0x3  }
0x37: {  	[smem:$0x3FAF] =	sst s10  }
0x38: {  	s10 =	sld [smem:$0x3FB0]  }
0x39: {  	_ = 	snop;
	(pc) =	sbr.ind lr, $3  }
0x3a: {  	_ = 	snop  }
0x3b: {  	_ = 	snop  }
0x3c: {  	p2 =	seq.s32 s10, $0x1;
	s10 =	sld [smem:$0x3FAF]  }
0x3d: {  	_ =	shalt  }
0x3e: {  	_ =	shalt  }
0x3f: {  	_ =	shalt  }
0x40: {  	_ =	shalt  }
0x41: {  	_ =	shalt  }
0x42: {  	_ =	shalt  }
0x43: {  	_ =	shalt  }
0x44: {  	_ =	shalt  }
0x45: {  	_ =	shalt  }
0x46: {  	_ =	shalt  }
0x47: {  	_ =	shalt  }
0x48: {  	_ =	shalt  }
0x49: {  	_ =	shalt  }
0x4a: {  	_ =	shalt  }
0x4b: {  	_ =	shalt  }
0x4c: {  	_ =	shalt  }
0x4d: {  	_ =	shalt  }
0x4e: {  	_ =	shalt  }
0x4f: {  	_ =	shalt  }
0x50: {  	_ =	shalt  }
0x51: {  	_ =	shalt  }
0x52: {  	_ =	shalt  }
0x53: {  	_ =	shalt  }
0x54: {  	_ =	shalt  }
0x55: {  	_ =	shalt  }
0x56: {  	_ =	shalt  }
0x57: {  	_ =	shalt  }
0x58: {  	_ =	shalt  }
0x59: {  	_ =	shalt  }
0x5a: {  	_ =	shalt  }
0x5b: {  	_ =	shalt  }
0x5c: {  	_ =	shalt  }
0x5d: {  	_ =	shalt  }
0x5e: {  	_ =	shalt  }
0x5f: {  	_ =	shalt  }
0x60: {  	_ =	shalt  }
0x61: {  	_ =	shalt  }
0x62: {  	_ =	shalt  }
0x63: {  	_ =	shalt  }
0x64: {  	_ =	shalt  }
0x65: {  	_ =	shalt  }
0x66: {  	_ =	shalt  }
0x67: {  	_ =	shalt  }
0x68: {  	_ =	shalt  }
0x69: {  	_ =	shalt  }
0x6a: {  	_ =	shalt  }
0x6b: {  	_ =	shalt  }
0x6c: {  	_ =	shalt  }
0x6d: {  	_ =	shalt  }
0x6e: {  	_ =	shalt  }
0x6f: {  	_ =	shalt  }
0x70: {  	_ =	shalt  }
0x71: {  	_ =	shalt  }
0x72: {  	_ =	shalt  }
0x73: {  	_ =	shalt  }
0x74: {  	_ =	shalt  }
0x75: {  	_ =	shalt  }
0x76: {  	_ =	shalt  }
0x77: {  	_ =	shalt  }
0x78: {  	_ =	shalt  }
0x79: {  	_ =	shalt  }
0x7a: {  	_ =	shalt  }
0x7b: {  	_ =	shalt  }
0x7c: {  	_ =	shalt  }
0x7d: {  	_ =	shalt  }
0x7e: {  	_ =	shalt  }
0x7f: {  	_ =	shalt  }
0x80: {  	_ =	shalt  }
0x81: {  	_ =	shalt  }
0x82: {  	_ =	shalt  }
0x83: {  	_ =	shalt  }
0x84: {  	_ =	shalt  }
0x85: {  	_ =	shalt  }
0x86: {  	_ =	shalt  }
0x87: {  	_ =	shalt  }
.Lfunc_end0:
.L_simem_size_0:
called_computation.3_lowered:
.L_overlay_start_0:
0x88: {  	s2 =	sld [smem:$0x3FD9]  }
0x89: {  	s3 =	sld [smem:$0x3FFE];
	_ =	sdelay $0x1  }
0x8a: {  	s1 =	srdreg.scid  }
0x8b: {  	s0 =	sand.u32 $0x1, s1  }
0x8c: {  	s16 =	sshll.u32 s0, $0xA;
	s2 =	sadd.s32 s3, s2  }
0x8d: {  	s2 =	sadd.s32 s2, s16  }
0x8e: {  	[smem:$0x3FBB] =	sst s2  }
0x8f: {  	_ = 	snop  }
0x90: {  	(tm) =	ssettm $0x1  }
0x91: {  	s17 =	sld [smem:$0x3FFB];
	_ =	sdelay $0x3  }
0x92: {  	_ =	strace s17  }
0x93: {  	s2 =	sld [smem:$0x3FFC];
	_ =	sdelay $0x3  }
0x94: {  	_ =	strace s2  }
0x95: {  	s2 =	sld [smem:$0x3FFD];
	_ =	sdelay $0x3  }
0x96: {  	_ =	strace s2  }
0x97: {  	_ =	strace $0x8FFFFFFF  }
0x98: {  	s18 =	sld [smem:$0x3FDB];
	_ =	sdelay $0x1  }
0x99: {  	s19 =	simm.s32 $_scs_section_size  }
0x9a: {  	s4 =	simm.s32 $_size__tile_overlayer_lowered;
	s5 =	simm.s32 $_tile_overlayer_lowered  }
0x9b: {  	s22 =	simm.s32 $0x1BFF;
	s21 =	sshll.u32 s5, $0x1;
	s2 =	sadd.s32 s19, s18  }
0x9c: {  	s6 =	simm.s32 $0x0;
	s20 =	sshll.u32 s4, $0x1;
	s4 =	sadd.s32 s21, s2  }
0x9d: {  	[timem:s6], [sflag:s22] =	dma.local [hbm:s4], s20  }
0x9e: {  	_ =	swait.ge [sflag:s22], s20  }
0x9f: {  	s3 =	ssub.s32 $0x0, s20;
	[sflag:s22] =	ssyncset.done $0x0  }
0xa0: {  	[sflag:s22] =	ssyncadd.s32 s3;
	_ =	sdelay $0x1  }
0xa1: {  	s23 =	simm.s32 $0x1B8B  }
0xa2: {  	_ =	swait.ge [sflag:s23], $0x1  }
0xa3: {  	[sflag:s23] =	ssyncset.done $0x0  }
0xa4: {  	s25 =	simm.s32 $0x1B8E;
	s24 =	sld [smem:$0x3FFE];
	[sflag:s23] =	ssyncadd.s32 $0xFFFFFFFF  }
0xa5: {  	s26 =	simm.s32 $execute0_lowered;
	[smem:$0x3FD2] =	sst s25  }
0xa6: {  	s4 =	sshll.u32 s26, $0x1;
	_ =	strace $0x8000004F;
	[dreg:$0x1] =	wrdreg $0xFFFFFFFF  }
0xa7: {  	s28 =	simm.s32 $_size_execute0_lowered;
	s2 =	sadd.s32 s2, s4;
	[dreg:$0x0] =	wrdreg $0x0  }
0xa8: {  	s4 =	sshll.u32 s28, $0x1;
	[dreg:$0x2] =	wrdreg s2  }
0xa9: {  	[dreg:$0x3] =	wrdreg s4  }
0xaa: {  	[dreg:$0x4] =	wrdreg $0xC0  }
0xab: {  	_ =	task [dreg:s6], $0x5FFFF  }
0xac: {  	[dreg:$0x1] =	wrdreg $0xFFFFFFFF  }
0xad: {  	[dreg:$0x0] =	wrdreg $0x60  }
0xae: {  	[dreg:$0x2] =	wrdreg s24  }
0xaf: {  	[dreg:$0x3] =	wrdreg $0x0  }
0xb0: {  	[dreg:$0x4] =	wrdreg $0x9  }
0xb1: {  	_ =	task.clear_ibuf [dreg:s6], $0x5FFFF;
	_ =	strace $0x9000004F  }
0xb2: {  	s29 =	simm.s32 $0x9;
	_ =	strace $0x80000051  }
0xb3: {  	_ =	swait.ge [sflag:s29], $0x1  }
0xb4: {  	[sflag:s29] =	ssyncadd.s32 $0xFFFFFFFF  }
0xb5: {  	_ =	strace $0x90000051  }
0xb6: {  	_ =	sfence  }
0xb7: {  	s30 =	sld [smem:$0x0];
	_ =	sdelay $0x2  }
0xb8: {  	s31 =	sshll.u32 s1, $0xD;
	s1 =	sshrl.u32 s1, $0x2  }
0xb9: {  	s3 =	sand.u32 $0x4000, s31;
	s1 =	sadd.s32 s1, s30  }
0xba: {  	s0 =	sor.u32 s3, s0;
	s1 =	sshll.u32 s1, $0x11  }
0xbb: {  	s0 =	sor.u32 s1, s0  }
0xbc: {  	s0 =	sadd.s32 $0x8F2B, s0  }
0xbd: {  	[sflag:s0] =	ssyncadd.remote.s32 $0x1  }
0xbe: {  	_ =	sfence.sel $0xFFFF  }
0xbf: {  	[dreg:$0x0] =	wrdreg $0xFFFFFFFF;
	(pc) =	sbr.abs _section_cstart, $3  }
0xc0: {  	[dreg:$0x1] =	wrdreg $0xFFFFFFFF  }
0xc1: {  	_ =	task.clear_ibuf [dreg:s6], $0x2FFFF;
	_ =	strace $0x9FFFFFFF  }
0xc2: {  	(tm) =	ssettm $0x7FFFFFFF  }
0xc3: {  	_ =	shalt  }
tec
execute0_lowered:
.L_overlay_start_1:
0x0: {  	(tag) =	ssettag $0x1  }
0x1: {  	s0 =	rddreg [dreg:$0x0]  }
0x2: {  	s1 =	rddreg [dreg:$0x1]  }
0x3: {  	s2 =	simm.s32 $0x0;
	s3 =	srdreg.scid;
	s23 =	stileid.u32  }
0x4: {  	s28 =	simm.s32 $0x80;
	s29 =	simm.s32 $0x1;
	s30 =	simm.s32 $0x0  }
0x5: {  	[smem:$0x7FF] =	sst s2;
	s7 =	sand.u32 $0x1, s3;
	s4 =	sadd.s32 $0xDC00, s0  }
0x6: {  	s5 =	sadd.s32 $0x5DC00, s0;
	s10 =	smul.u32 $0x50000, s23;
	s6 =	sadd.s32 $0x3C00, s0  }
0x7: {  	s0 =	sadd.s32 $0x67C00, s0;
	s24 =	sshll.u32 s23, $0x1;
	s18 =	smul.u32 $0x14000, s23  }
0x8: {  	_ =	strace $0x80000050;
	s8 =	ssub.s32 $0x2, s7;
	s19 =	smul.u32 $0x140000, s7  }
0x9: {  	s9 =	sshrl.u32 s8, $0x1;
	s10 =	sshrl.u32 s10, $0x2;
	s15 =	sadd.s32 $0x4000, s18  }
0xa: {  	s20 =	sadd.s32 $0x8000, s18;
	s21 =	sadd.s32 $0xC000, s18;
	s23 =	sadd.s32 $0x10000, s18  }
0xb: {  	s9 =	ssub.s32 s8, s9;
	s8 =	sor.u32 s7, s24;
	s7 =	sadd.s32 s10, s1  }
0xc: {  	s13 =	sadd.s32 s19, s18;
	s16 =	sadd.s32 s19, s15;
	s15 =	sadd.s32 s15, s1  }
0xd: {  	s17 =	sadd.s32 s20, s1;
	s20 =	sadd.s32 s19, s20;
	s22 =	sadd.s32 s19, s21  }
0xe: {  	s31 =	sadd.s32 s19, s23;
	s19 =	sadd.s32 s21, s1;
	s21 =	sadd.s32 s23, s1  }
0xf: {  	s23 =	simm.s32 $0x14100;
	s24 =	simm.s32 $0x2;
	s8 =	smul.u32 $0x2800, s8  }
0x10: {  	s25 =	smax.u32 s9, $0x1;
	s10 =	sadd.s32 $0x4000, s7;
	s11 =	sadd.s32 $0x8000, s7  }
0x11: {  	s12 =	sadd.s32 $0xC000, s7;
	s14 =	sshrl.u32 s13, $0x3;
	s13 =	sadd.s32 $0x10000, s7  }
0x12: {  	s16 =	sshrl.u32 s16, $0x3;
	s20 =	sshrl.u32 s20, $0x3;
	s26 =	sshrl.u32 s22, $0x3  }
0x13: {  	s22 =	sshrl.u32 s31, $0x3;
	[dreg:$0x3] =	wrdreg s25;
	s14 =	sadd.s32 s0, s14  }
0x14: {  	s16 =	sadd.s32 s0, s16;
	s18 =	sadd.s32 s0, s20;
	s20 =	sadd.s32 s0, s26  }
0x15: {  	v0 =	vimm.f32 $0.0e+00;
	s22 =	sadd.s32 s0, s22;
	s25 =	simm.s32 $0x14000;
	s26 =	simm.s32 $0x14080  }
.LBB2_1:
0x16: {  	s31 =	simm.s32 $0x0;
	s0 =	simm.s32 $0x200  }
.LBB2_2:
0x17: {  	p0 =	sne.s32 s0, $0xFE00;
	[tilespmem:s31+$0x14170] =	vst v0  }
0x18: {  	[tilespmem:s31+$0x14100] =	vst v0  }
0x19: {  	[tilespmem:s31+$0x14110] =	vst v0  }
.Ltmp0:
0x1a: {  	[tilespmem:s31+$0x14120] =	vst v0;
	(pc) =	sbr.rel @p0 .LBB2_2-.Ltmp0, $4  }
0x1b: {  	[tilespmem:s31+$0x14130] =	vst v0  }
0x1c: {  	[tilespmem:s31+$0x14140] =	vst v0  }
0x1d: {  	[tilespmem:s31+$0x14150] =	vst v0  }
0x1e: {  	[tilespmem:s31+$0x14160] =	vst v0;
	s31 =	sshra.s32 s0, $0x2;
	s0 =	sadd.s32 $0x200, s0  }
0x1f: {  	[tilespmem:s31+$0x14170] =	vst v0  }
0x20: {  	[tilespmem:s31+$0x14100] =	vst v0  }
0x21: {  	[tilespmem:s31+$0x14110] =	vst v0  }
0x22: {  	[tilespmem:s31+$0x14120] =	vst v0  }
0x23: {  	[tilespmem:s31+$0x14130] =	vst v0  }
0x24: {  	[tilespmem:s31+$0x14140] =	vst v0  }
0x25: {  	[tilespmem:s31+$0x14150] =	vst v0  }
0x26: {  	[tilespmem:s31+$0x14160] =	vst v0  }
0x27: {  	[spmem:s7] =	stream.linear.scatter [tilespmem:s23], [sflag:$0x2], $0x4000, $0x38;
	[tilespmem:$0x18100] =	vst v63  }
0x28: {  	_ =	swait.ge [sflag:s24], $0x4000  }
0x29: {  	[sflag:s24] =	ssyncset.done $0x0  }
0x2a: {  	[sflag:s24] =	ssyncadd.s32 $0xFFFFC000  }
0x2b: {  	[spmem:s10] =	stream.linear.scatter [tilespmem:s23], [sflag:$0x2], $0x4000, $0x38;
	[tilespmem:$0x18100] =	vst v63  }
0x2c: {  	_ =	swait.ge [sflag:s24], $0x4000  }
0x2d: {  	[sflag:s24] =	ssyncset.done $0x0  }
0x2e: {  	[sflag:s24] =	ssyncadd.s32 $0xFFFFC000  }
0x2f: {  	[spmem:s11] =	stream.linear.scatter [tilespmem:s23], [sflag:$0x2], $0x4000, $0x38;
	[tilespmem:$0x18100] =	vst v63  }
0x30: {  	_ =	swait.ge [sflag:s24], $0x4000  }
0x31: {  	[sflag:s24] =	ssyncset.done $0x0  }
0x32: {  	[sflag:s24] =	ssyncadd.s32 $0xFFFFC000  }
0x33: {  	[spmem:s12] =	stream.linear.scatter [tilespmem:s23], [sflag:$0x2], $0x4000, $0x38;
	[tilespmem:$0x18100] =	vst v63  }
0x34: {  	_ =	swait.ge [sflag:s24], $0x4000  }
0x35: {  	s0 =	simm.s32 $0x0;
	[sflag:s24] =	ssyncset.done $0x0  }
0x36: {  	s31 =	sand.u32 $0x3C00, s0;
	[sflag:s24] =	ssyncadd.s32 $0xFFFFC000  }
0x37: {  	[spmem:s13] =	stream.linear.scatter [tilespmem:s23], [sflag:$0x2], $0x4000, $0x38;
	[tilespmem:$0x18100] =	vst v63  }
0x38: {  	s0 =	sand.u32 $0x380, s0;
	s31 =	sadd.s32 s8, s31;
	_ =	swait.ge [sflag:s24], $0x4000  }
0x39: {  	s0 =	sor.u32 s0, s31;
	[sflag:s24] =	ssyncset.done $0x0  }
0x3a: {  	s0 =	sshrl.u32 s0, $0x3;
	[sflag:s24] =	ssyncadd.s32 $0xFFFFC000  }
0x3b: {  	s31 =	sadd.s32 s5, s0;
	[bflag:$0x0] =	sbarrier.arrive $0xFFFF  }
0x3c: {  	[tilespmem:s25], [sflag:$0x2] =	stream.linear.gather [hbm4b:s31+s2], $0x80, $0x38;
	[tilespmem:$0x18100] =	vst v63  }
0x3d: {  	_ =	swait.ge [sflag:s24], $0x80  }
0x3e: {  	[sflag:s24] =	ssyncset.done $0x0  }
0x3f: {  	s0 =	sadd.s32 s6, s0;
	[sflag:s24] =	ssyncadd.s32 $0xFFFFFF80  }
0x40: {  	[tilespmem:s26], [sflag:$0x2] =	stream.linear.gather [hbm4b:s0+s2], $0x80, $0x38;
	[tilespmem:$0x18100] =	vst v63  }
0x41: {  	_ =	swait.ge [sflag:s24], $0x80  }
0x42: {  	[sflag:s24] =	ssyncset.done $0x0  }
0x43: {  	[sflag:s24] =	ssyncadd.s32 $0xFFFFFF80  }
0x44: {  	[tilespmem:s23], [sflag:$0x1] =	stream.indirect.gather [hbm4b:s4+s28], $0x80, s25, s28, $0xb8;
	[tilespmem:$0x18100] =	vst v63  }
0x45: {  	_ =	swait.ge [sflag:s29], $0x4000  }
0x46: {  	s9 =	simm.s32 $0x80;
	[sflag:s29] =	ssyncset.done $0x0  }
0x47: {  	s31 =	sand.u32 $0x3C00, s9;
	[sflag:s29] =	ssyncadd.s32 $0xFFFFC000  }
0x48: {  	[spmem:s1] =	stream.indirect.scatter.add.f32 [tilespmem:s23], [sflag:$0x2], $0x80, s26, s28, $0xb8;
	[tilespmem:$0x18100] =	vst v63  }
0x49: {  	s3 =	sand.u32 $0x380, s9;
	s31 =	sadd.s32 s8, s31;
	_ =	swait.ge [sflag:s24], $0x4000  }
0x4a: {  	s31 =	sor.u32 s3, s31;
	s0 =	simm.s32 $0x100;
	[sflag:s24] =	ssyncset.done $0x0  }
.LBB2_4:
0x4b: {  	s3 =	sshrl.u32 s31, $0x3  }
0x4c: {  	[sflag:s24] =	ssyncadd.s32 $0xFFFFC000;
	s31 =	smov.u32 s0;
	s9 =	sadd.s32 $0x80, s0  }
0x4d: {  	p0 =	sne.s32 s0, $0x2700;
	s0 =	sadd.s32 s5, s3  }
0x4e: {  	[tilespmem:s25], [sflag:$0x2] =	stream.linear.gather [hbm4b:s0+s2], $0x80, $0x38;
	[tilespmem:$0x18100] =	vst v63  }
0x4f: {  	_ =	swait.ge [sflag:s24], $0x80  }
0x50: {  	[sflag:s24] =	ssyncset.done $0x0  }
0x51: {  	s0 =	sadd.s32 s6, s3;
	[sflag:s24] =	ssyncadd.s32 $0xFFFFFF80  }
0x52: {  	[tilespmem:s26], [sflag:$0x2] =	stream.linear.gather [hbm4b:s0+s2], $0x80, $0x38;
	[tilespmem:$0x18100] =	vst v63  }
0x53: {  	_ =	swait.ge [sflag:s24], $0x80  }
0x54: {  	[sflag:s24] =	ssyncset.done $0x0  }
0x55: {  	[sflag:s24] =	ssyncadd.s32 $0xFFFFFF80  }
0x56: {  	[tilespmem:s23], [sflag:$0x1] =	stream.indirect.gather [hbm4b:s4+s28], $0x80, s25, s28, $0xb8;
	[tilespmem:$0x18100] =	vst v63  }
0x57: {  	_ =	swait.ge [sflag:s29], $0x4000  }
.Ltmp1:
0x58: {  	[sflag:s29] =	ssyncset.done $0x0;
	(pc) =	sbr.rel @p0 .LBB2_4-.Ltmp1, $4  }
0x59: {  	s0 =	sand.u32 $0x3C00, s31;
	[sflag:s29] =	ssyncadd.s32 $0xFFFFC000  }
0x5a: {  	[spmem:s1] =	stream.indirect.scatter.add.f32 [tilespmem:s23], [sflag:$0x2], $0x80, s26, s28, $0xb8;
	[tilespmem:$0x18100] =	vst v63  }
0x5b: {  	s3 =	sand.u32 $0x380, s31;
	s0 =	sadd.s32 s8, s0;
	_ =	swait.ge [sflag:s24], $0x4000  }
0x5c: {  	s31 =	sor.u32 s3, s0;
	s0 =	smov.u32 s9;
	[sflag:s24] =	ssyncset.done $0x0  }
0x5d: {  	s0 =	sshrl.u32 s31, $0x3  }
0x5e: {  	[sflag:s24] =	ssyncadd.s32 $0xFFFFC000;
	s3 =	sadd.s32 s5, s0  }
0x5f: {  	[tilespmem:s25], [sflag:$0x2] =	stream.linear.gather [hbm4b:s3+s2], $0x80, $0x38;
	[tilespmem:$0x18100] =	vst v63  }
0x60: {  	_ =	swait.ge [sflag:s24], $0x80  }
0x61: {  	[sflag:s24] =	ssyncset.done $0x0  }
0x62: {  	s0 =	sadd.s32 s6, s0;
	[sflag:s24] =	ssyncadd.s32 $0xFFFFFF80  }
0x63: {  	[tilespmem:s26], [sflag:$0x2] =	stream.linear.gather [hbm4b:s0+s2], $0x80, $0x38;
	[tilespmem:$0x18100] =	vst v63  }
0x64: {  	_ =	swait.ge [sflag:s24], $0x80  }
0x65: {  	[sflag:s24] =	ssyncset.done $0x0  }
0x66: {  	[sflag:s24] =	ssyncadd.s32 $0xFFFFFF80  }
0x67: {  	[tilespmem:s23], [sflag:$0x1] =	stream.indirect.gather [hbm4b:s4+s28], $0x80, s25, s28, $0xb8;
	[tilespmem:$0x18100] =	vst v63  }
0x68: {  	_ =	swait.ge [sflag:s29], $0x4000  }
0x69: {  	[sflag:s29] =	ssyncset.done $0x0  }
0x6a: {  	[sflag:s29] =	ssyncadd.s32 $0xFFFFC000  }
0x6b: {  	[spmem:s1] =	stream.indirect.scatter.add.f32 [tilespmem:s23], [sflag:$0x2], $0x80, s26, s28, $0xb8;
	[tilespmem:$0x18100] =	vst v63  }
0x6c: {  	_ =	swait.ge [sflag:s24], $0x4000  }
0x6d: {  	[sflag:s24] =	ssyncset.done $0x0  }
0x6e: {  	[sflag:s24] =	ssyncadd.s32 $0xFFFFC000  }
0x6f: {  	[bflag:$0x0] =	sbarrier.arrive $0xFFFF  }
0x70: {  	[tilespmem:s23], [sflag:$0x2] =	stream.linear.gather [spmem:s7], $0x4000, $0x38;
	[tilespmem:$0x18100] =	vst v63  }
0x71: {  	_ =	swait.ge [sflag:s24], $0x4000  }
0x72: {  	[sflag:s24] =	ssyncset.done $0x0  }
0x73: {  	[sflag:s24] =	ssyncadd.s32 $0xFFFFC000  }
0x74: {  	[hbm4b:s14+s2] =	stream.linear.scatter [tilespmem:s23], [sflag:$0x2], $0x4000, $0x38;
	[tilespmem:$0x18100] =	vst v63  }
0x75: {  	_ =	swait.ge [sflag:s24], $0x4000  }
0x76: {  	[sflag:s24] =	ssyncset.done $0x0  }
0x77: {  	[sflag:s24] =	ssyncadd.s32 $0xFFFFC000  }
0x78: {  	[tilespmem:s23], [sflag:$0x2] =	stream.linear.gather [spmem:s15], $0x4000, $0x38;
	[tilespmem:$0x18100] =	vst v63  }
0x79: {  	_ =	swait.ge [sflag:s24], $0x4000  }
0x7a: {  	[sflag:s24] =	ssyncset.done $0x0  }
0x7b: {  	[sflag:s24] =	ssyncadd.s32 $0xFFFFC000  }
0x7c: {  	[hbm4b:s16+s2] =	stream.linear.scatter [tilespmem:s23], [sflag:$0x2], $0x4000, $0x38;
	[tilespmem:$0x18100] =	vst v63  }
0x7d: {  	_ =	swait.ge [sflag:s24], $0x4000  }
0x7e: {  	[sflag:s24] =	ssyncset.done $0x0  }
0x7f: {  	[sflag:s24] =	ssyncadd.s32 $0xFFFFC000  }
0x80: {  	[tilespmem:s23], [sflag:$0x2] =	stream.linear.gather [spmem:s17], $0x4000, $0x38;
	[tilespmem:$0x18100] =	vst v63  }
0x81: {  	_ =	swait.ge [sflag:s24], $0x4000  }
0x82: {  	[sflag:s24] =	ssyncset.done $0x0  }
0x83: {  	[sflag:s24] =	ssyncadd.s32 $0xFFFFC000  }
0x84: {  	[hbm4b:s18+s2] =	stream.linear.scatter [tilespmem:s23], [sflag:$0x2], $0x4000, $0x38;
	[tilespmem:$0x18100] =	vst v63  }
0x85: {  	_ =	swait.ge [sflag:s24], $0x4000  }
0x86: {  	[sflag:s24] =	ssyncset.done $0x0  }
0x87: {  	[sflag:s24] =	ssyncadd.s32 $0xFFFFC000  }
0x88: {  	[tilespmem:s23], [sflag:$0x2] =	stream.linear.gather [spmem:s19], $0x4000, $0x38;
	[tilespmem:$0x18100] =	vst v63  }
0x89: {  	_ =	swait.ge [sflag:s24], $0x4000  }
0x8a: {  	[sflag:s24] =	ssyncset.done $0x0  }
0x8b: {  	[sflag:s24] =	ssyncadd.s32 $0xFFFFC000  }
0x8c: {  	[hbm4b:s20+s2] =	stream.linear.scatter [tilespmem:s23], [sflag:$0x2], $0x4000, $0x38;
	[tilespmem:$0x18100] =	vst v63  }
0x8d: {  	_ =	swait.ge [sflag:s24], $0x4000  }
0x8e: {  	[sflag:s24] =	ssyncset.done $0x0  }
0x8f: {  	[sflag:s24] =	ssyncadd.s32 $0xFFFFC000  }
0x90: {  	[tilespmem:s23], [sflag:$0x2] =	stream.linear.gather [spmem:s21], $0x4000, $0x38;
	[tilespmem:$0x18100] =	vst v63  }
0x91: {  	_ =	swait.ge [sflag:s24], $0x4000  }
0x92: {  	[sflag:s24] =	ssyncset.done $0x0  }
0x93: {  	[sflag:s24] =	ssyncadd.s32 $0xFFFFC000  }
0x94: {  	[hbm4b:s22+s2] =	stream.linear.scatter [tilespmem:s23], [sflag:$0x2], $0x4000, $0x38;
	[tilespmem:$0x18100] =	vst v63  }
0x95: {  	_ =	swait.ge [sflag:s24], $0x4000  }
0x96: {  	s30 =	sadd.s32 $0x1, s30;
	s31 =	rddreg [dreg:$0x3]  }
0x97: {  	p0 =	sne.s32 s30, s31  }
.Ltmp2:
0x98: {  	_ = 	snop;
	(pc) =	sbr.rel @p0 .LBB2_1-.Ltmp2, $3  }
0x99: {  	_ =	sdelay $0x1  }
0x9a: {  	[sflag:s24] =	ssyncset.done $0x0  }
0x9b: {  	[sflag:s24] =	ssyncadd.s32 $0xFFFFC000  }
0x9c: {  	_ =	sfence.sel $0x180000  }
0x9d: {  	[bflag:$0x0] =	sbarrier.arrive $0xFFFF  }
0x9e: {  	_ =	strace $0x90000050  }
0x9f: {  	s0 =	stileid.u32;
	[bflag:$0x2] =	sbarrier.arrive $0xFFFF  }
0xa0: {  	p0 =	sne.s32 s0, $0x0;
	s0 =	rddreg [dreg:$0x2]  }
0xa1: {  	s0 =	sadd.s32 @!p0 $0x100000, s0  }
0xa2: {  	[sflag:s0] =	ssyncadd.tile.s32 @!p0 $0x1;
	_ =	shalt  }
.Lfunc_end2:
_tile_overlayer_lowered:
.L_overlay_start_2:
0xa3: {  	(tag) =	ssettag $0x2  }
0xa4: {  	s0 =	rddreg [dreg:$0x0];
	s2 =	stileid.u32  }
0xa5: {  	s1 =	rddreg [dreg:$0x1];
	p0 =	sne.s32 s2, $0x0  }
0xa6: {  	s3 =	rddreg [dreg:$0x2];
	[bflag:$0x3] =	sbarrier.arrive $0xFFFF;
	s2 =	simm.s32 @!p0 $0x1C02  }
0xa7: {  	[timem:s3], [sflag:s2] =	dma.local @!p0 [hbm:s0], s1  }
0xa8: {  	s0 =	simm.s32 @!p0 $0x2  }
0xa9: {  	_ =	swait.ge @!p0 [sflag:s0], s1  }
0xaa: {  	s1 =	ssub.s32 @!p0 $0x0, s1;
	[sflag:s0] =	ssyncset.done @!p0 $0x0  }
0xab: {  	[sflag:s0] =	ssyncadd.s32 @!p0 s1  }
0xac: {  	[bflag:$0x3] =	sbarrier.arrive $0xFFFF  }
0xad: {  	_ =	shalt  }

// kernel: kernel.24.cloned.1.call-start
scs
__scs_entry_jumppad:
0x0: {  	(pc) =	sbr.rel $0x88, $3  }
0x1: {  	(tag) =	ssettag $0x0;
	lr =	simm.s32 $0x1  }
0x2: {  	[smem:$0x3F94] =	sst lr;
	_ =	strace $0xD0000000  }
0x3: {  	_ = 	snop  }
0x4: {  	_ = 	snop  }
0x5: {  	_ = 	snop  }
0x6: {  	_ = 	snop  }
0x7: {  	_ = 	snop  }
__scs_overlays_trampoline_lowered:
0x8: {  	[smem:$0x3FA3] =	sst s0  }
0x9: {  	[smem:$0x3FA4] =	sst s1  }
0xa: {  	[smem:$0x3FA5] =	sst s2  }
0xb: {  	[smem:$0x3FA6] =	sst s3  }
0xc: {  	[smem:$0x3FA7] =	sst s4  }
0xd: {  	[smem:$0x3FA8] =	sst s5  }
0xe: {  	[smem:$0x3FA9] =	sst s6  }
0xf: {  	[smem:$0x3FAA] =	sst s7  }
0x10: {  	[smem:$0x3FAB] =	sst s8  }
0x11: {  	[smem:$0x3FAC] =	sst s9;
	s0 =	simm.s32 @!p0 $0x0  }
0x12: {  	s1 =	sld [smem:$0x3F92];
	s0 =	simm.s32 @p0 $0x1  }
0x13: {  	[smem:$0x3FAD] =	sst s0;
	s0 =	simm.s32 @!p1 $0x0  }
0x14: {  	s2 =	sld [smem:$0x3F91];
	s0 =	simm.s32 @p1 $0x1  }
0x15: {  	[smem:$0x3FAE] =	sst s0;
	s0 =	simm.s32 @!p2 $0x0  }
0x16: {  	s3 =	sld [smem:$0x3FDB];
	s0 =	simm.s32 @p2 $0x1  }
0x17: {  	s4 =	simm.s32 $0x1BF5;
	[smem:$0x3FB0] =	sst s0  }
0x18: {  	s0 =	sld [smem:$0x3F93];
	_ =	swait.ge [sflag:s4], $0x0  }
0x19: {  	s7 =	sld [smem:$0x3F94]  }
0x1a: {  	s8 =	sadd.s32 $0xFFFFE003, lr  }
0x1b: {  	s9 =	sadd.s32 $0xFFFFFEF7, lr;
	s5 =	simm.s32 $0xFFFFFFFF;
	p2 =	slt.u32 s8, $0xFFFFF086  }
0x1c: {  	p1 =	slt.u32 s9, $0xF7A;
	s5 =	simm.s32 @!p2 $0x0  }
0x1d: {  	s5 =	simm.s32 @p1 $0x1;
	p0 =	seq.s32 s7, s2  }
0x1e: {  	s7 =	smul.u32 @!p0 $0xF7A, s2;
	p2 =	seq.s32 @!p0 s5, $0x0  }
0x1f: {  	s9 =	smul.u32 $0xF7A, s1;
	s8 =	simm.s32 @!p0 $0x1BF5;
	p2 =	por !p2, p0  }
0x20: {  	[sflag:s8] =	ssyncset.s32 @!p0 $0xFFFFF086;
	s6 =	sadd.s32 @!p0 s3, s7;
	s7 =	simm.s32 @!p0 $0x108  }
0x21: {  	s3 =	sadd.s32 s3, s9;
	s6 =	sadd.s32 @!p0 $0x88, s6;
	s7 =	simm.s32 @p2 $0x1082  }
0x22: {  	[simem:s7], [sflag:s8] =	dma.local @!p0 [hbm:s6], $0xF7A  }
0x23: {  	s9 =	sor.u32 $0xD0000000, s2;
	s6 =	simm.s32 $0x108;
	_ =	swait.ge @!p0 [sflag:s8], $0x0  }
0x24: {  	s3 =	sadd.s32 $0x88, s3;
	s6 =	simm.s32 @!p1 $0x1082;
	[sflag:s4] =	ssyncset.s32 $0xFFFFF086  }
0x25: {  	[simem:s6], [sflag:s4] =	dma.local [hbm:s3], $0xF7A  }
0x26: {  	[smem:$0x3F94] =	sst s1;
	(tag) =	ssettag s2;
	_ =	strace s9  }
0x27: {  	s1 =	sld [smem:$0x3FA4]  }
0x28: {  	s2 =	sld [smem:$0x3FA5]  }
0x29: {  	s4 =	sld [smem:$0x3FA7]  }
0x2a: {  	p0 =	seq.s32 s5, $0x0;
	s5 =	sld [smem:$0x3FA8]  }
0x2b: {  	s6 =	sld [smem:$0x3FA9]  }
0x2c: {  	s7 =	sld [smem:$0x3FAA]  }
0x2d: {  	s3 =	simm.s32 $0x108;
	s8 =	sld [smem:$0x3FAB]  }
0x2e: {  	s3 =	simm.s32 @!p0 $0x1082;
	s9 =	sld [smem:$0x3FAC]  }
0x2f: {  	lr =	sadd.s32 s0, s3;
	s0 =	sld [smem:$0x3FA3]  }
0x30: {  	s3 =	sld [smem:$0x3FA6]  }
0x31: {  	[smem:$0x3FAF] =	sst s10  }
0x32: {  	s10 =	sld [smem:$0x3FAD];
	_ =	sdelay $0x3  }
0x33: {  	p0 =	seq.s32 s10, $0x1;
	s10 =	sld [smem:$0x3FAF];
	_ =	sdelay $0x3  }
0x34: {  	[smem:$0x3FAF] =	sst s10  }
0x35: {  	s10 =	sld [smem:$0x3FAE];
	_ =	sdelay $0x3  }
0x36: {  	p1 =	seq.s32 s10, $0x1;
	s10 =	sld [smem:$0x3FAF];
	_ =	sdelay $0x3  }
0x37: {  	[smem:$0x3FAF] =	sst s10  }
0x38: {  	s10 =	sld [smem:$0x3FB0]  }
0x39: {  	_ = 	snop;
	(pc) =	sbr.ind lr, $3  }
0x3a: {  	_ = 	snop  }
0x3b: {  	_ = 	snop  }
0x3c: {  	p2 =	seq.s32 s10, $0x1;
	s10 =	sld [smem:$0x3FAF]  }
0x3d: {  	_ =	shalt  }
0x3e: {  	_ =	shalt  }
0x3f: {  	_ =	shalt  }
0x40: {  	_ =	shalt  }
0x41: {  	_ =	shalt  }
0x42: {  	_ =	shalt  }
0x43: {  	_ =	shalt  }
0x44: {  	_ =	shalt  }
0x45: {  	_ =	shalt  }
0x46: {  	_ =	shalt  }
0x47: {  	_ =	shalt  }
0x48: {  	_ =	shalt  }
0x49: {  	_ =	shalt  }
0x4a: {  	_ =	shalt  }
0x4b: {  	_ =	shalt  }
0x4c: {  	_ =	shalt  }
0x4d: {  	_ =	shalt  }
0x4e: {  	_ =	shalt  }
0x4f: {  	_ =	shalt  }
0x50: {  	_ =	shalt  }
0x51: {  	_ =	shalt  }
0x52: {  	_ =	shalt  }
0x53: {  	_ =	shalt  }
0x54: {  	_ =	shalt  }
0x55: {  	_ =	shalt  }
0x56: {  	_ =	shalt  }
0x57: {  	_ =	shalt  }
0x58: {  	_ =	shalt  }
0x59: {  	_ =	shalt  }
0x5a: {  	_ =	shalt  }
0x5b: {  	_ =	shalt  }
0x5c: {  	_ =	shalt  }
0x5d: {  	_ =	shalt  }
0x5e: {  	_ =	shalt  }
0x5f: {  	_ =	shalt  }
0x60: {  	_ =	shalt  }
0x61: {  	_ =	shalt  }
0x62: {  	_ =	shalt  }
0x63: {  	_ =	shalt  }
0x64: {  	_ =	shalt  }
0x65: {  	_ =	shalt  }
0x66: {  	_ =	shalt  }
0x67: {  	_ =	shalt  }
0x68: {  	_ =	shalt  }
0x69: {  	_ =	shalt  }
0x6a: {  	_ =	shalt  }
0x6b: {  	_ =	shalt  }
0x6c: {  	_ =	shalt  }
0x6d: {  	_ =	shalt  }
0x6e: {  	_ =	shalt  }
0x6f: {  	_ =	shalt  }
0x70: {  	_ =	shalt  }
0x71: {  	_ =	shalt  }
0x72: {  	_ =	shalt  }
0x73: {  	_ =	shalt  }
0x74: {  	_ =	shalt  }
0x75: {  	_ =	shalt  }
0x76: {  	_ =	shalt  }
0x77: {  	_ =	shalt  }
0x78: {  	_ =	shalt  }
0x79: {  	_ =	shalt  }
0x7a: {  	_ =	shalt  }
0x7b: {  	_ =	shalt  }
0x7c: {  	_ =	shalt  }
0x7d: {  	_ =	shalt  }
0x7e: {  	_ =	shalt  }
0x7f: {  	_ =	shalt  }
0x80: {  	_ =	shalt  }
0x81: {  	_ =	shalt  }
0x82: {  	_ =	shalt  }
0x83: {  	_ =	shalt  }
0x84: {  	_ =	shalt  }
0x85: {  	_ =	shalt  }
0x86: {  	_ =	shalt  }
0x87: {  	_ =	shalt  }
.Lfunc_end0:
.L_simem_size_0:
called_computation.4_lowered:
.L_overlay_start_0:
0x88: {  	s2 =	sld [smem:$0x3FD9]  }
0x89: {  	s3 =	sld [smem:$0x3FFE];
	_ =	sdelay $0x1  }
0x8a: {  	s1 =	srdreg.scid  }
0x8b: {  	s0 =	sand.u32 $0x1, s1  }
0x8c: {  	s16 =	sshll.u32 s0, $0xA;
	s2 =	sadd.s32 s3, s2  }
0x8d: {  	s2 =	sadd.s32 s2, s16  }
0x8e: {  	[smem:$0x3FBB] =	sst s2  }
0x8f: {  	_ = 	snop  }
0x90: {  	(tm) =	ssettm $0x1  }
0x91: {  	s17 =	sld [smem:$0x3FFB];
	_ =	sdelay $0x3  }
0x92: {  	_ =	strace s17  }
0x93: {  	s2 =	sld [smem:$0x3FFC];
	_ =	sdelay $0x3  }
0x94: {  	_ =	strace s2  }
0x95: {  	s2 =	sld [smem:$0x3FFD];
	_ =	sdelay $0x3  }
0x96: {  	_ =	strace s2  }
0x97: {  	_ =	strace $0x8FFFFFFF  }
0x98: {  	s18 =	sld [smem:$0x3FDB];
	_ =	sdelay $0x1  }
0x99: {  	s19 =	simm.s32 $_scs_section_size  }
0x9a: {  	s4 =	simm.s32 $_size__tile_overlayer_lowered;
	s5 =	simm.s32 $_tile_overlayer_lowered  }
0x9b: {  	s22 =	simm.s32 $0x1BFF;
	s21 =	sshll.u32 s5, $0x1;
	s2 =	sadd.s32 s19, s18  }
0x9c: {  	s6 =	simm.s32 $0x0;
	s20 =	sshll.u32 s4, $0x1;
	s4 =	sadd.s32 s21, s2  }
0x9d: {  	[timem:s6], [sflag:s22] =	dma.local [hbm:s4], s20  }
0x9e: {  	_ =	swait.ge [sflag:s22], s20  }
0x9f: {  	s3 =	ssub.s32 $0x0, s20;
	[sflag:s22] =	ssyncset.done $0x0  }
0xa0: {  	[sflag:s22] =	ssyncadd.s32 s3;
	_ =	sdelay $0x1  }
0xa1: {  	s23 =	simm.s32 $0x1B8B  }
0xa2: {  	_ =	swait.ge [sflag:s23], $0x1  }
0xa3: {  	[sflag:s23] =	ssyncset.done $0x0  }
0xa4: {  	s25 =	simm.s32 $0x1B8E;
	s24 =	sld [smem:$0x3FFE];
	[sflag:s23] =	ssyncadd.s32 $0xFFFFFFFF  }
0xa5: {  	s26 =	simm.s32 $execute0_lowered;
	[smem:$0x3FD2] =	sst s25  }
0xa6: {  	s4 =	sshll.u32 s26, $0x1;
	_ =	strace $0x80000052;
	[dreg:$0x1] =	wrdreg $0xFFFFFFFF  }
0xa7: {  	s28 =	simm.s32 $_size_execute0_lowered;
	s2 =	sadd.s32 s2, s4;
	[dreg:$0x0] =	wrdreg $0x0  }
0xa8: {  	s4 =	sshll.u32 s28, $0x1;
	[dreg:$0x2] =	wrdreg s2  }
0xa9: {  	[dreg:$0x3] =	wrdreg s4  }
0xaa: {  	[dreg:$0x4] =	wrdreg $0xC0  }
0xab: {  	_ =	task [dreg:s6], $0x5FFFF  }
0xac: {  	[dreg:$0x1] =	wrdreg $0xFFFFFFFF  }
0xad: {  	[dreg:$0x0] =	wrdreg $0x60  }
0xae: {  	[dreg:$0x2] =	wrdreg s24  }
0xaf: {  	[dreg:$0x3] =	wrdreg $0x0  }
0xb0: {  	[dreg:$0x4] =	wrdreg $0x9  }
0xb1: {  	_ =	task.clear_ibuf [dreg:s6], $0x5FFFF;
	_ =	strace $0x90000052  }
0xb2: {  	s29 =	simm.s32 $0x9;
	_ =	strace $0x80000054  }
0xb3: {  	_ =	swait.ge [sflag:s29], $0x1  }
0xb4: {  	[sflag:s29] =	ssyncadd.s32 $0xFFFFFFFF  }
0xb5: {  	_ =	strace $0x90000054  }
0xb6: {  	_ =	sfence  }
0xb7: {  	s30 =	sld [smem:$0x0];
	_ =	sdelay $0x2  }
0xb8: {  	s31 =	sshll.u32 s1, $0xD;
	s1 =	sshrl.u32 s1, $0x2  }
0xb9: {  	s3 =	sand.u32 $0x4000, s31;
	s1 =	sadd.s32 s1, s30  }
0xba: {  	s0 =	sor.u32 s3, s0;
	s1 =	sshll.u32 s1, $0x11  }
0xbb: {  	s0 =	sor.u32 s1, s0  }
0xbc: {  	s0 =	sadd.s32 $0x8F2B, s0  }
0xbd: {  	[sflag:s0] =	ssyncadd.remote.s32 $0x1  }
0xbe: {  	_ =	sfence.sel $0xFFFF  }
0xbf: {  	[dreg:$0x0] =	wrdreg $0xFFFFFFFF;
	(pc) =	sbr.abs _section_cstart, $3  }
0xc0: {  	[dreg:$0x1] =	wrdreg $0xFFFFFFFF  }
0xc1: {  	_ =	task.clear_ibuf [dreg:s6], $0x2FFFF;
	_ =	strace $0x9FFFFFFF  }
0xc2: {  	(tm) =	ssettm $0x7FFFFFFF  }
0xc3: {  	_ =	shalt  }
tec
execute0_lowered:
.L_overlay_start_1:
0x0: {  	(tag) =	ssettag $0x1  }
0x1: {  	s0 =	rddreg [dreg:$0x0]  }
0x2: {  	s1 =	rddreg [dreg:$0x1]  }
0x3: {  	s2 =	simm.s32 $0x0;
	s3 =	srdreg.scid;
	s23 =	stileid.u32  }
0x4: {  	s28 =	simm.s32 $0x80;
	s29 =	simm.s32 $0x1;
	s30 =	simm.s32 $0x0  }
0x5: {  	[smem:$0x7FF] =	sst s2;
	s7 =	sand.u32 $0x1, s3;
	s4 =	sadd.s32 $0xDC00, s0  }
0x6: {  	s5 =	sadd.s32 $0x5DC00, s0;
	s10 =	smul.u32 $0x50000, s23;
	s6 =	sadd.s32 $0x3C00, s0  }
0x7: {  	s0 =	sadd.s32 $0x67C00, s0;
	s24 =	sshll.u32 s23, $0x1;
	s18 =	smul.u32 $0x14000, s23  }
0x8: {  	_ =	strace $0x80000053;
	s8 =	ssub.s32 $0x2, s7;
	s19 =	smul.u32 $0x140000, s7  }
0x9: {  	s9 =	sshrl.u32 s8, $0x1;
	s10 =	sshrl.u32 s10, $0x2;
	s15 =	sadd.s32 $0x4000, s18  }
0xa: {  	s20 =	sadd.s32 $0x8000, s18;
	s21 =	sadd.s32 $0xC000, s18;
	s23 =	sadd.s32 $0x10000, s18  }
0xb: {  	s9 =	ssub.s32 s8, s9;
	s8 =	sor.u32 s7, s24;
	s7 =	sadd.s32 s10, s1  }
0xc: {  	s13 =	sadd.s32 s19, s18;
	s16 =	sadd.s32 s19, s15;
	s15 =	sadd.s32 s15, s1  }
0xd: {  	s17 =	sadd.s32 s20, s1;
	s20 =	sadd.s32 s19, s20;
	s22 =	sadd.s32 s19, s21  }
0xe: {  	s31 =	sadd.s32 s19, s23;
	s19 =	sadd.s32 s21, s1;
	s21 =	sadd.s32 s23, s1  }
0xf: {  	s23 =	simm.s32 $0x14100;
	s24 =	simm.s32 $0x2;
	s8 =	smul.u32 $0x2800, s8  }
0x10: {  	s25 =	smax.u32 s9, $0x1;
	s10 =	sadd.s32 $0x4000, s7;
	s11 =	sadd.s32 $0x8000, s7  }
0x11: {  	s12 =	sadd.s32 $0xC000, s7;
	s14 =	sshrl.u32 s13, $0x3;
	s13 =	sadd.s32 $0x10000, s7  }
0x12: {  	s16 =	sshrl.u32 s16, $0x3;
	s20 =	sshrl.u32 s20, $0x3;
	s26 =	sshrl.u32 s22, $0x3  }
0x13: {  	s22 =	sshrl.u32 s31, $0x3;
	[dreg:$0x3] =	wrdreg s25;
	s14 =	sadd.s32 s0, s14  }
0x14: {  	s16 =	sadd.s32 s0, s16;
	s18 =	sadd.s32 s0, s20;
	s20 =	sadd.s32 s0, s26  }
0x15: {  	v0 =	vimm.f32 $0.0e+00;
	s22 =	sadd.s32 s0, s22;
	s25 =	simm.s32 $0x14000;
	s26 =	simm.s32 $0x14080  }
.LBB2_1:
0x16: {  	s31 =	simm.s32 $0x0;
	s0 =	simm.s32 $0x200  }
.LBB2_2:
0x17: {  	p0 =	sne.s32 s0, $0xFE00;
	[tilespmem:s31+$0x14170] =	vst v0  }
0x18: {  	[tilespmem:s31+$0x14100] =	vst v0  }
0x19: {  	[tilespmem:s31+$0x14110] =	vst v0  }
.Ltmp0:
0x1a: {  	[tilespmem:s31+$0x14120] =	vst v0;
	(pc) =	sbr.rel @p0 .LBB2_2-.Ltmp0, $4  }
0x1b: {  	[tilespmem:s31+$0x14130] =	vst v0  }
0x1c: {  	[tilespmem:s31+$0x14140] =	vst v0  }
0x1d: {  	[tilespmem:s31+$0x14150] =	vst v0  }
0x1e: {  	[tilespmem:s31+$0x14160] =	vst v0;
	s31 =	sshra.s32 s0, $0x2;
	s0 =	sadd.s32 $0x200, s0  }
0x1f: {  	[tilespmem:s31+$0x14170] =	vst v0  }
0x20: {  	[tilespmem:s31+$0x14100] =	vst v0  }
0x21: {  	[tilespmem:s31+$0x14110] =	vst v0  }
0x22: {  	[tilespmem:s31+$0x14120] =	vst v0  }
0x23: {  	[tilespmem:s31+$0x14130] =	vst v0  }
0x24: {  	[tilespmem:s31+$0x14140] =	vst v0  }
0x25: {  	[tilespmem:s31+$0x14150] =	vst v0  }
0x26: {  	[tilespmem:s31+$0x14160] =	vst v0  }
0x27: {  	[spmem:s7] =	stream.linear.scatter [tilespmem:s23], [sflag:$0x2], $0x4000, $0x38;
	[tilespmem:$0x18100] =	vst v63  }
0x28: {  	_ =	swait.ge [sflag:s24], $0x4000  }
0x29: {  	[sflag:s24] =	ssyncset.done $0x0  }
0x2a: {  	[sflag:s24] =	ssyncadd.s32 $0xFFFFC000  }
0x2b: {  	[spmem:s10] =	stream.linear.scatter [tilespmem:s23], [sflag:$0x2], $0x4000, $0x38;
	[tilespmem:$0x18100] =	vst v63  }
0x2c: {  	_ =	swait.ge [sflag:s24], $0x4000  }
0x2d: {  	[sflag:s24] =	ssyncset.done $0x0  }
0x2e: {  	[sflag:s24] =	ssyncadd.s32 $0xFFFFC000  }
0x2f: {  	[spmem:s11] =	stream.linear.scatter [tilespmem:s23], [sflag:$0x2], $0x4000, $0x38;
	[tilespmem:$0x18100] =	vst v63  }
0x30: {  	_ =	swait.ge [sflag:s24], $0x4000  }
0x31: {  	[sflag:s24] =	ssyncset.done $0x0  }
0x32: {  	[sflag:s24] =	ssyncadd.s32 $0xFFFFC000  }
0x33: {  	[spmem:s12] =	stream.linear.scatter [tilespmem:s23], [sflag:$0x2], $0x4000, $0x38;
	[tilespmem:$0x18100] =	vst v63  }
0x34: {  	_ =	swait.ge [sflag:s24], $0x4000  }
0x35: {  	s0 =	simm.s32 $0x0;
	[sflag:s24] =	ssyncset.done $0x0  }
0x36: {  	s31 =	sand.u32 $0x3C00, s0;
	[sflag:s24] =	ssyncadd.s32 $0xFFFFC000  }
0x37: {  	[spmem:s13] =	stream.linear.scatter [tilespmem:s23], [sflag:$0x2], $0x4000, $0x38;
	[tilespmem:$0x18100] =	vst v63  }
0x38: {  	s0 =	sand.u32 $0x380, s0;
	s31 =	sadd.s32 s8, s31;
	_ =	swait.ge [sflag:s24], $0x4000  }
0x39: {  	s0 =	sor.u32 s0, s31;
	[sflag:s24] =	ssyncset.done $0x0  }
0x3a: {  	s0 =	sshrl.u32 s0, $0x3;
	[sflag:s24] =	ssyncadd.s32 $0xFFFFC000  }
0x3b: {  	s31 =	sadd.s32 s5, s0;
	[bflag:$0x0] =	sbarrier.arrive $0xFFFF  }
0x3c: {  	[tilespmem:s25], [sflag:$0x2] =	stream.linear.gather [hbm4b:s31+s2], $0x80, $0x38;
	[tilespmem:$0x18100] =	vst v63  }
0x3d: {  	_ =	swait.ge [sflag:s24], $0x80  }
0x3e: {  	[sflag:s24] =	ssyncset.done $0x0  }
0x3f: {  	s0 =	sadd.s32 s6, s0;
	[sflag:s24] =	ssyncadd.s32 $0xFFFFFF80  }
0x40: {  	[tilespmem:s26], [sflag:$0x2] =	stream.linear.gather [hbm4b:s0+s2], $0x80, $0x38;
	[tilespmem:$0x18100] =	vst v63  }
0x41: {  	_ =	swait.ge [sflag:s24], $0x80  }
0x42: {  	[sflag:s24] =	ssyncset.done $0x0  }
0x43: {  	[sflag:s24] =	ssyncadd.s32 $0xFFFFFF80  }
0x44: {  	[tilespmem:s23], [sflag:$0x1] =	stream.indirect.gather [hbm4b:s4+s28], $0x80, s25, s28, $0xb8;
	[tilespmem:$0x18100] =	vst v63  }
0x45: {  	_ =	swait.ge [sflag:s29], $0x4000  }
0x46: {  	s9 =	simm.s32 $0x80;
	[sflag:s29] =	ssyncset.done $0x0  }
0x47: {  	s31 =	sand.u32 $0x3C00, s9;
	[sflag:s29] =	ssyncadd.s32 $0xFFFFC000  }
0x48: {  	[spmem:s1] =	stream.indirect.scatter.add.f32 [tilespmem:s23], [sflag:$0x2], $0x80, s26, s28, $0xb8;
	[tilespmem:$0x18100] =	vst v63  }
0x49: {  	s3 =	sand.u32 $0x380, s9;
	s31 =	sadd.s32 s8, s31;
	_ =	swait.ge [sflag:s24], $0x4000  }
0x4a: {  	s31 =	sor.u32 s3, s31;
	s0 =	simm.s32 $0x100;
	[sflag:s24] =	ssyncset.done $0x0  }
.LBB2_4:
0x4b: {  	s3 =	sshrl.u32 s31, $0x3  }
0x4c: {  	[sflag:s24] =	ssyncadd.s32 $0xFFFFC000;
	s31 =	smov.u32 s0;
	s9 =	sadd.s32 $0x80, s0  }
0x4d: {  	p0 =	sne.s32 s0, $0x2700;
	s0 =	sadd.s32 s5, s3  }
0x4e: {  	[tilespmem:s25], [sflag:$0x2] =	stream.linear.gather [hbm4b:s0+s2], $0x80, $0x38;
	[tilespmem:$0x18100] =	vst v63  }
0x4f: {  	_ =	swait.ge [sflag:s24], $0x80  }
0x50: {  	[sflag:s24] =	ssyncset.done $0x0  }
0x51: {  	s0 =	sadd.s32 s6, s3;
	[sflag:s24] =	ssyncadd.s32 $0xFFFFFF80  }
0x52: {  	[tilespmem:s26], [sflag:$0x2] =	stream.linear.gather [hbm4b:s0+s2], $0x80, $0x38;
	[tilespmem:$0x18100] =	vst v63  }
0x53: {  	_ =	swait.ge [sflag:s24], $0x80  }
0x54: {  	[sflag:s24] =	ssyncset.done $0x0  }
0x55: {  	[sflag:s24] =	ssyncadd.s32 $0xFFFFFF80  }
0x56: {  	[tilespmem:s23], [sflag:$0x1] =	stream.indirect.gather [hbm4b:s4+s28], $0x80, s25, s28, $0xb8;
	[tilespmem:$0x18100] =	vst v63  }
0x57: {  	_ =	swait.ge [sflag:s29], $0x4000  }
.Ltmp1:
0x58: {  	[sflag:s29] =	ssyncset.done $0x0;
	(pc) =	sbr.rel @p0 .LBB2_4-.Ltmp1, $4  }
0x59: {  	s0 =	sand.u32 $0x3C00, s31;
	[sflag:s29] =	ssyncadd.s32 $0xFFFFC000  }
0x5a: {  	[spmem:s1] =	stream.indirect.scatter.add.f32 [tilespmem:s23], [sflag:$0x2], $0x80, s26, s28, $0xb8;
	[tilespmem:$0x18100] =	vst v63  }
0x5b: {  	s3 =	sand.u32 $0x380, s31;
	s0 =	sadd.s32 s8, s0;
	_ =	swait.ge [sflag:s24], $0x4000  }
0x5c: {  	s31 =	sor.u32 s3, s0;
	s0 =	smov.u32 s9;
	[sflag:s24] =	ssyncset.done $0x0  }
0x5d: {  	s0 =	sshrl.u32 s31, $0x3  }
0x5e: {  	[sflag:s24] =	ssyncadd.s32 $0xFFFFC000;
	s3 =	sadd.s32 s5, s0  }
0x5f: {  	[tilespmem:s25], [sflag:$0x2] =	stream.linear.gather [hbm4b:s3+s2], $0x80, $0x38;
	[tilespmem:$0x18100] =	vst v63  }
0x60: {  	_ =	swait.ge [sflag:s24], $0x80  }
0x61: {  	[sflag:s24] =	ssyncset.done $0x0  }
0x62: {  	s0 =	sadd.s32 s6, s0;
	[sflag:s24] =	ssyncadd.s32 $0xFFFFFF80  }
0x63: {  	[tilespmem:s26], [sflag:$0x2] =	stream.linear.gather [hbm4b:s0+s2], $0x80, $0x38;
	[tilespmem:$0x18100] =	vst v63  }
0x64: {  	_ =	swait.ge [sflag:s24], $0x80  }
0x65: {  	[sflag:s24] =	ssyncset.done $0x0  }
0x66: {  	[sflag:s24] =	ssyncadd.s32 $0xFFFFFF80  }
0x67: {  	[tilespmem:s23], [sflag:$0x1] =	stream.indirect.gather [hbm4b:s4+s28], $0x80, s25, s28, $0xb8;
	[tilespmem:$0x18100] =	vst v63  }
0x68: {  	_ =	swait.ge [sflag:s29], $0x4000  }
0x69: {  	[sflag:s29] =	ssyncset.done $0x0  }
0x6a: {  	[sflag:s29] =	ssyncadd.s32 $0xFFFFC000  }
0x6b: {  	[spmem:s1] =	stream.indirect.scatter.add.f32 [tilespmem:s23], [sflag:$0x2], $0x80, s26, s28, $0xb8;
	[tilespmem:$0x18100] =	vst v63  }
0x6c: {  	_ =	swait.ge [sflag:s24], $0x4000  }
0x6d: {  	[sflag:s24] =	ssyncset.done $0x0  }
0x6e: {  	[sflag:s24] =	ssyncadd.s32 $0xFFFFC000  }
0x6f: {  	[bflag:$0x0] =	sbarrier.arrive $0xFFFF  }
0x70: {  	[tilespmem:s23], [sflag:$0x2] =	stream.linear.gather [spmem:s7], $0x4000, $0x38;
	[tilespmem:$0x18100] =	vst v63  }
0x71: {  	_ =	swait.ge [sflag:s24], $0x4000  }
0x72: {  	[sflag:s24] =	ssyncset.done $0x0  }
0x73: {  	[sflag:s24] =	ssyncadd.s32 $0xFFFFC000  }
0x74: {  	[hbm4b:s14+s2] =	stream.linear.scatter [tilespmem:s23], [sflag:$0x2], $0x4000, $0x38;
	[tilespmem:$0x18100] =	vst v63  }
0x75: {  	_ =	swait.ge [sflag:s24], $0x4000  }
0x76: {  	[sflag:s24] =	ssyncset.done $0x0  }
0x77: {  	[sflag:s24] =	ssyncadd.s32 $0xFFFFC000  }
0x78: {  	[tilespmem:s23], [sflag:$0x2] =	stream.linear.gather [spmem:s15], $0x4000, $0x38;
	[tilespmem:$0x18100] =	vst v63  }
0x79: {  	_ =	swait.ge [sflag:s24], $0x4000  }
0x7a: {  	[sflag:s24] =	ssyncset.done $0x0  }
0x7b: {  	[sflag:s24] =	ssyncadd.s32 $0xFFFFC000  }
0x7c: {  	[hbm4b:s16+s2] =	stream.linear.scatter [tilespmem:s23], [sflag:$0x2], $0x4000, $0x38;
	[tilespmem:$0x18100] =	vst v63  }
0x7d: {  	_ =	swait.ge [sflag:s24], $0x4000  }
0x7e: {  	[sflag:s24] =	ssyncset.done $0x0  }
0x7f: {  	[sflag:s24] =	ssyncadd.s32 $0xFFFFC000  }
0x80: {  	[tilespmem:s23], [sflag:$0x2] =	stream.linear.gather [spmem:s17], $0x4000, $0x38;
	[tilespmem:$0x18100] =	vst v63  }
0x81: {  	_ =	swait.ge [sflag:s24], $0x4000  }
0x82: {  	[sflag:s24] =	ssyncset.done $0x0  }
0x83: {  	[sflag:s24] =	ssyncadd.s32 $0xFFFFC000  }
0x84: {  	[hbm4b:s18+s2] =	stream.linear.scatter [tilespmem:s23], [sflag:$0x2], $0x4000, $0x38;
	[tilespmem:$0x18100] =	vst v63  }
0x85: {  	_ =	swait.ge [sflag:s24], $0x4000  }
0x86: {  	[sflag:s24] =	ssyncset.done $0x0  }
0x87: {  	[sflag:s24] =	ssyncadd.s32 $0xFFFFC000  }
0x88: {  	[tilespmem:s23], [sflag:$0x2] =	stream.linear.gather [spmem:s19], $0x4000, $0x38;
	[tilespmem:$0x18100] =	vst v63  }
0x89: {  	_ =	swait.ge [sflag:s24], $0x4000  }
0x8a: {  	[sflag:s24] =	ssyncset.done $0x0  }
0x8b: {  	[sflag:s24] =	ssyncadd.s32 $0xFFFFC000  }
0x8c: {  	[hbm4b:s20+s2] =	stream.linear.scatter [tilespmem:s23], [sflag:$0x2], $0x4000, $0x38;
	[tilespmem:$0x18100] =	vst v63  }
0x8d: {  	_ =	swait.ge [sflag:s24], $0x4000  }
0x8e: {  	[sflag:s24] =	ssyncset.done $0x0  }
0x8f: {  	[sflag:s24] =	ssyncadd.s32 $0xFFFFC000  }
0x90: {  	[tilespmem:s23], [sflag:$0x2] =	stream.linear.gather [spmem:s21], $0x4000, $0x38;
	[tilespmem:$0x18100] =	vst v63  }
0x91: {  	_ =	swait.ge [sflag:s24], $0x4000  }
0x92: {  	[sflag:s24] =	ssyncset.done $0x0  }
0x93: {  	[sflag:s24] =	ssyncadd.s32 $0xFFFFC000  }
0x94: {  	[hbm4b:s22+s2] =	stream.linear.scatter [tilespmem:s23], [sflag:$0x2], $0x4000, $0x38;
	[tilespmem:$0x18100] =	vst v63  }
0x95: {  	_ =	swait.ge [sflag:s24], $0x4000  }
0x96: {  	s30 =	sadd.s32 $0x1, s30;
	s31 =	rddreg [dreg:$0x3]  }
0x97: {  	p0 =	sne.s32 s30, s31  }
.Ltmp2:
0x98: {  	_ = 	snop;
	(pc) =	sbr.rel @p0 .LBB2_1-.Ltmp2, $3  }
0x99: {  	_ =	sdelay $0x1  }
0x9a: {  	[sflag:s24] =	ssyncset.done $0x0  }
0x9b: {  	[sflag:s24] =	ssyncadd.s32 $0xFFFFC000  }
0x9c: {  	_ =	sfence.sel $0x180000  }
0x9d: {  	[bflag:$0x0] =	sbarrier.arrive $0xFFFF  }
0x9e: {  	_ =	strace $0x90000053  }
0x9f: {  	s0 =	stileid.u32;
	[bflag:$0x2] =	sbarrier.arrive $0xFFFF  }
0xa0: {  	p0 =	sne.s32 s0, $0x0;
	s0 =	rddreg [dreg:$0x2]  }
0xa1: {  	s0 =	sadd.s32 @!p0 $0x100000, s0  }
0xa2: {  	[sflag:s0] =	ssyncadd.tile.s32 @!p0 $0x1;
	_ =	shalt  }
.Lfunc_end2:
_tile_overlayer_lowered:
.L_overlay_start_2:
0xa3: {  	(tag) =	ssettag $0x2  }
0xa4: {  	s0 =	rddreg [dreg:$0x0];
	s2 =	stileid.u32  }
0xa5: {  	s1 =	rddreg [dreg:$0x1];
	p0 =	sne.s32 s2, $0x0  }
0xa6: {  	s3 =	rddreg [dreg:$0x2];
	[bflag:$0x3] =	sbarrier.arrive $0xFFFF;
	s2 =	simm.s32 @!p0 $0x1C02  }
0xa7: {  	[timem:s3], [sflag:s2] =	dma.local @!p0 [hbm:s0], s1  }
0xa8: {  	s0 =	simm.s32 @!p0 $0x2  }
0xa9: {  	_ =	swait.ge @!p0 [sflag:s0], s1  }
0xaa: {  	s1 =	ssub.s32 @!p0 $0x0, s1;
	[sflag:s0] =	ssyncset.done @!p0 $0x0  }
0xab: {  	[sflag:s0] =	ssyncadd.s32 @!p0 s1  }
0xac: {  	[bflag:$0x3] =	sbarrier.arrive $0xFFFF  }
0xad: {  	_ =	shalt  }

</sc_bundles>
